<compile_context>
chip_gen: v7x
topology: tpu7x:2x2x1
jax: 0.10.2.dev20260603
libtpu: 0.0.44.dev20260713+nightly
codegen_flags: <defaults>
</compile_context>

<pallas_src>
import functools

import jax
import jax.numpy as jnp
from jax import lax
from jax.experimental import pallas as pl
from jax.experimental.pallas import tpu as pltpu
from jax.experimental.pallas import tpu_sc as plsc

HIDDEN = 1024
LANES = 16
DRAIN_LAG = 3
ROWS_A = 1072
ROWS_B = 976


def _embed(table, idx_flat):
    n = idx_flat.shape[0]
    pair = ROWS_A + ROWS_B

    mesh = plsc.VectorSubcoreMesh(core_axis_name="c", subcore_axis_name="s")

    @functools.partial(
        pl.kernel,
        out_type=jax.ShapeDtypeStruct((n, HIDDEN), jnp.float32),
        mesh=mesh,
        scratch_types=[
            pltpu.VMEM((ROWS_A,), jnp.int32),
            pltpu.VMEM((2, HIDDEN), jnp.float32),
            pltpu.SemaphoreType.DMA,
        ],
    )
    def k(table_hbm, idx_hbm, out_hbm, idx_v, tab_v, sem):
        cid = lax.axis_index("c")
        sid = lax.axis_index("s")
        base = pl.multiple_of(
            sid * pair + jnp.where(cid == 1, ROWS_B, 0), 16
        )
        count = jnp.where(cid == 1, ROWS_A, ROWS_B)
        idx_cp = pltpu.make_async_copy(
            idx_hbm.at[pl.ds(base, ROWS_A)], idx_v, sem
        )
        tab_cp = pltpu.make_async_copy(table_hbm, tab_v, sem)
        idx_cp.start()
        tab_cp.start()
        idx_cp.wait()
        tab_cp.wait()

        def group_body(g, carry):
            segv = idx_v[pl.ds(g * LANES, LANES)]
            for rr in range(LANES):
                pltpu.make_async_copy(
                    tab_v.at[segv[rr]],
                    out_hbm.at[base + g * LANES + rr],
                    sem,
                ).start()

            @pl.when(g >= DRAIN_LAG)
            def _drain_prev():
                for _ in range(LANES):
                    pltpu.make_async_copy(
                        tab_v.at[0], out_hbm.at[base], sem
                    ).wait()

            return carry

        lax.fori_loop(0, count // LANES, group_body, 0)
        for _ in range(DRAIN_LAG * LANES):
            pltpu.make_async_copy(tab_v.at[0], out_hbm.at[base], sem).wait()

    return k(table, idx_flat)


def kernel(segments, table):
    b, s = segments.shape
    out = _embed(table, segments.reshape(b * s))
    return out.reshape(b, s, HIDDEN)

# --- scband reference (transcript-rebuilt; emitter-appended) ---
"""Pipeline reference for scband-segment-embedding-64278480552483 (READ-ONLY COPY).

The authoritative reference and input builder live on the scoring server;
editing this copy changes nothing except your own understanding.
"""

import jax, jax.numpy as jnp
import numpy as np

HIDDEN = 1024
BATCH = 4
SEQ = 8192

def setup_inputs(seed: int = 0) -> dict:
    key = jax.random.key(seed)
    k1, k2 = jax.random.split(key)
    segments = jax.random.randint(k1, (BATCH, SEQ), 0, 2, dtype=jnp.int64 if jax.config.jax_enable_x64 else jnp.int32).astype(jnp.int32)
    # nn.Embedding default init: N(0, 1)
    table = jax.random.normal(k2, (2, HIDDEN), dtype=jnp.float32)
    return {"segments": segments, "table": table}

def reference(segments, table):
    # Faithful translation of nn.Embedding lookup: out[b, s, :] = table[segments[b, s], :]
    return jnp.take(table, segments, axis=0)

if __name__ == "__main__":
    import jax
    _d = setup_inputs()
    print(jax.jit(kernel)(*tuple(_d.values())))

</pallas_src>

<mosaic_0001>
#map = affine_map<(d0, d1) -> (0, 0)>
#map1 = affine_map<(d0, d1) -> (0)>
module attributes {stable_mosaic.version = 14 : i64} {
  func.func @k(%arg0: i32, %arg1: i32, %arg2: memref<2x1024xf32, #tpu.memory_space<hbm>>, %arg3: memref<32768xi32, #tpu.memory_space<hbm>>, %arg4: memref<32768x1024xf32, #tpu.memory_space<hbm>>, %arg5: memref<1072xi32, #tpu.memory_space<vmem>>, %arg6: memref<2x1024xf32, #tpu.memory_space<vmem>>, %arg7: memref<!tpu.dma_semaphore, #tpu.memory_space<semaphore_mem>>) attributes {dimension_semantics = [#tpu.dimension_semantics<core_parallel>, #tpu.dimension_semantics<subcore_parallel>], iteration_bounds = array<i64: 2, 16>, scalar_prefetch = 0 : i64, scratch_operands = 3 : i64, tpu.core_type = #tpu.core_type<sc_vector_subcore>, window_params = [{transform_indices = #map}, {transform_indices = #map1}, {transform_indices = #map}]} {
    %mul3A = arith.constant 2048 : i32
    %mul3A_0 = arith.muli %arg1, %mul3A : i32
    %eq3A = arith.constant 1 : i32
    %eq3A_1 = arith.cmpi eq, %arg0, %eq3A : i32
    %jit3A = arith.constant 976 : i32
    %jit3A_2 = arith.constant 0 : i32
    %select_n3A = arith.select %eq3A_1, %jit3A, %jit3A_2 : i32
    %add3A = arith.addi %mul3A_0, %select_n3A : i32
    %multiple_of3A = tpu.assume_multiple %add3A, 16 : i32
    %eq3A_3 = arith.constant 1 : i32
    %eq3A_4 = arith.cmpi eq, %arg0, %eq3A_3 : i32
    %jit3A_5 = arith.constant 1072 : i32
    %jit3A_6 = arith.constant 976 : i32
    %select_n3A_7 = arith.select %eq3A_4, %jit3A_5, %jit3A_6 : i32
    %dma_start3A = tpu.memref_slice %arg3[%multiple_of3A] : memref<32768xi32, #tpu.memory_space<hbm>> -> memref<1072xi32, #tpu.memory_space<hbm>>
    %dma_start3A_8 = tpu.memref_slice %arg3[%multiple_of3A] : memref<32768xi32, #tpu.memory_space<hbm>> -> memref<1072xi32, #tpu.memory_space<hbm>>
    tpu.enqueue_dma source(%dma_start3A_8 : memref<1072xi32, #tpu.memory_space<hbm>>) target(%arg5 : memref<1072xi32, #tpu.memory_space<vmem>>) target_semaphore(%arg7 : memref<!tpu.dma_semaphore, #tpu.memory_space<semaphore_mem>>)
    tpu.enqueue_dma source(%arg2 : memref<2x1024xf32, #tpu.memory_space<hbm>>) target(%arg6 : memref<2x1024xf32, #tpu.memory_space<vmem>>) target_semaphore(%arg7 : memref<!tpu.dma_semaphore, #tpu.memory_space<semaphore_mem>>)
    %dma_wait3A = tpu.memref_slice %arg3[%multiple_of3A] : memref<32768xi32, #tpu.memory_space<hbm>> -> memref<1072xi32, #tpu.memory_space<hbm>>
    %dma_wait3A_9 = tpu.memref_slice %arg3[%multiple_of3A] : memref<32768xi32, #tpu.memory_space<hbm>> -> memref<1072xi32, #tpu.memory_space<hbm>>
    tpu.wait_dma2 semaphore(%arg7 : memref<!tpu.dma_semaphore, #tpu.memory_space<semaphore_mem>>) src(%dma_wait3A_9 : memref<1072xi32, #tpu.memory_space<hbm>>) dst(%arg5 : memref<1072xi32, #tpu.memory_space<vmem>>)
    tpu.wait_dma2 semaphore(%arg7 : memref<!tpu.dma_semaphore, #tpu.memory_space<semaphore_mem>>) src(%arg2 : memref<2x1024xf32, #tpu.memory_space<hbm>>) dst(%arg6 : memref<2x1024xf32, #tpu.memory_space<vmem>>)
    %jit3A_10 = arith.constant 16 : i32
    %div3A = arith.divsi %select_n3A_7, %jit3A_10 : i32
    %sign3A = arith.constant 0 : i32
    %sign3A_11 = arith.cmpi sgt, %select_n3A_7, %sign3A : i32
    %sign3A_12 = arith.extui %sign3A_11 : i1 to i32
    %sign3A_13 = arith.constant 0 : i32
    %sign3A_14 = arith.cmpi slt, %select_n3A_7, %sign3A_13 : i32
    %sign3A_15 = arith.extui %sign3A_14 : i1 to i32
    %sign3A_16 = arith.subi %sign3A_12, %sign3A_15 : i32
    %sign3A_17 = arith.constant 0 : i32
    %sign3A_18 = arith.cmpi sgt, %jit3A_10, %sign3A_17 : i32
    %sign3A_19 = arith.extui %sign3A_18 : i1 to i32
    %sign3A_20 = arith.constant 0 : i32
    %sign3A_21 = arith.cmpi slt, %jit3A_10, %sign3A_20 : i32
    %sign3A_22 = arith.extui %sign3A_21 : i1 to i32
    %sign3A_23 = arith.subi %sign3A_19, %sign3A_22 : i32
    %ne3A = arith.cmpi ne, %sign3A_16, %sign3A_23 : i32
    %rem3A = arith.remsi %select_n3A_7, %jit3A_10 : i32
    %ne3A_24 = arith.constant 0 : i32
    %ne3A_25 = arith.cmpi ne, %rem3A, %ne3A_24 : i32
    %and3A = arith.andi %ne3A, %ne3A_25 : i1
    %sub3A = arith.constant 1 : i32
    %sub3A_26 = arith.subi %div3A, %sub3A : i32
    %select_n3A_27 = arith.select %and3A, %sub3A_26, %div3A : i32
    %while3A = arith.constant 0 : i32
    %while3A_28 = arith.constant 0 : i32
    %while3A_29 = arith.subi %select_n3A_27, %while3A_28 : i32
    %while3A_30 = arith.addi %while3A_28, %while3A_29 : i32
    %while3A_31 = arith.constant 1 : i32
    %while3A_32 = arith.divsi %while3A_29, %while3A_31 : i32
    %while3A_33 = arith.muli %while3A_32, %while3A_31 : i32
    %while3A_34 = arith.addi %while3A_28, %while3A_33 : i32
    %while3A_35 = arith.constant 1 : i32
    scf.for %while3A_661 = %while3A_28 to %while3A_34 step %while3A_35  : i32 {
      %mul3A_662 = arith.constant 16 : i32
      %mul3A_663 = arith.muli %while3A_661, %mul3A_662 : i32
      %get3A = arith.index_cast %mul3A_663 : i32 to index
      %get3A_664 = tpu.vector_load %arg5[%get3A] {strides = array<i32>} : memref<1072xi32, #tpu.memory_space<vmem>>, vector<16xi32>,
      %get3A_665 = vector.shape_cast %get3A_664 : vector<16xi32> to vector<16xi32>
      %slice3A = vector.extract_strided_slice %get3A_665 {offsets = [0], sizes = [1], strides = [1]} : vector<16xi32> to vector<1xi32>
      %squeeze3A = vector.extract %slice3A[0] : i32 from vector<1xi32>
      %mul3A_666 = arith.constant 16 : i32
      %mul3A_667 = arith.muli %while3A_661, %mul3A_666 : i32
      %add3A_668 = arith.addi %multiple_of3A, %mul3A_667 : i32
      %add3A_669 = arith.constant 0 : i32
      %add3A_670 = arith.addi %add3A_668, %add3A_669 : i32
      %dma_start3A_671 = arith.constant 0 : i32
      %dma_start3A_672 = tpu.memref_slice %arg6[%squeeze3A, %dma_start3A_671] : memref<2x1024xf32, #tpu.memory_space<vmem>> -> memref<1x1024xf32, #tpu.memory_space<vmem>>
      %dma_start3A_673 = tpu.memref_squeeze %dma_start3A_672 : memref<1x1024xf32, #tpu.memory_space<vmem>> -> memref<1024xf32, #tpu.memory_space<vmem>>
      %dma_start3A_674 = arith.constant 0 : i32
      %dma_start3A_675 = tpu.memref_slice %arg4[%add3A_670, %dma_start3A_674] : memref<32768x1024xf32, #tpu.memory_space<hbm>> -> memref<1x1024xf32, #tpu.memory_space<hbm>>
      %dma_start3A_676 = tpu.memref_squeeze %dma_start3A_675 : memref<1x1024xf32, #tpu.memory_space<hbm>> -> memref<1024xf32, #tpu.memory_space<hbm>>
      %dma_start3A_677 = arith.constant 0 : i32
      %dma_start3A_678 = tpu.memref_slice %arg4[%add3A_670, %dma_start3A_677] : memref<32768x1024xf32, #tpu.memory_space<hbm>> -> memref<1x1024xf32, #tpu.memory_space<hbm>>
      %dma_start3A_679 = tpu.memref_squeeze %dma_start3A_678 : memref<1x1024xf32, #tpu.memory_space<hbm>> -> memref<1024xf32, #tpu.memory_space<hbm>>
      %dma_start3A_680 = arith.constant 0 : i32
      %dma_start3A_681 = tpu.memref_slice %arg6[%squeeze3A, %dma_start3A_680] : memref<2x1024xf32, #tpu.memory_space<vmem>> -> memref<1x1024xf32, #tpu.memory_space<vmem>>
      %dma_start3A_682 = tpu.memref_squeeze %dma_start3A_681 : memref<1x1024xf32, #tpu.memory_space<vmem>> -> memref<1024xf32, #tpu.memory_space<vmem>>
      tpu.enqueue_dma source(%dma_start3A_682 : memref<1024xf32, #tpu.memory_space<vmem>>) target(%dma_start3A_679 : memref<1024xf32, #tpu.memory_space<hbm>>) target_semaphore(%arg7 : memref<!tpu.dma_semaphore, #tpu.memory_space<semaphore_mem>>)
      %slice3A_683 = vector.extract_strided_slice %get3A_665 {offsets = [1], sizes = [1], strides = [1]} : vector<16xi32> to vector<1xi32>
      %squeeze3A_684 = vector.extract %slice3A_683[0] : i32 from vector<1xi32>
      %mul3A_685 = arith.constant 16 : i32
      %mul3A_686 = arith.muli %while3A_661, %mul3A_685 : i32
      %add3A_687 = arith.addi %multiple_of3A, %mul3A_686 : i32
      %add3A_688 = arith.constant 1 : i32
      %add3A_689 = arith.addi %add3A_687, %add3A_688 : i32
      %dma_start3A_690 = arith.constant 0 : i32
      %dma_start3A_691 = tpu.memref_slice %arg6[%squeeze3A_684, %dma_start3A_690] : memref<2x1024xf32, #tpu.memory_space<vmem>> -> memref<1x1024xf32, #tpu.memory_space<vmem>>
      %dma_start3A_692 = tpu.memref_squeeze %dma_start3A_691 : memref<1x1024xf32, #tpu.memory_space<vmem>> -> memref<1024xf32, #tpu.memory_space<vmem>>
      %dma_start3A_693 = arith.constant 0 : i32
      %dma_start3A_694 = tpu.memref_slice %arg4[%add3A_689, %dma_start3A_693] : memref<32768x1024xf32, #tpu.memory_space<hbm>> -> memref<1x1024xf32, #tpu.memory_space<hbm>>
      %dma_start3A_695 = tpu.memref_squeeze %dma_start3A_694 : memref<1x1024xf32, #tpu.memory_space<hbm>> -> memref<1024xf32, #tpu.memory_space<hbm>>
      %dma_start3A_696 = arith.constant 0 : i32
      %dma_start3A_697 = tpu.memref_slice %arg4[%add3A_689, %dma_start3A_696] : memref<32768x1024xf32, #tpu.memory_space<hbm>> -> memref<1x1024xf32, #tpu.memory_space<hbm>>
      %dma_start3A_698 = tpu.memref_squeeze %dma_start3A_697 : memref<1x1024xf32, #tpu.memory_space<hbm>> -> memref<1024xf32, #tpu.memory_space<hbm>>
      %dma_start3A_699 = arith.constant 0 : i32
      %dma_start3A_700 = tpu.memref_slice %arg6[%squeeze3A_684, %dma_start3A_699] : memref<2x1024xf32, #tpu.memory_space<vmem>> -> memref<1x1024xf32, #tpu.memory_space<vmem>>
      %dma_start3A_701 = tpu.memref_squeeze %dma_start3A_700 : memref<1x1024xf32, #tpu.memory_space<vmem>> -> memref<1024xf32, #tpu.memory_space<vmem>>
      tpu.enqueue_dma source(%dma_start3A_701 : memref<1024xf32, #tpu.memory_space<vmem>>) target(%dma_start3A_698 : memref<1024xf32, #tpu.memory_space<hbm>>) target_semaphore(%arg7 : memref<!tpu.dma_semaphore, #tpu.memory_space<semaphore_mem>>)
      %slice3A_702 = vector.extract_strided_slice %get3A_665 {offsets = [2], sizes = [1], strides = [1]} : vector<16xi32> to vector<1xi32>
      %squeeze3A_703 = vector.extract %slice3A_702[0] : i32 from vector<1xi32>
      %mul3A_704 = arith.constant 16 : i32
      %mul3A_705 = arith.muli %while3A_661, %mul3A_704 : i32
      %add3A_706 = arith.addi %multiple_of3A, %mul3A_705 : i32
      %add3A_707 = arith.constant 2 : i32
      %add3A_708 = arith.addi %add3A_706, %add3A_707 : i32
      %dma_start3A_709 = arith.constant 0 : i32
      %dma_start3A_710 = tpu.memref_slice %arg6[%squeeze3A_703, %dma_start3A_709] : memref<2x1024xf32, #tpu.memory_space<vmem>> -> memref<1x1024xf32, #tpu.memory_space<vmem>>
      %dma_start3A_711 = tpu.memref_squeeze %dma_start3A_710 : memref<1x1024xf32, #tpu.memory_space<vmem>> -> memref<1024xf32, #tpu.memory_space<vmem>>
      %dma_start3A_712 = arith.constant 0 : i32
      %dma_start3A_713 = tpu.memref_slice %arg4[%add3A_708, %dma_start3A_712] : memref<32768x1024xf32, #tpu.memory_space<hbm>> -> memref<1x1024xf32, #tpu.memory_space<hbm>>
      %dma_start3A_714 = tpu.memref_squeeze %dma_start3A_713 : memref<1x1024xf32, #tpu.memory_space<hbm>> -> memref<1024xf32, #tpu.memory_space<hbm>>
      %dma_start3A_715 = arith.constant 0 : i32
      %dma_start3A_716 = tpu.memref_slice %arg4[%add3A_708, %dma_start3A_715] : memref<32768x1024xf32, #tpu.memory_space<hbm>> -> memref<1x1024xf32, #tpu.memory_space<hbm>>
      %dma_start3A_717 = tpu.memref_squeeze %dma_start3A_716 : memref<1x1024xf32, #tpu.memory_space<hbm>> -> memref<1024xf32, #tpu.memory_space<hbm>>
      %dma_start3A_718 = arith.constant 0 : i32
      %dma_start3A_719 = tpu.memref_slice %arg6[%squeeze3A_703, %dma_start3A_718] : memref<2x1024xf32, #tpu.memory_space<vmem>> -> memref<1x1024xf32, #tpu.memory_space<vmem>>
      %dma_start3A_720 = tpu.memref_squeeze %dma_start3A_719 : memref<1x1024xf32, #tpu.memory_space<vmem>> -> memref<1024xf32, #tpu.memory_space<vmem>>
      tpu.enqueue_dma source(%dma_start3A_720 : memref<1024xf32, #tpu.memory_space<vmem>>) target(%dma_start3A_717 : memref<1024xf32, #tpu.memory_space<hbm>>) target_semaphore(%arg7 : memref<!tpu.dma_semaphore, #tpu.memory_space<semaphore_mem>>)
      %slice3A_721 = vector.extract_strided_slice %get3A_665 {offsets = [3], sizes = [1], strides = [1]} : vector<16xi32> to vector<1xi32>
      %squeeze3A_722 = vector.extract %slice3A_721[0] : i32 from vector<1xi32>
      %mul3A_723 = arith.constant 16 : i32
      %mul3A_724 = arith.muli %while3A_661, %mul3A_723 : i32
      %add3A_725 = arith.addi %multiple_of3A, %mul3A_724 : i32
      %add3A_726 = arith.constant 3 : i32
      %add3A_727 = arith.addi %add3A_725, %add3A_726 : i32
      %dma_start3A_728 = arith.constant 0 : i32
      %dma_start3A_729 = tpu.memref_slice %arg6[%squeeze3A_722, %dma_start3A_728] : memref<2x1024xf32, #tpu.memory_space<vmem>> -> memref<1x1024xf32, #tpu.memory_space<vmem>>
      %dma_start3A_730 = tpu.memref_squeeze %dma_start3A_729 : memref<1x1024xf32, #tpu.memory_space<vmem>> -> memref<1024xf32, #tpu.memory_space<vmem>>
      %dma_start3A_731 = arith.constant 0 : i32
      %dma_start3A_732 = tpu.memref_slice %arg4[%add3A_727, %dma_start3A_731] : memref<32768x1024xf32, #tpu.memory_space<hbm>> -> memref<1x1024xf32, #tpu.memory_space<hbm>>
      %dma_start3A_733 = tpu.memref_squeeze %dma_start3A_732 : memref<1x1024xf32, #tpu.memory_space<hbm>> -> memref<1024xf32, #tpu.memory_space<hbm>>
      %dma_start3A_734 = arith.constant 0 : i32
      %dma_start3A_735 = tpu.memref_slice %arg4[%add3A_727, %dma_start3A_734] : memref<32768x1024xf32, #tpu.memory_space<hbm>> -> memref<1x1024xf32, #tpu.memory_space<hbm>>
      %dma_start3A_736 = tpu.memref_squeeze %dma_start3A_735 : memref<1x1024xf32, #tpu.memory_space<hbm>> -> memref<1024xf32, #tpu.memory_space<hbm>>
      %dma_start3A_737 = arith.constant 0 : i32
      %dma_start3A_738 = tpu.memref_slice %arg6[%squeeze3A_722, %dma_start3A_737] : memref<2x1024xf32, #tpu.memory_space<vmem>> -> memref<1x1024xf32, #tpu.memory_space<vmem>>
      %dma_start3A_739 = tpu.memref_squeeze %dma_start3A_738 : memref<1x1024xf32, #tpu.memory_space<vmem>> -> memref<1024xf32, #tpu.memory_space<vmem>>
      tpu.enqueue_dma source(%dma_start3A_739 : memref<1024xf32, #tpu.memory_space<vmem>>) target(%dma_start3A_736 : memref<1024xf32, #tpu.memory_space<hbm>>) target_semaphore(%arg7 : memref<!tpu.dma_semaphore, #tpu.memory_space<semaphore_mem>>)
      %slice3A_740 = vector.extract_strided_slice %get3A_665 {offsets = [4], sizes = [1], strides = [1]} : vector<16xi32> to vector<1xi32>
      %squeeze3A_741 = vector.extract %slice3A_740[0] : i32 from vector<1xi32>
      %mul3A_742 = arith.constant 16 : i32
      %mul3A_743 = arith.muli %while3A_661, %mul3A_742 : i32
      %add3A_744 = arith.addi %multiple_of3A, %mul3A_743 : i32
      %add3A_745 = arith.constant 4 : i32
      %add3A_746 = arith.addi %add3A_744, %add3A_745 : i32
      %dma_start3A_747 = arith.constant 0 : i32
      %dma_start3A_748 = tpu.memref_slice %arg6[%squeeze3A_741, %dma_start3A_747] : memref<2x1024xf32, #tpu.memory_space<vmem>> -> memref<1x1024xf32, #tpu.memory_space<vmem>>
      %dma_start3A_749 = tpu.memref_squeeze %dma_start3A_748 : memref<1x1024xf32, #tpu.memory_space<vmem>> -> memref<1024xf32, #tpu.memory_space<vmem>>
      %dma_start3A_750 = arith.constant 0 : i32
      %dma_start3A_751 = tpu.memref_slice %arg4[%add3A_746, %dma_start3A_750] : memref<32768x1024xf32, #tpu.memory_space<hbm>> -> memref<1x1024xf32, #tpu.memory_space<hbm>>
      %dma_start3A_752 = tpu.memref_squeeze %dma_start3A_751 : memref<1x1024xf32, #tpu.memory_space<hbm>> -> memref<1024xf32, #tpu.memory_space<hbm>>
      %dma_start3A_753 = arith.constant 0 : i32
      %dma_start3A_754 = tpu.memref_slice %arg4[%add3A_746, %dma_start3A_753] : memref<32768x1024xf32, #tpu.memory_space<hbm>> -> memref<1x1024xf32, #tpu.memory_space<hbm>>
      %dma_start3A_755 = tpu.memref_squeeze %dma_start3A_754 : memref<1x1024xf32, #tpu.memory_space<hbm>> -> memref<1024xf32, #tpu.memory_space<hbm>>
      %dma_start3A_756 = arith.constant 0 : i32
      %dma_start3A_757 = tpu.memref_slice %arg6[%squeeze3A_741, %dma_start3A_756] : memref<2x1024xf32, #tpu.memory_space<vmem>> -> memref<1x1024xf32, #tpu.memory_space<vmem>>
      %dma_start3A_758 = tpu.memref_squeeze %dma_start3A_757 : memref<1x1024xf32, #tpu.memory_space<vmem>> -> memref<1024xf32, #tpu.memory_space<vmem>>
      tpu.enqueue_dma source(%dma_start3A_758 : memref<1024xf32, #tpu.memory_space<vmem>>) target(%dma_start3A_755 : memref<1024xf32, #tpu.memory_space<hbm>>) target_semaphore(%arg7 : memref<!tpu.dma_semaphore, #tpu.memory_space<semaphore_mem>>)
      %slice3A_759 = vector.extract_strided_slice %get3A_665 {offsets = [5], sizes = [1], strides = [1]} : vector<16xi32> to vector<1xi32>
      %squeeze3A_760 = vector.extract %slice3A_759[0] : i32 from vector<1xi32>
      %mul3A_761 = arith.constant 16 : i32
      %mul3A_762 = arith.muli %while3A_661, %mul3A_761 : i32
      %add3A_763 = arith.addi %multiple_of3A, %mul3A_762 : i32
      %add3A_764 = arith.constant 5 : i32
      %add3A_765 = arith.addi %add3A_763, %add3A_764 : i32
      %dma_start3A_766 = arith.constant 0 : i32
      %dma_start3A_767 = tpu.memref_slice %arg6[%squeeze3A_760, %dma_start3A_766] : memref<2x1024xf32, #tpu.memory_space<vmem>> -> memref<1x1024xf32, #tpu.memory_space<vmem>>
      %dma_start3A_768 = tpu.memref_squeeze %dma_start3A_767 : memref<1x1024xf32, #tpu.memory_space<vmem>> -> memref<1024xf32, #tpu.memory_space<vmem>>
      %dma_start3A_769 = arith.constant 0 : i32
      %dma_start3A_770 = tpu.memref_slice %arg4[%add3A_765, %dma_start3A_769] : memref<32768x1024xf32, #tpu.memory_space<hbm>> -> memref<1x1024xf32, #tpu.memory_space<hbm>>
      %dma_start3A_771 = tpu.memref_squeeze %dma_start3A_770 : memref<1x1024xf32, #tpu.memory_space<hbm>> -> memref<1024xf32, #tpu.memory_space<hbm>>
      %dma_start3A_772 = arith.constant 0 : i32
      %dma_start3A_773 = tpu.memref_slice %arg4[%add3A_765, %dma_start3A_772] : memref<32768x1024xf32, #tpu.memory_space<hbm>> -> memref<1x1024xf32, #tpu.memory_space<hbm>>
      %dma_start3A_774 = tpu.memref_squeeze %dma_start3A_773 : memref<1x1024xf32, #tpu.memory_space<hbm>> -> memref<1024xf32, #tpu.memory_space<hbm>>
      %dma_start3A_775 = arith.constant 0 : i32
      %dma_start3A_776 = tpu.memref_slice %arg6[%squeeze3A_760, %dma_start3A_775] : memref<2x1024xf32, #tpu.memory_space<vmem>> -> memref<1x1024xf32, #tpu.memory_space<vmem>>
      %dma_start3A_777 = tpu.memref_squeeze %dma_start3A_776 : memref<1x1024xf32, #tpu.memory_space<vmem>> -> memref<1024xf32, #tpu.memory_space<vmem>>
      tpu.enqueue_dma source(%dma_start3A_777 : memref<1024xf32, #tpu.memory_space<vmem>>) target(%dma_start3A_774 : memref<1024xf32, #tpu.memory_space<hbm>>) target_semaphore(%arg7 : memref<!tpu.dma_semaphore, #tpu.memory_space<semaphore_mem>>)
      %slice3A_778 = vector.extract_strided_slice %get3A_665 {offsets = [6], sizes = [1], strides = [1]} : vector<16xi32> to vector<1xi32>
      %squeeze3A_779 = vector.extract %slice3A_778[0] : i32 from vector<1xi32>
      %mul3A_780 = arith.constant 16 : i32
      %mul3A_781 = arith.muli %while3A_661, %mul3A_780 : i32
      %add3A_782 = arith.addi %multiple_of3A, %mul3A_781 : i32
      %add3A_783 = arith.constant 6 : i32
      %add3A_784 = arith.addi %add3A_782, %add3A_783 : i32
      %dma_start3A_785 = arith.constant 0 : i32
      %dma_start3A_786 = tpu.memref_slice %arg6[%squeeze3A_779, %dma_start3A_785] : memref<2x1024xf32, #tpu.memory_space<vmem>> -> memref<1x1024xf32, #tpu.memory_space<vmem>>
      %dma_start3A_787 = tpu.memref_squeeze %dma_start3A_786 : memref<1x1024xf32, #tpu.memory_space<vmem>> -> memref<1024xf32, #tpu.memory_space<vmem>>
      %dma_start3A_788 = arith.constant 0 : i32
      %dma_start3A_789 = tpu.memref_slice %arg4[%add3A_784, %dma_start3A_788] : memref<32768x1024xf32, #tpu.memory_space<hbm>> -> memref<1x1024xf32, #tpu.memory_space<hbm>>
      %dma_start3A_790 = tpu.memref_squeeze %dma_start3A_789 : memref<1x1024xf32, #tpu.memory_space<hbm>> -> memref<1024xf32, #tpu.memory_space<hbm>>
      %dma_start3A_791 = arith.constant 0 : i32
      %dma_start3A_792 = tpu.memref_slice %arg4[%add3A_784, %dma_start3A_791] : memref<32768x1024xf32, #tpu.memory_space<hbm>> -> memref<1x1024xf32, #tpu.memory_space<hbm>>
      %dma_start3A_793 = tpu.memref_squeeze %dma_start3A_792 : memref<1x1024xf32, #tpu.memory_space<hbm>> -> memref<1024xf32, #tpu.memory_space<hbm>>
      %dma_start3A_794 = arith.constant 0 : i32
      %dma_start3A_795 = tpu.memref_slice %arg6[%squeeze3A_779, %dma_start3A_794] : memref<2x1024xf32, #tpu.memory_space<vmem>> -> memref<1x1024xf32, #tpu.memory_space<vmem>>
      %dma_start3A_796 = tpu.memref_squeeze %dma_start3A_795 : memref<1x1024xf32, #tpu.memory_space<vmem>> -> memref<1024xf32, #tpu.memory_space<vmem>>
      tpu.enqueue_dma source(%dma_start3A_796 : memref<1024xf32, #tpu.memory_space<vmem>>) target(%dma_start3A_793 : memref<1024xf32, #tpu.memory_space<hbm>>) target_semaphore(%arg7 : memref<!tpu.dma_semaphore, #tpu.memory_space<semaphore_mem>>)
      %slice3A_797 = vector.extract_strided_slice %get3A_665 {offsets = [7], sizes = [1], strides = [1]} : vector<16xi32> to vector<1xi32>
      %squeeze3A_798 = vector.extract %slice3A_797[0] : i32 from vector<1xi32>
      %mul3A_799 = arith.constant 16 : i32
      %mul3A_800 = arith.muli %while3A_661, %mul3A_799 : i32
      %add3A_801 = arith.addi %multiple_of3A, %mul3A_800 : i32
      %add3A_802 = arith.constant 7 : i32
      %add3A_803 = arith.addi %add3A_801, %add3A_802 : i32
      %dma_start3A_804 = arith.constant 0 : i32
      %dma_start3A_805 = tpu.memref_slice %arg6[%squeeze3A_798, %dma_start3A_804] : memref<2x1024xf32, #tpu.memory_space<vmem>> -> memref<1x1024xf32, #tpu.memory_space<vmem>>
      %dma_start3A_806 = tpu.memref_squeeze %dma_start3A_805 : memref<1x1024xf32, #tpu.memory_space<vmem>> -> memref<1024xf32, #tpu.memory_space<vmem>>
      %dma_start3A_807 = arith.constant 0 : i32
      %dma_start3A_808 = tpu.memref_slice %arg4[%add3A_803, %dma_start3A_807] : memref<32768x1024xf32, #tpu.memory_space<hbm>> -> memref<1x1024xf32, #tpu.memory_space<hbm>>
      %dma_start3A_809 = tpu.memref_squeeze %dma_start3A_808 : memref<1x1024xf32, #tpu.memory_space<hbm>> -> memref<1024xf32, #tpu.memory_space<hbm>>
      %dma_start3A_810 = arith.constant 0 : i32
      %dma_start3A_811 = tpu.memref_slice %arg4[%add3A_803, %dma_start3A_810] : memref<32768x1024xf32, #tpu.memory_space<hbm>> -> memref<1x1024xf32, #tpu.memory_space<hbm>>
      %dma_start3A_812 = tpu.memref_squeeze %dma_start3A_811 : memref<1x1024xf32, #tpu.memory_space<hbm>> -> memref<1024xf32, #tpu.memory_space<hbm>>
      %dma_start3A_813 = arith.constant 0 : i32
      %dma_start3A_814 = tpu.memref_slice %arg6[%squeeze3A_798, %dma_start3A_813] : memref<2x1024xf32, #tpu.memory_space<vmem>> -> memref<1x1024xf32, #tpu.memory_space<vmem>>
      %dma_start3A_815 = tpu.memref_squeeze %dma_start3A_814 : memref<1x1024xf32, #tpu.memory_space<vmem>> -> memref<1024xf32, #tpu.memory_space<vmem>>
      tpu.enqueue_dma source(%dma_start3A_815 : memref<1024xf32, #tpu.memory_space<vmem>>) target(%dma_start3A_812 : memref<1024xf32, #tpu.memory_space<hbm>>) target_semaphore(%arg7 : memref<!tpu.dma_semaphore, #tpu.memory_space<semaphore_mem>>)
      %slice3A_816 = vector.extract_strided_slice %get3A_665 {offsets = [8], sizes = [1], strides = [1]} : vector<16xi32> to vector<1xi32>
      %squeeze3A_817 = vector.extract %slice3A_816[0] : i32 from vector<1xi32>
      %mul3A_818 = arith.constant 16 : i32
      %mul3A_819 = arith.muli %while3A_661, %mul3A_818 : i32
      %add3A_820 = arith.addi %multiple_of3A, %mul3A_819 : i32
      %add3A_821 = arith.constant 8 : i32
      %add3A_822 = arith.addi %add3A_820, %add3A_821 : i32
      %dma_start3A_823 = arith.constant 0 : i32
      %dma_start3A_824 = tpu.memref_slice %arg6[%squeeze3A_817, %dma_start3A_823] : memref<2x1024xf32, #tpu.memory_space<vmem>> -> memref<1x1024xf32, #tpu.memory_space<vmem>>
      %dma_start3A_825 = tpu.memref_squeeze %dma_start3A_824 : memref<1x1024xf32, #tpu.memory_space<vmem>> -> memref<1024xf32, #tpu.memory_space<vmem>>
      %dma_start3A_826 = arith.constant 0 : i32
      %dma_start3A_827 = tpu.memref_slice %arg4[%add3A_822, %dma_start3A_826] : memref<32768x1024xf32, #tpu.memory_space<hbm>> -> memref<1x1024xf32, #tpu.memory_space<hbm>>
      %dma_start3A_828 = tpu.memref_squeeze %dma_start3A_827 : memref<1x1024xf32, #tpu.memory_space<hbm>> -> memref<1024xf32, #tpu.memory_space<hbm>>
      %dma_start3A_829 = arith.constant 0 : i32
      %dma_start3A_830 = tpu.memref_slice %arg4[%add3A_822, %dma_start3A_829] : memref<32768x1024xf32, #tpu.memory_space<hbm>> -> memref<1x1024xf32, #tpu.memory_space<hbm>>
      %dma_start3A_831 = tpu.memref_squeeze %dma_start3A_830 : memref<1x1024xf32, #tpu.memory_space<hbm>> -> memref<1024xf32, #tpu.memory_space<hbm>>
      %dma_start3A_832 = arith.constant 0 : i32
      %dma_start3A_833 = tpu.memref_slice %arg6[%squeeze3A_817, %dma_start3A_832] : memref<2x1024xf32, #tpu.memory_space<vmem>> -> memref<1x1024xf32, #tpu.memory_space<vmem>>
      %dma_start3A_834 = tpu.memref_squeeze %dma_start3A_833 : memref<1x1024xf32, #tpu.memory_space<vmem>> -> memref<1024xf32, #tpu.memory_space<vmem>>
      tpu.enqueue_dma source(%dma_start3A_834 : memref<1024xf32, #tpu.memory_space<vmem>>) target(%dma_start3A_831 : memref<1024xf32, #tpu.memory_space<hbm>>) target_semaphore(%arg7 : memref<!tpu.dma_semaphore, #tpu.memory_space<semaphore_mem>>)
      %slice3A_835 = vector.extract_strided_slice %get3A_665 {offsets = [9], sizes = [1], strides = [1]} : vector<16xi32> to vector<1xi32>
      %squeeze3A_836 = vector.extract %slice3A_835[0] : i32 from vector<1xi32>
      %mul3A_837 = arith.constant 16 : i32
      %mul3A_838 = arith.muli %while3A_661, %mul3A_837 : i32
      %add3A_839 = arith.addi %multiple_of3A, %mul3A_838 : i32
      %add3A_840 = arith.constant 9 : i32
      %add3A_841 = arith.addi %add3A_839, %add3A_840 : i32
      %dma_start3A_842 = arith.constant 0 : i32
      %dma_start3A_843 = tpu.memref_slice %arg6[%squeeze3A_836, %dma_start3A_842] : memref<2x1024xf32, #tpu.memory_space<vmem>> -> memref<1x1024xf32, #tpu.memory_space<vmem>>
      %dma_start3A_844 = tpu.memref_squeeze %dma_start3A_843 : memref<1x1024xf32, #tpu.memory_space<vmem>> -> memref<1024xf32, #tpu.memory_space<vmem>>
      %dma_start3A_845 = arith.constant 0 : i32
      %dma_start3A_846 = tpu.memref_slice %arg4[%add3A_841, %dma_start3A_845] : memref<32768x1024xf32, #tpu.memory_space<hbm>> -> memref<1x1024xf32, #tpu.memory_space<hbm>>
      %dma_start3A_847 = tpu.memref_squeeze %dma_start3A_846 : memref<1x1024xf32, #tpu.memory_space<hbm>> -> memref<1024xf32, #tpu.memory_space<hbm>>
      %dma_start3A_848 = arith.constant 0 : i32
      %dma_start3A_849 = tpu.memref_slice %arg4[%add3A_841, %dma_start3A_848] : memref<32768x1024xf32, #tpu.memory_space<hbm>> -> memref<1x1024xf32, #tpu.memory_space<hbm>>
      %dma_start3A_850 = tpu.memref_squeeze %dma_start3A_849 : memref<1x1024xf32, #tpu.memory_space<hbm>> -> memref<1024xf32, #tpu.memory_space<hbm>>
      %dma_start3A_851 = arith.constant 0 : i32
      %dma_start3A_852 = tpu.memref_slice %arg6[%squeeze3A_836, %dma_start3A_851] : memref<2x1024xf32, #tpu.memory_space<vmem>> -> memref<1x1024xf32, #tpu.memory_space<vmem>>
      %dma_start3A_853 = tpu.memref_squeeze %dma_start3A_852 : memref<1x1024xf32, #tpu.memory_space<vmem>> -> memref<1024xf32, #tpu.memory_space<vmem>>
      tpu.enqueue_dma source(%dma_start3A_853 : memref<1024xf32, #tpu.memory_space<vmem>>) target(%dma_start3A_850 : memref<1024xf32, #tpu.memory_space<hbm>>) target_semaphore(%arg7 : memref<!tpu.dma_semaphore, #tpu.memory_space<semaphore_mem>>)
      %slice3A_854 = vector.extract_strided_slice %get3A_665 {offsets = [10], sizes = [1], strides = [1]} : vector<16xi32> to vector<1xi32>
      %squeeze3A_855 = vector.extract %slice3A_854[0] : i32 from vector<1xi32>
      %mul3A_856 = arith.constant 16 : i32
      %mul3A_857 = arith.muli %while3A_661, %mul3A_856 : i32
      %add3A_858 = arith.addi %multiple_of3A, %mul3A_857 : i32
      %add3A_859 = arith.constant 10 : i32
      %add3A_860 = arith.addi %add3A_858, %add3A_859 : i32
      %dma_start3A_861 = arith.constant 0 : i32
      %dma_start3A_862 = tpu.memref_slice %arg6[%squeeze3A_855, %dma_start3A_861] : memref<2x1024xf32, #tpu.memory_space<vmem>> -> memref<1x1024xf32, #tpu.memory_space<vmem>>
      %dma_start3A_863 = tpu.memref_squeeze %dma_start3A_862 : memref<1x1024xf32, #tpu.memory_space<vmem>> -> memref<1024xf32, #tpu.memory_space<vmem>>
      %dma_start3A_864 = arith.constant 0 : i32
      %dma_start3A_865 = tpu.memref_slice %arg4[%add3A_860, %dma_start3A_864] : memref<32768x1024xf32, #tpu.memory_space<hbm>> -> memref<1x1024xf32, #tpu.memory_space<hbm>>
      %dma_start3A_866 = tpu.memref_squeeze %dma_start3A_865 : memref<1x1024xf32, #tpu.memory_space<hbm>> -> memref<1024xf32, #tpu.memory_space<hbm>>
      %dma_start3A_867 = arith.constant 0 : i32
      %dma_start3A_868 = tpu.memref_slice %arg4[%add3A_860, %dma_start3A_867] : memref<32768x1024xf32, #tpu.memory_space<hbm>> -> memref<1x1024xf32, #tpu.memory_space<hbm>>
      %dma_start3A_869 = tpu.memref_squeeze %dma_start3A_868 : memref<1x1024xf32, #tpu.memory_space<hbm>> -> memref<1024xf32, #tpu.memory_space<hbm>>
      %dma_start3A_870 = arith.constant 0 : i32
      %dma_start3A_871 = tpu.memref_slice %arg6[%squeeze3A_855, %dma_start3A_870] : memref<2x1024xf32, #tpu.memory_space<vmem>> -> memref<1x1024xf32, #tpu.memory_space<vmem>>
      %dma_start3A_872 = tpu.memref_squeeze %dma_start3A_871 : memref<1x1024xf32, #tpu.memory_space<vmem>> -> memref<1024xf32, #tpu.memory_space<vmem>>
      tpu.enqueue_dma source(%dma_start3A_872 : memref<1024xf32, #tpu.memory_space<vmem>>) target(%dma_start3A_869 : memref<1024xf32, #tpu.memory_space<hbm>>) target_semaphore(%arg7 : memref<!tpu.dma_semaphore, #tpu.memory_space<semaphore_mem>>)
      %slice3A_873 = vector.extract_strided_slice %get3A_665 {offsets = [11], sizes = [1], strides = [1]} : vector<16xi32> to vector<1xi32>
      %squeeze3A_874 = vector.extract %slice3A_873[0] : i32 from vector<1xi32>
      %mul3A_875 = arith.constant 16 : i32
      %mul3A_876 = arith.muli %while3A_661, %mul3A_875 : i32
      %add3A_877 = arith.addi %multiple_of3A, %mul3A_876 : i32
      %add3A_878 = arith.constant 11 : i32
      %add3A_879 = arith.addi %add3A_877, %add3A_878 : i32
      %dma_start3A_880 = arith.constant 0 : i32
      %dma_start3A_881 = tpu.memref_slice %arg6[%squeeze3A_874, %dma_start3A_880] : memref<2x1024xf32, #tpu.memory_space<vmem>> -> memref<1x1024xf32, #tpu.memory_space<vmem>>
      %dma_start3A_882 = tpu.memref_squeeze %dma_start3A_881 : memref<1x1024xf32, #tpu.memory_space<vmem>> -> memref<1024xf32, #tpu.memory_space<vmem>>
      %dma_start3A_883 = arith.constant 0 : i32
      %dma_start3A_884 = tpu.memref_slice %arg4[%add3A_879, %dma_start3A_883] : memref<32768x1024xf32, #tpu.memory_space<hbm>> -> memref<1x1024xf32, #tpu.memory_space<hbm>>
      %dma_start3A_885 = tpu.memref_squeeze %dma_start3A_884 : memref<1x1024xf32, #tpu.memory_space<hbm>> -> memref<1024xf32, #tpu.memory_space<hbm>>
      %dma_start3A_886 = arith.constant 0 : i32
      %dma_start3A_887 = tpu.memref_slice %arg4[%add3A_879, %dma_start3A_886] : memref<32768x1024xf32, #tpu.memory_space<hbm>> -> memref<1x1024xf32, #tpu.memory_space<hbm>>
      %dma_start3A_888 = tpu.memref_squeeze %dma_start3A_887 : memref<1x1024xf32, #tpu.memory_space<hbm>> -> memref<1024xf32, #tpu.memory_space<hbm>>
      %dma_start3A_889 = arith.constant 0 : i32
      %dma_start3A_890 = tpu.memref_slice %arg6[%squeeze3A_874, %dma_start3A_889] : memref<2x1024xf32, #tpu.memory_space<vmem>> -> memref<1x1024xf32, #tpu.memory_space<vmem>>
      %dma_start3A_891 = tpu.memref_squeeze %dma_start3A_890 : memref<1x1024xf32, #tpu.memory_space<vmem>> -> memref<1024xf32, #tpu.memory_space<vmem>>
      tpu.enqueue_dma source(%dma_start3A_891 : memref<1024xf32, #tpu.memory_space<vmem>>) target(%dma_start3A_888 : memref<1024xf32, #tpu.memory_space<hbm>>) target_semaphore(%arg7 : memref<!tpu.dma_semaphore, #tpu.memory_space<semaphore_mem>>)
      %slice3A_892 = vector.extract_strided_slice %get3A_665 {offsets = [12], sizes = [1], strides = [1]} : vector<16xi32> to vector<1xi32>
      %squeeze3A_893 = vector.extract %slice3A_892[0] : i32 from vector<1xi32>
      %mul3A_894 = arith.constant 16 : i32
      %mul3A_895 = arith.muli %while3A_661, %mul3A_894 : i32
      %add3A_896 = arith.addi %multiple_of3A, %mul3A_895 : i32
      %add3A_897 = arith.constant 12 : i32
      %add3A_898 = arith.addi %add3A_896, %add3A_897 : i32
      %dma_start3A_899 = arith.constant 0 : i32
      %dma_start3A_900 = tpu.memref_slice %arg6[%squeeze3A_893, %dma_start3A_899] : memref<2x1024xf32, #tpu.memory_space<vmem>> -> memref<1x1024xf32, #tpu.memory_space<vmem>>
      %dma_start3A_901 = tpu.memref_squeeze %dma_start3A_900 : memref<1x1024xf32, #tpu.memory_space<vmem>> -> memref<1024xf32, #tpu.memory_space<vmem>>
      %dma_start3A_902 = arith.constant 0 : i32
      %dma_start3A_903 = tpu.memref_slice %arg4[%add3A_898, %dma_start3A_902] : memref<32768x1024xf32, #tpu.memory_space<hbm>> -> memref<1x1024xf32, #tpu.memory_space<hbm>>
      %dma_start3A_904 = tpu.memref_squeeze %dma_start3A_903 : memref<1x1024xf32, #tpu.memory_space<hbm>> -> memref<1024xf32, #tpu.memory_space<hbm>>
      %dma_start3A_905 = arith.constant 0 : i32
      %dma_start3A_906 = tpu.memref_slice %arg4[%add3A_898, %dma_start3A_905] : memref<32768x1024xf32, #tpu.memory_space<hbm>> -> memref<1x1024xf32, #tpu.memory_space<hbm>>
      %dma_start3A_907 = tpu.memref_squeeze %dma_start3A_906 : memref<1x1024xf32, #tpu.memory_space<hbm>> -> memref<1024xf32, #tpu.memory_space<hbm>>
      %dma_start3A_908 = arith.constant 0 : i32
      %dma_start3A_909 = tpu.memref_slice %arg6[%squeeze3A_893, %dma_start3A_908] : memref<2x1024xf32, #tpu.memory_space<vmem>> -> memref<1x1024xf32, #tpu.memory_space<vmem>>
      %dma_start3A_910 = tpu.memref_squeeze %dma_start3A_909 : memref<1x1024xf32, #tpu.memory_space<vmem>> -> memref<1024xf32, #tpu.memory_space<vmem>>
      tpu.enqueue_dma source(%dma_start3A_910 : memref<1024xf32, #tpu.memory_space<vmem>>) target(%dma_start3A_907 : memref<1024xf32, #tpu.memory_space<hbm>>) target_semaphore(%arg7 : memref<!tpu.dma_semaphore, #tpu.memory_space<semaphore_mem>>)
      %slice3A_911 = vector.extract_strided_slice %get3A_665 {offsets = [13], sizes = [1], strides = [1]} : vector<16xi32> to vector<1xi32>
      %squeeze3A_912 = vector.extract %slice3A_911[0] : i32 from vector<1xi32>
      %mul3A_913 = arith.constant 16 : i32
      %mul3A_914 = arith.muli %while3A_661, %mul3A_913 : i32
      %add3A_915 = arith.addi %multiple_of3A, %mul3A_914 : i32
      %add3A_916 = arith.constant 13 : i32
      %add3A_917 = arith.addi %add3A_915, %add3A_916 : i32
      %dma_start3A_918 = arith.constant 0 : i32
      %dma_start3A_919 = tpu.memref_slice %arg6[%squeeze3A_912, %dma_start3A_918] : memref<2x1024xf32, #tpu.memory_space<vmem>> -> memref<1x1024xf32, #tpu.memory_space<vmem>>
      %dma_start3A_920 = tpu.memref_squeeze %dma_start3A_919 : memref<1x1024xf32, #tpu.memory_space<vmem>> -> memref<1024xf32, #tpu.memory_space<vmem>>
      %dma_start3A_921 = arith.constant 0 : i32
      %dma_start3A_922 = tpu.memref_slice %arg4[%add3A_917, %dma_start3A_921] : memref<32768x1024xf32, #tpu.memory_space<hbm>> -> memref<1x1024xf32, #tpu.memory_space<hbm>>
      %dma_start3A_923 = tpu.memref_squeeze %dma_start3A_922 : memref<1x1024xf32, #tpu.memory_space<hbm>> -> memref<1024xf32, #tpu.memory_space<hbm>>
      %dma_start3A_924 = arith.constant 0 : i32
      %dma_start3A_925 = tpu.memref_slice %arg4[%add3A_917, %dma_start3A_924] : memref<32768x1024xf32, #tpu.memory_space<hbm>> -> memref<1x1024xf32, #tpu.memory_space<hbm>>
      %dma_start3A_926 = tpu.memref_squeeze %dma_start3A_925 : memref<1x1024xf32, #tpu.memory_space<hbm>> -> memref<1024xf32, #tpu.memory_space<hbm>>
      %dma_start3A_927 = arith.constant 0 : i32
      %dma_start3A_928 = tpu.memref_slice %arg6[%squeeze3A_912, %dma_start3A_927] : memref<2x1024xf32, #tpu.memory_space<vmem>> -> memref<1x1024xf32, #tpu.memory_space<vmem>>
      %dma_start3A_929 = tpu.memref_squeeze %dma_start3A_928 : memref<1x1024xf32, #tpu.memory_space<vmem>> -> memref<1024xf32, #tpu.memory_space<vmem>>
      tpu.enqueue_dma source(%dma_start3A_929 : memref<1024xf32, #tpu.memory_space<vmem>>) target(%dma_start3A_926 : memref<1024xf32, #tpu.memory_space<hbm>>) target_semaphore(%arg7 : memref<!tpu.dma_semaphore, #tpu.memory_space<semaphore_mem>>)
      %slice3A_930 = vector.extract_strided_slice %get3A_665 {offsets = [14], sizes = [1], strides = [1]} : vector<16xi32> to vector<1xi32>
      %squeeze3A_931 = vector.extract %slice3A_930[0] : i32 from vector<1xi32>
      %mul3A_932 = arith.constant 16 : i32
      %mul3A_933 = arith.muli %while3A_661, %mul3A_932 : i32
      %add3A_934 = arith.addi %multiple_of3A, %mul3A_933 : i32
      %add3A_935 = arith.constant 14 : i32
      %add3A_936 = arith.addi %add3A_934, %add3A_935 : i32
      %dma_start3A_937 = arith.constant 0 : i32
      %dma_start3A_938 = tpu.memref_slice %arg6[%squeeze3A_931, %dma_start3A_937] : memref<2x1024xf32, #tpu.memory_space<vmem>> -> memref<1x1024xf32, #tpu.memory_space<vmem>>
      %dma_start3A_939 = tpu.memref_squeeze %dma_start3A_938 : memref<1x1024xf32, #tpu.memory_space<vmem>> -> memref<1024xf32, #tpu.memory_space<vmem>>
      %dma_start3A_940 = arith.constant 0 : i32
      %dma_start3A_941 = tpu.memref_slice %arg4[%add3A_936, %dma_start3A_940] : memref<32768x1024xf32, #tpu.memory_space<hbm>> -> memref<1x1024xf32, #tpu.memory_space<hbm>>
      %dma_start3A_942 = tpu.memref_squeeze %dma_start3A_941 : memref<1x1024xf32, #tpu.memory_space<hbm>> -> memref<1024xf32, #tpu.memory_space<hbm>>
      %dma_start3A_943 = arith.constant 0 : i32
      %dma_start3A_944 = tpu.memref_slice %arg4[%add3A_936, %dma_start3A_943] : memref<32768x1024xf32, #tpu.memory_space<hbm>> -> memref<1x1024xf32, #tpu.memory_space<hbm>>
      %dma_start3A_945 = tpu.memref_squeeze %dma_start3A_944 : memref<1x1024xf32, #tpu.memory_space<hbm>> -> memref<1024xf32, #tpu.memory_space<hbm>>
      %dma_start3A_946 = arith.constant 0 : i32
      %dma_start3A_947 = tpu.memref_slice %arg6[%squeeze3A_931, %dma_start3A_946] : memref<2x1024xf32, #tpu.memory_space<vmem>> -> memref<1x1024xf32, #tpu.memory_space<vmem>>
      %dma_start3A_948 = tpu.memref_squeeze %dma_start3A_947 : memref<1x1024xf32, #tpu.memory_space<vmem>> -> memref<1024xf32, #tpu.memory_space<vmem>>
      tpu.enqueue_dma source(%dma_start3A_948 : memref<1024xf32, #tpu.memory_space<vmem>>) target(%dma_start3A_945 : memref<1024xf32, #tpu.memory_space<hbm>>) target_semaphore(%arg7 : memref<!tpu.dma_semaphore, #tpu.memory_space<semaphore_mem>>)
      %slice3A_949 = vector.extract_strided_slice %get3A_665 {offsets = [15], sizes = [1], strides = [1]} : vector<16xi32> to vector<1xi32>
      %squeeze3A_950 = vector.extract %slice3A_949[0] : i32 from vector<1xi32>
      %mul3A_951 = arith.constant 16 : i32
      %mul3A_952 = arith.muli %while3A_661, %mul3A_951 : i32
      %add3A_953 = arith.addi %multiple_of3A, %mul3A_952 : i32
      %add3A_954 = arith.constant 15 : i32
      %add3A_955 = arith.addi %add3A_953, %add3A_954 : i32
      %dma_start3A_956 = arith.constant 0 : i32
      %dma_start3A_957 = tpu.memref_slice %arg6[%squeeze3A_950, %dma_start3A_956] : memref<2x1024xf32, #tpu.memory_space<vmem>> -> memref<1x1024xf32, #tpu.memory_space<vmem>>
      %dma_start3A_958 = tpu.memref_squeeze %dma_start3A_957 : memref<1x1024xf32, #tpu.memory_space<vmem>> -> memref<1024xf32, #tpu.memory_space<vmem>>
      %dma_start3A_959 = arith.constant 0 : i32
      %dma_start3A_960 = tpu.memref_slice %arg4[%add3A_955, %dma_start3A_959] : memref<32768x1024xf32, #tpu.memory_space<hbm>> -> memref<1x1024xf32, #tpu.memory_space<hbm>>
      %dma_start3A_961 = tpu.memref_squeeze %dma_start3A_960 : memref<1x1024xf32, #tpu.memory_space<hbm>> -> memref<1024xf32, #tpu.memory_space<hbm>>
      %dma_start3A_962 = arith.constant 0 : i32
      %dma_start3A_963 = tpu.memref_slice %arg4[%add3A_955, %dma_start3A_962] : memref<32768x1024xf32, #tpu.memory_space<hbm>> -> memref<1x1024xf32, #tpu.memory_space<hbm>>
      %dma_start3A_964 = tpu.memref_squeeze %dma_start3A_963 : memref<1x1024xf32, #tpu.memory_space<hbm>> -> memref<1024xf32, #tpu.memory_space<hbm>>
      %dma_start3A_965 = arith.constant 0 : i32
      %dma_start3A_966 = tpu.memref_slice %arg6[%squeeze3A_950, %dma_start3A_965] : memref<2x1024xf32, #tpu.memory_space<vmem>> -> memref<1x1024xf32, #tpu.memory_space<vmem>>
      %dma_start3A_967 = tpu.memref_squeeze %dma_start3A_966 : memref<1x1024xf32, #tpu.memory_space<vmem>> -> memref<1024xf32, #tpu.memory_space<vmem>>
      tpu.enqueue_dma source(%dma_start3A_967 : memref<1024xf32, #tpu.memory_space<vmem>>) target(%dma_start3A_964 : memref<1024xf32, #tpu.memory_space<hbm>>) target_semaphore(%arg7 : memref<!tpu.dma_semaphore, #tpu.memory_space<semaphore_mem>>)
      %ge3A = arith.constant 3 : i32
      %ge3A_968 = arith.cmpi sge, %while3A_661, %ge3A : i32
      %convert_element_type3A = arith.extui %ge3A_968 : i1 to i32
      %cond3A = arith.constant 0 : i32
      %cond3A_969 = arith.cmpi ne, %convert_element_type3A, %cond3A : i32
      scf.if %cond3A_969 {
        %dma_wait3A_970 = arith.constant 0 : i32
        %dma_wait3A_971 = arith.constant 0 : i32
        %dma_wait3A_972 = tpu.memref_slice %arg6[%dma_wait3A_970, %dma_wait3A_971] : memref<2x1024xf32, #tpu.memory_space<vmem>> -> memref<1x1024xf32, #tpu.memory_space<vmem>>
        %dma_wait3A_973 = tpu.memref_squeeze %dma_wait3A_972 : memref<1x1024xf32, #tpu.memory_space<vmem>> -> memref<1024xf32, #tpu.memory_space<vmem>>
        %dma_wait3A_974 = arith.constant 0 : i32
        %dma_wait3A_975 = tpu.memref_slice %arg4[%multiple_of3A, %dma_wait3A_974] : memref<32768x1024xf32, #tpu.memory_space<hbm>> -> memref<1x1024xf32, #tpu.memory_space<hbm>>
        %dma_wait3A_976 = tpu.memref_squeeze %dma_wait3A_975 : memref<1x1024xf32, #tpu.memory_space<hbm>> -> memref<1024xf32, #tpu.memory_space<hbm>>
        %dma_wait3A_977 = arith.constant 0 : i32
        %dma_wait3A_978 = tpu.memref_slice %arg4[%multiple_of3A, %dma_wait3A_977] : memref<32768x1024xf32, #tpu.memory_space<hbm>> -> memref<1x1024xf32, #tpu.memory_space<hbm>>
        %dma_wait3A_979 = tpu.memref_squeeze %dma_wait3A_978 : memref<1x1024xf32, #tpu.memory_space<hbm>> -> memref<1024xf32, #tpu.memory_space<hbm>>
        %dma_wait3A_980 = arith.constant 0 : i32
        %dma_wait3A_981 = tpu.memref_slice %arg6[%dma_wait3A_970, %dma_wait3A_980] : memref<2x1024xf32, #tpu.memory_space<vmem>> -> memref<1x1024xf32, #tpu.memory_space<vmem>>
        %dma_wait3A_982 = tpu.memref_squeeze %dma_wait3A_981 : memref<1x1024xf32, #tpu.memory_space<vmem>> -> memref<1024xf32, #tpu.memory_space<vmem>>
        tpu.wait_dma2 semaphore(%arg7 : memref<!tpu.dma_semaphore, #tpu.memory_space<semaphore_mem>>) src(%dma_wait3A_982 : memref<1024xf32, #tpu.memory_space<vmem>>) dst(%dma_wait3A_979 : memref<1024xf32, #tpu.memory_space<hbm>>)
        %dma_wait3A_983 = arith.constant 0 : i32
        %dma_wait3A_984 = arith.constant 0 : i32
        %dma_wait3A_985 = tpu.memref_slice %arg6[%dma_wait3A_983, %dma_wait3A_984] : memref<2x1024xf32, #tpu.memory_space<vmem>> -> memref<1x1024xf32, #tpu.memory_space<vmem>>
        %dma_wait3A_986 = tpu.memref_squeeze %dma_wait3A_985 : memref<1x1024xf32, #tpu.memory_space<vmem>> -> memref<1024xf32, #tpu.memory_space<vmem>>
        %dma_wait3A_987 = arith.constant 0 : i32
        %dma_wait3A_988 = tpu.memref_slice %arg4[%multiple_of3A, %dma_wait3A_987] : memref<32768x1024xf32, #tpu.memory_space<hbm>> -> memref<1x1024xf32, #tpu.memory_space<hbm>>
        %dma_wait3A_989 = tpu.memref_squeeze %dma_wait3A_988 : memref<1x1024xf32, #tpu.memory_space<hbm>> -> memref<1024xf32, #tpu.memory_space<hbm>>
        %dma_wait3A_990 = arith.constant 0 : i32
        %dma_wait3A_991 = tpu.memref_slice %arg4[%multiple_of3A, %dma_wait3A_990] : memref<32768x1024xf32, #tpu.memory_space<hbm>> -> memref<1x1024xf32, #tpu.memory_space<hbm>>
        %dma_wait3A_992 = tpu.memref_squeeze %dma_wait3A_991 : memref<1x1024xf32, #tpu.memory_space<hbm>> -> memref<1024xf32, #tpu.memory_space<hbm>>
        %dma_wait3A_993 = arith.constant 0 : i32
        %dma_wait3A_994 = tpu.memref_slice %arg6[%dma_wait3A_983, %dma_wait3A_993] : memref<2x1024xf32, #tpu.memory_space<vmem>> -> memref<1x1024xf32, #tpu.memory_space<vmem>>
        %dma_wait3A_995 = tpu.memref_squeeze %dma_wait3A_994 : memref<1x1024xf32, #tpu.memory_space<vmem>> -> memref<1024xf32, #tpu.memory_space<vmem>>
        tpu.wait_dma2 semaphore(%arg7 : memref<!tpu.dma_semaphore, #tpu.memory_space<semaphore_mem>>) src(%dma_wait3A_995 : memref<1024xf32, #tpu.memory_space<vmem>>) dst(%dma_wait3A_992 : memref<1024xf32, #tpu.memory_space<hbm>>)
        %dma_wait3A_996 = arith.constant 0 : i32
        %dma_wait3A_997 = arith.constant 0 : i32
        %dma_wait3A_998 = tpu.memref_slice %arg6[%dma_wait3A_996, %dma_wait3A_997] : memref<2x1024xf32, #tpu.memory_space<vmem>> -> memref<1x1024xf32, #tpu.memory_space<vmem>>
        %dma_wait3A_999 = tpu.memref_squeeze %dma_wait3A_998 : memref<1x1024xf32, #tpu.memory_space<vmem>> -> memref<1024xf32, #tpu.memory_space<vmem>>
        %dma_wait3A_1000 = arith.constant 0 : i32
        %dma_wait3A_1001 = tpu.memref_slice %arg4[%multiple_of3A, %dma_wait3A_1000] : memref<32768x1024xf32, #tpu.memory_space<hbm>> -> memref<1x1024xf32, #tpu.memory_space<hbm>>
        %dma_wait3A_1002 = tpu.memref_squeeze %dma_wait3A_1001 : memref<1x1024xf32, #tpu.memory_space<hbm>> -> memref<1024xf32, #tpu.memory_space<hbm>>
        %dma_wait3A_1003 = arith.constant 0 : i32
        %dma_wait3A_1004 = tpu.memref_slice %arg4[%multiple_of3A, %dma_wait3A_1003] : memref<32768x1024xf32, #tpu.memory_space<hbm>> -> memref<1x1024xf32, #tpu.memory_space<hbm>>
        %dma_wait3A_1005 = tpu.memref_squeeze %dma_wait3A_1004 : memref<1x1024xf32, #tpu.memory_space<hbm>> -> memref<1024xf32, #tpu.memory_space<hbm>>
        %dma_wait3A_1006 = arith.constant 0 : i32
        %dma_wait3A_1007 = tpu.memref_slice %arg6[%dma_wait3A_996, %dma_wait3A_1006] : memref<2x1024xf32, #tpu.memory_space<vmem>> -> memref<1x1024xf32, #tpu.memory_space<vmem>>
        %dma_wait3A_1008 = tpu.memref_squeeze %dma_wait3A_1007 : memref<1x1024xf32, #tpu.memory_space<vmem>> -> memref<1024xf32, #tpu.memory_space<vmem>>
        tpu.wait_dma2 semaphore(%arg7 : memref<!tpu.dma_semaphore, #tpu.memory_space<semaphore_mem>>) src(%dma_wait3A_1008 : memref<1024xf32, #tpu.memory_space<vmem>>) dst(%dma_wait3A_1005 : memref<1024xf32, #tpu.memory_space<hbm>>)
        %dma_wait3A_1009 = arith.constant 0 : i32
        %dma_wait3A_1010 = arith.constant 0 : i32
        %dma_wait3A_1011 = tpu.memref_slice %arg6[%dma_wait3A_1009, %dma_wait3A_1010] : memref<2x1024xf32, #tpu.memory_space<vmem>> -> memref<1x1024xf32, #tpu.memory_space<vmem>>
        %dma_wait3A_1012 = tpu.memref_squeeze %dma_wait3A_1011 : memref<1x1024xf32, #tpu.memory_space<vmem>> -> memref<1024xf32, #tpu.memory_space<vmem>>
        %dma_wait3A_1013 = arith.constant 0 : i32
        %dma_wait3A_1014 = tpu.memref_slice %arg4[%multiple_of3A, %dma_wait3A_1013] : memref<32768x1024xf32, #tpu.memory_space<hbm>> -> memref<1x1024xf32, #tpu.memory_space<hbm>>
        %dma_wait3A_1015 = tpu.memref_squeeze %dma_wait3A_1014 : memref<1x1024xf32, #tpu.memory_space<hbm>> -> memref<1024xf32, #tpu.memory_space<hbm>>
        %dma_wait3A_1016 = arith.constant 0 : i32
        %dma_wait3A_1017 = tpu.memref_slice %arg4[%multiple_of3A, %dma_wait3A_1016] : memref<32768x1024xf32, #tpu.memory_space<hbm>> -> memref<1x1024xf32, #tpu.memory_space<hbm>>
        %dma_wait3A_1018 = tpu.memref_squeeze %dma_wait3A_1017 : memref<1x1024xf32, #tpu.memory_space<hbm>> -> memref<1024xf32, #tpu.memory_space<hbm>>
        %dma_wait3A_1019 = arith.constant 0 : i32
        %dma_wait3A_1020 = tpu.memref_slice %arg6[%dma_wait3A_1009, %dma_wait3A_1019] : memref<2x1024xf32, #tpu.memory_space<vmem>> -> memref<1x1024xf32, #tpu.memory_space<vmem>>
        %dma_wait3A_1021 = tpu.memref_squeeze %dma_wait3A_1020 : memref<1x1024xf32, #tpu.memory_space<vmem>> -> memref<1024xf32, #tpu.memory_space<vmem>>
        tpu.wait_dma2 semaphore(%arg7 : memref<!tpu.dma_semaphore, #tpu.memory_space<semaphore_mem>>) src(%dma_wait3A_1021 : memref<1024xf32, #tpu.memory_space<vmem>>) dst(%dma_wait3A_1018 : memref<1024xf32, #tpu.memory_space<hbm>>)
        %dma_wait3A_1022 = arith.constant 0 : i32
        %dma_wait3A_1023 = arith.constant 0 : i32
        %dma_wait3A_1024 = tpu.memref_slice %arg6[%dma_wait3A_1022, %dma_wait3A_1023] : memref<2x1024xf32, #tpu.memory_space<vmem>> -> memref<1x1024xf32, #tpu.memory_space<vmem>>
        %dma_wait3A_1025 = tpu.memref_squeeze %dma_wait3A_1024 : memref<1x1024xf32, #tpu.memory_space<vmem>> -> memref<1024xf32, #tpu.memory_space<vmem>>
        %dma_wait3A_1026 = arith.constant 0 : i32
        %dma_wait3A_1027 = tpu.memref_slice %arg4[%multiple_of3A, %dma_wait3A_1026] : memref<32768x1024xf32, #tpu.memory_space<hbm>> -> memref<1x1024xf32, #tpu.memory_space<hbm>>
        %dma_wait3A_1028 = tpu.memref_squeeze %dma_wait3A_1027 : memref<1x1024xf32, #tpu.memory_space<hbm>> -> memref<1024xf32, #tpu.memory_space<hbm>>
        %dma_wait3A_1029 = arith.constant 0 : i32
        %dma_wait3A_1030 = tpu.memref_slice %arg4[%multiple_of3A, %dma_wait3A_1029] : memref<32768x1024xf32, #tpu.memory_space<hbm>> -> memref<1x1024xf32, #tpu.memory_space<hbm>>
        %dma_wait3A_1031 = tpu.memref_squeeze %dma_wait3A_1030 : memref<1x1024xf32, #tpu.memory_space<hbm>> -> memref<1024xf32, #tpu.memory_space<hbm>>
        %dma_wait3A_1032 = arith.constant 0 : i32
        %dma_wait3A_1033 = tpu.memref_slice %arg6[%dma_wait3A_1022, %dma_wait3A_1032] : memref<2x1024xf32, #tpu.memory_space<vmem>> -> memref<1x1024xf32, #tpu.memory_space<vmem>>
        %dma_wait3A_1034 = tpu.memref_squeeze %dma_wait3A_1033 : memref<1x1024xf32, #tpu.memory_space<vmem>> -> memref<1024xf32, #tpu.memory_space<vmem>>
        tpu.wait_dma2 semaphore(%arg7 : memref<!tpu.dma_semaphore, #tpu.memory_space<semaphore_mem>>) src(%dma_wait3A_1034 : memref<1024xf32, #tpu.memory_space<vmem>>) dst(%dma_wait3A_1031 : memref<1024xf32, #tpu.memory_space<hbm>>)
        %dma_wait3A_1035 = arith.constant 0 : i32
        %dma_wait3A_1036 = arith.constant 0 : i32
        %dma_wait3A_1037 = tpu.memref_slice %arg6[%dma_wait3A_1035, %dma_wait3A_1036] : memref<2x1024xf32, #tpu.memory_space<vmem>> -> memref<1x1024xf32, #tpu.memory_space<vmem>>
        %dma_wait3A_1038 = tpu.memref_squeeze %dma_wait3A_1037 : memref<1x1024xf32, #tpu.memory_space<vmem>> -> memref<1024xf32, #tpu.memory_space<vmem>>
        %dma_wait3A_1039 = arith.constant 0 : i32
        %dma_wait3A_1040 = tpu.memref_slice %arg4[%multiple_of3A, %dma_wait3A_1039] : memref<32768x1024xf32, #tpu.memory_space<hbm>> -> memref<1x1024xf32, #tpu.memory_space<hbm>>
        %dma_wait3A_1041 = tpu.memref_squeeze %dma_wait3A_1040 : memref<1x1024xf32, #tpu.memory_space<hbm>> -> memref<1024xf32, #tpu.memory_space<hbm>>
        %dma_wait3A_1042 = arith.constant 0 : i32
        %dma_wait3A_1043 = tpu.memref_slice %arg4[%multiple_of3A, %dma_wait3A_1042] : memref<32768x1024xf32, #tpu.memory_space<hbm>> -> memref<1x1024xf32, #tpu.memory_space<hbm>>
        %dma_wait3A_1044 = tpu.memref_squeeze %dma_wait3A_1043 : memref<1x1024xf32, #tpu.memory_space<hbm>> -> memref<1024xf32, #tpu.memory_space<hbm>>
        %dma_wait3A_1045 = arith.constant 0 : i32
        %dma_wait3A_1046 = tpu.memref_slice %arg6[%dma_wait3A_1035, %dma_wait3A_1045] : memref<2x1024xf32, #tpu.memory_space<vmem>> -> memref<1x1024xf32, #tpu.memory_space<vmem>>
        %dma_wait3A_1047 = tpu.memref_squeeze %dma_wait3A_1046 : memref<1x1024xf32, #tpu.memory_space<vmem>> -> memref<1024xf32, #tpu.memory_space<vmem>>
        tpu.wait_dma2 semaphore(%arg7 : memref<!tpu.dma_semaphore, #tpu.memory_space<semaphore_mem>>) src(%dma_wait3A_1047 : memref<1024xf32, #tpu.memory_space<vmem>>) dst(%dma_wait3A_1044 : memref<1024xf32, #tpu.memory_space<hbm>>)
        %dma_wait3A_1048 = arith.constant 0 : i32
        %dma_wait3A_1049 = arith.constant 0 : i32
        %dma_wait3A_1050 = tpu.memref_slice %arg6[%dma_wait3A_1048, %dma_wait3A_1049] : memref<2x1024xf32, #tpu.memory_space<vmem>> -> memref<1x1024xf32, #tpu.memory_space<vmem>>
        %dma_wait3A_1051 = tpu.memref_squeeze %dma_wait3A_1050 : memref<1x1024xf32, #tpu.memory_space<vmem>> -> memref<1024xf32, #tpu.memory_space<vmem>>
        %dma_wait3A_1052 = arith.constant 0 : i32
        %dma_wait3A_1053 = tpu.memref_slice %arg4[%multiple_of3A, %dma_wait3A_1052] : memref<32768x1024xf32, #tpu.memory_space<hbm>> -> memref<1x1024xf32, #tpu.memory_space<hbm>>
        %dma_wait3A_1054 = tpu.memref_squeeze %dma_wait3A_1053 : memref<1x1024xf32, #tpu.memory_space<hbm>> -> memref<1024xf32, #tpu.memory_space<hbm>>
        %dma_wait3A_1055 = arith.constant 0 : i32
        %dma_wait3A_1056 = tpu.memref_slice %arg4[%multiple_of3A, %dma_wait3A_1055] : memref<32768x1024xf32, #tpu.memory_space<hbm>> -> memref<1x1024xf32, #tpu.memory_space<hbm>>
        %dma_wait3A_1057 = tpu.memref_squeeze %dma_wait3A_1056 : memref<1x1024xf32, #tpu.memory_space<hbm>> -> memref<1024xf32, #tpu.memory_space<hbm>>
        %dma_wait3A_1058 = arith.constant 0 : i32
        %dma_wait3A_1059 = tpu.memref_slice %arg6[%dma_wait3A_1048, %dma_wait3A_1058] : memref<2x1024xf32, #tpu.memory_space<vmem>> -> memref<1x1024xf32, #tpu.memory_space<vmem>>
        %dma_wait3A_1060 = tpu.memref_squeeze %dma_wait3A_1059 : memref<1x1024xf32, #tpu.memory_space<vmem>> -> memref<1024xf32, #tpu.memory_space<vmem>>
        tpu.wait_dma2 semaphore(%arg7 : memref<!tpu.dma_semaphore, #tpu.memory_space<semaphore_mem>>) src(%dma_wait3A_1060 : memref<1024xf32, #tpu.memory_space<vmem>>) dst(%dma_wait3A_1057 : memref<1024xf32, #tpu.memory_space<hbm>>)
        %dma_wait3A_1061 = arith.constant 0 : i32
        %dma_wait3A_1062 = arith.constant 0 : i32
        %dma_wait3A_1063 = tpu.memref_slice %arg6[%dma_wait3A_1061, %dma_wait3A_1062] : memref<2x1024xf32, #tpu.memory_space<vmem>> -> memref<1x1024xf32, #tpu.memory_space<vmem>>
        %dma_wait3A_1064 = tpu.memref_squeeze %dma_wait3A_1063 : memref<1x1024xf32, #tpu.memory_space<vmem>> -> memref<1024xf32, #tpu.memory_space<vmem>>
        %dma_wait3A_1065 = arith.constant 0 : i32
        %dma_wait3A_1066 = tpu.memref_slice %arg4[%multiple_of3A, %dma_wait3A_1065] : memref<32768x1024xf32, #tpu.memory_space<hbm>> -> memref<1x1024xf32, #tpu.memory_space<hbm>>
        %dma_wait3A_1067 = tpu.memref_squeeze %dma_wait3A_1066 : memref<1x1024xf32, #tpu.memory_space<hbm>> -> memref<1024xf32, #tpu.memory_space<hbm>>
        %dma_wait3A_1068 = arith.constant 0 : i32
        %dma_wait3A_1069 = tpu.memref_slice %arg4[%multiple_of3A, %dma_wait3A_1068] : memref<32768x1024xf32, #tpu.memory_space<hbm>> -> memref<1x1024xf32, #tpu.memory_space<hbm>>
        %dma_wait3A_1070 = tpu.memref_squeeze %dma_wait3A_1069 : memref<1x1024xf32, #tpu.memory_space<hbm>> -> memref<1024xf32, #tpu.memory_space<hbm>>
        %dma_wait3A_1071 = arith.constant 0 : i32
        %dma_wait3A_1072 = tpu.memref_slice %arg6[%dma_wait3A_1061, %dma_wait3A_1071] : memref<2x1024xf32, #tpu.memory_space<vmem>> -> memref<1x1024xf32, #tpu.memory_space<vmem>>
        %dma_wait3A_1073 = tpu.memref_squeeze %dma_wait3A_1072 : memref<1x1024xf32, #tpu.memory_space<vmem>> -> memref<1024xf32, #tpu.memory_space<vmem>>
        tpu.wait_dma2 semaphore(%arg7 : memref<!tpu.dma_semaphore, #tpu.memory_space<semaphore_mem>>) src(%dma_wait3A_1073 : memref<1024xf32, #tpu.memory_space<vmem>>) dst(%dma_wait3A_1070 : memref<1024xf32, #tpu.memory_space<hbm>>)
        %dma_wait3A_1074 = arith.constant 0 : i32
        %dma_wait3A_1075 = arith.constant 0 : i32
        %dma_wait3A_1076 = tpu.memref_slice %arg6[%dma_wait3A_1074, %dma_wait3A_1075] : memref<2x1024xf32, #tpu.memory_space<vmem>> -> memref<1x1024xf32, #tpu.memory_space<vmem>>
        %dma_wait3A_1077 = tpu.memref_squeeze %dma_wait3A_1076 : memref<1x1024xf32, #tpu.memory_space<vmem>> -> memref<1024xf32, #tpu.memory_space<vmem>>
        %dma_wait3A_1078 = arith.constant 0 : i32
        %dma_wait3A_1079 = tpu.memref_slice %arg4[%multiple_of3A, %dma_wait3A_1078] : memref<32768x1024xf32, #tpu.memory_space<hbm>> -> memref<1x1024xf32, #tpu.memory_space<hbm>>
        %dma_wait3A_1080 = tpu.memref_squeeze %dma_wait3A_1079 : memref<1x1024xf32, #tpu.memory_space<hbm>> -> memref<1024xf32, #tpu.memory_space<hbm>>
        %dma_wait3A_1081 = arith.constant 0 : i32
        %dma_wait3A_1082 = tpu.memref_slice %arg4[%multiple_of3A, %dma_wait3A_1081] : memref<32768x1024xf32, #tpu.memory_space<hbm>> -> memref<1x1024xf32, #tpu.memory_space<hbm>>
        %dma_wait3A_1083 = tpu.memref_squeeze %dma_wait3A_1082 : memref<1x1024xf32, #tpu.memory_space<hbm>> -> memref<1024xf32, #tpu.memory_space<hbm>>
        %dma_wait3A_1084 = arith.constant 0 : i32
        %dma_wait3A_1085 = tpu.memref_slice %arg6[%dma_wait3A_1074, %dma_wait3A_1084] : memref<2x1024xf32, #tpu.memory_space<vmem>> -> memref<1x1024xf32, #tpu.memory_space<vmem>>
        %dma_wait3A_1086 = tpu.memref_squeeze %dma_wait3A_1085 : memref<1x1024xf32, #tpu.memory_space<vmem>> -> memref<1024xf32, #tpu.memory_space<vmem>>
        tpu.wait_dma2 semaphore(%arg7 : memref<!tpu.dma_semaphore, #tpu.memory_space<semaphore_mem>>) src(%dma_wait3A_1086 : memref<1024xf32, #tpu.memory_space<vmem>>) dst(%dma_wait3A_1083 : memref<1024xf32, #tpu.memory_space<hbm>>)
        %dma_wait3A_1087 = arith.constant 0 : i32
        %dma_wait3A_1088 = arith.constant 0 : i32
        %dma_wait3A_1089 = tpu.memref_slice %arg6[%dma_wait3A_1087, %dma_wait3A_1088] : memref<2x1024xf32, #tpu.memory_space<vmem>> -> memref<1x1024xf32, #tpu.memory_space<vmem>>
        %dma_wait3A_1090 = tpu.memref_squeeze %dma_wait3A_1089 : memref<1x1024xf32, #tpu.memory_space<vmem>> -> memref<1024xf32, #tpu.memory_space<vmem>>
        %dma_wait3A_1091 = arith.constant 0 : i32
        %dma_wait3A_1092 = tpu.memref_slice %arg4[%multiple_of3A, %dma_wait3A_1091] : memref<32768x1024xf32, #tpu.memory_space<hbm>> -> memref<1x1024xf32, #tpu.memory_space<hbm>>
        %dma_wait3A_1093 = tpu.memref_squeeze %dma_wait3A_1092 : memref<1x1024xf32, #tpu.memory_space<hbm>> -> memref<1024xf32, #tpu.memory_space<hbm>>
        %dma_wait3A_1094 = arith.constant 0 : i32
        %dma_wait3A_1095 = tpu.memref_slice %arg4[%multiple_of3A, %dma_wait3A_1094] : memref<32768x1024xf32, #tpu.memory_space<hbm>> -> memref<1x1024xf32, #tpu.memory_space<hbm>>
        %dma_wait3A_1096 = tpu.memref_squeeze %dma_wait3A_1095 : memref<1x1024xf32, #tpu.memory_space<hbm>> -> memref<1024xf32, #tpu.memory_space<hbm>>
        %dma_wait3A_1097 = arith.constant 0 : i32
        %dma_wait3A_1098 = tpu.memref_slice %arg6[%dma_wait3A_1087, %dma_wait3A_1097] : memref<2x1024xf32, #tpu.memory_space<vmem>> -> memref<1x1024xf32, #tpu.memory_space<vmem>>
        %dma_wait3A_1099 = tpu.memref_squeeze %dma_wait3A_1098 : memref<1x1024xf32, #tpu.memory_space<vmem>> -> memref<1024xf32, #tpu.memory_space<vmem>>
        tpu.wait_dma2 semaphore(%arg7 : memref<!tpu.dma_semaphore, #tpu.memory_space<semaphore_mem>>) src(%dma_wait3A_1099 : memref<1024xf32, #tpu.memory_space<vmem>>) dst(%dma_wait3A_1096 : memref<1024xf32, #tpu.memory_space<hbm>>)
        %dma_wait3A_1100 = arith.constant 0 : i32
        %dma_wait3A_1101 = arith.constant 0 : i32
        %dma_wait3A_1102 = tpu.memref_slice %arg6[%dma_wait3A_1100, %dma_wait3A_1101] : memref<2x1024xf32, #tpu.memory_space<vmem>> -> memref<1x1024xf32, #tpu.memory_space<vmem>>
        %dma_wait3A_1103 = tpu.memref_squeeze %dma_wait3A_1102 : memref<1x1024xf32, #tpu.memory_space<vmem>> -> memref<1024xf32, #tpu.memory_space<vmem>>
        %dma_wait3A_1104 = arith.constant 0 : i32
        %dma_wait3A_1105 = tpu.memref_slice %arg4[%multiple_of3A, %dma_wait3A_1104] : memref<32768x1024xf32, #tpu.memory_space<hbm>> -> memref<1x1024xf32, #tpu.memory_space<hbm>>
        %dma_wait3A_1106 = tpu.memref_squeeze %dma_wait3A_1105 : memref<1x1024xf32, #tpu.memory_space<hbm>> -> memref<1024xf32, #tpu.memory_space<hbm>>
        %dma_wait3A_1107 = arith.constant 0 : i32
        %dma_wait3A_1108 = tpu.memref_slice %arg4[%multiple_of3A, %dma_wait3A_1107] : memref<32768x1024xf32, #tpu.memory_space<hbm>> -> memref<1x1024xf32, #tpu.memory_space<hbm>>
        %dma_wait3A_1109 = tpu.memref_squeeze %dma_wait3A_1108 : memref<1x1024xf32, #tpu.memory_space<hbm>> -> memref<1024xf32, #tpu.memory_space<hbm>>
        %dma_wait3A_1110 = arith.constant 0 : i32
        %dma_wait3A_1111 = tpu.memref_slice %arg6[%dma_wait3A_1100, %dma_wait3A_1110] : memref<2x1024xf32, #tpu.memory_space<vmem>> -> memref<1x1024xf32, #tpu.memory_space<vmem>>
        %dma_wait3A_1112 = tpu.memref_squeeze %dma_wait3A_1111 : memref<1x1024xf32, #tpu.memory_space<vmem>> -> memref<1024xf32, #tpu.memory_space<vmem>>
        tpu.wait_dma2 semaphore(%arg7 : memref<!tpu.dma_semaphore, #tpu.memory_space<semaphore_mem>>) src(%dma_wait3A_1112 : memref<1024xf32, #tpu.memory_space<vmem>>) dst(%dma_wait3A_1109 : memref<1024xf32, #tpu.memory_space<hbm>>)
        %dma_wait3A_1113 = arith.constant 0 : i32
        %dma_wait3A_1114 = arith.constant 0 : i32
        %dma_wait3A_1115 = tpu.memref_slice %arg6[%dma_wait3A_1113, %dma_wait3A_1114] : memref<2x1024xf32, #tpu.memory_space<vmem>> -> memref<1x1024xf32, #tpu.memory_space<vmem>>
        %dma_wait3A_1116 = tpu.memref_squeeze %dma_wait3A_1115 : memref<1x1024xf32, #tpu.memory_space<vmem>> -> memref<1024xf32, #tpu.memory_space<vmem>>
        %dma_wait3A_1117 = arith.constant 0 : i32
        %dma_wait3A_1118 = tpu.memref_slice %arg4[%multiple_of3A, %dma_wait3A_1117] : memref<32768x1024xf32, #tpu.memory_space<hbm>> -> memref<1x1024xf32, #tpu.memory_space<hbm>>
        %dma_wait3A_1119 = tpu.memref_squeeze %dma_wait3A_1118 : memref<1x1024xf32, #tpu.memory_space<hbm>> -> memref<1024xf32, #tpu.memory_space<hbm>>
        %dma_wait3A_1120 = arith.constant 0 : i32
        %dma_wait3A_1121 = tpu.memref_slice %arg4[%multiple_of3A, %dma_wait3A_1120] : memref<32768x1024xf32, #tpu.memory_space<hbm>> -> memref<1x1024xf32, #tpu.memory_space<hbm>>
        %dma_wait3A_1122 = tpu.memref_squeeze %dma_wait3A_1121 : memref<1x1024xf32, #tpu.memory_space<hbm>> -> memref<1024xf32, #tpu.memory_space<hbm>>
        %dma_wait3A_1123 = arith.constant 0 : i32
        %dma_wait3A_1124 = tpu.memref_slice %arg6[%dma_wait3A_1113, %dma_wait3A_1123] : memref<2x1024xf32, #tpu.memory_space<vmem>> -> memref<1x1024xf32, #tpu.memory_space<vmem>>
        %dma_wait3A_1125 = tpu.memref_squeeze %dma_wait3A_1124 : memref<1x1024xf32, #tpu.memory_space<vmem>> -> memref<1024xf32, #tpu.memory_space<vmem>>
        tpu.wait_dma2 semaphore(%arg7 : memref<!tpu.dma_semaphore, #tpu.memory_space<semaphore_mem>>) src(%dma_wait3A_1125 : memref<1024xf32, #tpu.memory_space<vmem>>) dst(%dma_wait3A_1122 : memref<1024xf32, #tpu.memory_space<hbm>>)
        %dma_wait3A_1126 = arith.constant 0 : i32
        %dma_wait3A_1127 = arith.constant 0 : i32
        %dma_wait3A_1128 = tpu.memref_slice %arg6[%dma_wait3A_1126, %dma_wait3A_1127] : memref<2x1024xf32, #tpu.memory_space<vmem>> -> memref<1x1024xf32, #tpu.memory_space<vmem>>
        %dma_wait3A_1129 = tpu.memref_squeeze %dma_wait3A_1128 : memref<1x1024xf32, #tpu.memory_space<vmem>> -> memref<1024xf32, #tpu.memory_space<vmem>>
        %dma_wait3A_1130 = arith.constant 0 : i32
        %dma_wait3A_1131 = tpu.memref_slice %arg4[%multiple_of3A, %dma_wait3A_1130] : memref<32768x1024xf32, #tpu.memory_space<hbm>> -> memref<1x1024xf32, #tpu.memory_space<hbm>>
        %dma_wait3A_1132 = tpu.memref_squeeze %dma_wait3A_1131 : memref<1x1024xf32, #tpu.memory_space<hbm>> -> memref<1024xf32, #tpu.memory_space<hbm>>
        %dma_wait3A_1133 = arith.constant 0 : i32
        %dma_wait3A_1134 = tpu.memref_slice %arg4[%multiple_of3A, %dma_wait3A_1133] : memref<32768x1024xf32, #tpu.memory_space<hbm>> -> memref<1x1024xf32, #tpu.memory_space<hbm>>
        %dma_wait3A_1135 = tpu.memref_squeeze %dma_wait3A_1134 : memref<1x1024xf32, #tpu.memory_space<hbm>> -> memref<1024xf32, #tpu.memory_space<hbm>>
        %dma_wait3A_1136 = arith.constant 0 : i32
        %dma_wait3A_1137 = tpu.memref_slice %arg6[%dma_wait3A_1126, %dma_wait3A_1136] : memref<2x1024xf32, #tpu.memory_space<vmem>> -> memref<1x1024xf32, #tpu.memory_space<vmem>>
        %dma_wait3A_1138 = tpu.memref_squeeze %dma_wait3A_1137 : memref<1x1024xf32, #tpu.memory_space<vmem>> -> memref<1024xf32, #tpu.memory_space<vmem>>
        tpu.wait_dma2 semaphore(%arg7 : memref<!tpu.dma_semaphore, #tpu.memory_space<semaphore_mem>>) src(%dma_wait3A_1138 : memref<1024xf32, #tpu.memory_space<vmem>>) dst(%dma_wait3A_1135 : memref<1024xf32, #tpu.memory_space<hbm>>)
        %dma_wait3A_1139 = arith.constant 0 : i32
        %dma_wait3A_1140 = arith.constant 0 : i32
        %dma_wait3A_1141 = tpu.memref_slice %arg6[%dma_wait3A_1139, %dma_wait3A_1140] : memref<2x1024xf32, #tpu.memory_space<vmem>> -> memref<1x1024xf32, #tpu.memory_space<vmem>>
        %dma_wait3A_1142 = tpu.memref_squeeze %dma_wait3A_1141 : memref<1x1024xf32, #tpu.memory_space<vmem>> -> memref<1024xf32, #tpu.memory_space<vmem>>
        %dma_wait3A_1143 = arith.constant 0 : i32
        %dma_wait3A_1144 = tpu.memref_slice %arg4[%multiple_of3A, %dma_wait3A_1143] : memref<32768x1024xf32, #tpu.memory_space<hbm>> -> memref<1x1024xf32, #tpu.memory_space<hbm>>
        %dma_wait3A_1145 = tpu.memref_squeeze %dma_wait3A_1144 : memref<1x1024xf32, #tpu.memory_space<hbm>> -> memref<1024xf32, #tpu.memory_space<hbm>>
        %dma_wait3A_1146 = arith.constant 0 : i32
        %dma_wait3A_1147 = tpu.memref_slice %arg4[%multiple_of3A, %dma_wait3A_1146] : memref<32768x1024xf32, #tpu.memory_space<hbm>> -> memref<1x1024xf32, #tpu.memory_space<hbm>>
        %dma_wait3A_1148 = tpu.memref_squeeze %dma_wait3A_1147 : memref<1x1024xf32, #tpu.memory_space<hbm>> -> memref<1024xf32, #tpu.memory_space<hbm>>
        %dma_wait3A_1149 = arith.constant 0 : i32
        %dma_wait3A_1150 = tpu.memref_slice %arg6[%dma_wait3A_1139, %dma_wait3A_1149] : memref<2x1024xf32, #tpu.memory_space<vmem>> -> memref<1x1024xf32, #tpu.memory_space<vmem>>
        %dma_wait3A_1151 = tpu.memref_squeeze %dma_wait3A_1150 : memref<1x1024xf32, #tpu.memory_space<vmem>> -> memref<1024xf32, #tpu.memory_space<vmem>>
        tpu.wait_dma2 semaphore(%arg7 : memref<!tpu.dma_semaphore, #tpu.memory_space<semaphore_mem>>) src(%dma_wait3A_1151 : memref<1024xf32, #tpu.memory_space<vmem>>) dst(%dma_wait3A_1148 : memref<1024xf32, #tpu.memory_space<hbm>>)
        %dma_wait3A_1152 = arith.constant 0 : i32
        %dma_wait3A_1153 = arith.constant 0 : i32
        %dma_wait3A_1154 = tpu.memref_slice %arg6[%dma_wait3A_1152, %dma_wait3A_1153] : memref<2x1024xf32, #tpu.memory_space<vmem>> -> memref<1x1024xf32, #tpu.memory_space<vmem>>
        %dma_wait3A_1155 = tpu.memref_squeeze %dma_wait3A_1154 : memref<1x1024xf32, #tpu.memory_space<vmem>> -> memref<1024xf32, #tpu.memory_space<vmem>>
        %dma_wait3A_1156 = arith.constant 0 : i32
        %dma_wait3A_1157 = tpu.memref_slice %arg4[%multiple_of3A, %dma_wait3A_1156] : memref<32768x1024xf32, #tpu.memory_space<hbm>> -> memref<1x1024xf32, #tpu.memory_space<hbm>>
        %dma_wait3A_1158 = tpu.memref_squeeze %dma_wait3A_1157 : memref<1x1024xf32, #tpu.memory_space<hbm>> -> memref<1024xf32, #tpu.memory_space<hbm>>
        %dma_wait3A_1159 = arith.constant 0 : i32
        %dma_wait3A_1160 = tpu.memref_slice %arg4[%multiple_of3A, %dma_wait3A_1159] : memref<32768x1024xf32, #tpu.memory_space<hbm>> -> memref<1x1024xf32, #tpu.memory_space<hbm>>
        %dma_wait3A_1161 = tpu.memref_squeeze %dma_wait3A_1160 : memref<1x1024xf32, #tpu.memory_space<hbm>> -> memref<1024xf32, #tpu.memory_space<hbm>>
        %dma_wait3A_1162 = arith.constant 0 : i32
        %dma_wait3A_1163 = tpu.memref_slice %arg6[%dma_wait3A_1152, %dma_wait3A_1162] : memref<2x1024xf32, #tpu.memory_space<vmem>> -> memref<1x1024xf32, #tpu.memory_space<vmem>>
        %dma_wait3A_1164 = tpu.memref_squeeze %dma_wait3A_1163 : memref<1x1024xf32, #tpu.memory_space<vmem>> -> memref<1024xf32, #tpu.memory_space<vmem>>
        tpu.wait_dma2 semaphore(%arg7 : memref<!tpu.dma_semaphore, #tpu.memory_space<semaphore_mem>>) src(%dma_wait3A_1164 : memref<1024xf32, #tpu.memory_space<vmem>>) dst(%dma_wait3A_1161 : memref<1024xf32, #tpu.memory_space<hbm>>)
        %dma_wait3A_1165 = arith.constant 0 : i32
        %dma_wait3A_1166 = arith.constant 0 : i32
        %dma_wait3A_1167 = tpu.memref_slice %arg6[%dma_wait3A_1165, %dma_wait3A_1166] : memref<2x1024xf32, #tpu.memory_space<vmem>> -> memref<1x1024xf32, #tpu.memory_space<vmem>>
        %dma_wait3A_1168 = tpu.memref_squeeze %dma_wait3A_1167 : memref<1x1024xf32, #tpu.memory_space<vmem>> -> memref<1024xf32, #tpu.memory_space<vmem>>
        %dma_wait3A_1169 = arith.constant 0 : i32
        %dma_wait3A_1170 = tpu.memref_slice %arg4[%multiple_of3A, %dma_wait3A_1169] : memref<32768x1024xf32, #tpu.memory_space<hbm>> -> memref<1x1024xf32, #tpu.memory_space<hbm>>
        %dma_wait3A_1171 = tpu.memref_squeeze %dma_wait3A_1170 : memref<1x1024xf32, #tpu.memory_space<hbm>> -> memref<1024xf32, #tpu.memory_space<hbm>>
        %dma_wait3A_1172 = arith.constant 0 : i32
        %dma_wait3A_1173 = tpu.memref_slice %arg4[%multiple_of3A, %dma_wait3A_1172] : memref<32768x1024xf32, #tpu.memory_space<hbm>> -> memref<1x1024xf32, #tpu.memory_space<hbm>>
        %dma_wait3A_1174 = tpu.memref_squeeze %dma_wait3A_1173 : memref<1x1024xf32, #tpu.memory_space<hbm>> -> memref<1024xf32, #tpu.memory_space<hbm>>
        %dma_wait3A_1175 = arith.constant 0 : i32
        %dma_wait3A_1176 = tpu.memref_slice %arg6[%dma_wait3A_1165, %dma_wait3A_1175] : memref<2x1024xf32, #tpu.memory_space<vmem>> -> memref<1x1024xf32, #tpu.memory_space<vmem>>
        %dma_wait3A_1177 = tpu.memref_squeeze %dma_wait3A_1176 : memref<1x1024xf32, #tpu.memory_space<vmem>> -> memref<1024xf32, #tpu.memory_space<vmem>>
        tpu.wait_dma2 semaphore(%arg7 : memref<!tpu.dma_semaphore, #tpu.memory_space<semaphore_mem>>) src(%dma_wait3A_1177 : memref<1024xf32, #tpu.memory_space<vmem>>) dst(%dma_wait3A_1174 : memref<1024xf32, #tpu.memory_space<hbm>>)
      } else {
      }
    }
    %while3A_36 = arith.constant 1 : i32
    scf.for %while3A_661 = %while3A_34 to %while3A_30 step %while3A_36  : i32 {
      %mul3A_662 = arith.constant 16 : i32
      %mul3A_663 = arith.muli %while3A_661, %mul3A_662 : i32
      %get3A = arith.index_cast %mul3A_663 : i32 to index
      %get3A_664 = tpu.vector_load %arg5[%get3A] {strides = array<i32>} : memref<1072xi32, #tpu.memory_space<vmem>>, vector<16xi32>,
      %get3A_665 = vector.shape_cast %get3A_664 : vector<16xi32> to vector<16xi32>
      %slice3A = vector.extract_strided_slice %get3A_665 {offsets = [0], sizes = [1], strides = [1]} : vector<16xi32> to vector<1xi32>
      %squeeze3A = vector.extract %slice3A[0] : i32 from vector<1xi32>
      %mul3A_666 = arith.constant 16 : i32
      %mul3A_667 = arith.muli %while3A_661, %mul3A_666 : i32
      %add3A_668 = arith.addi %multiple_of3A, %mul3A_667 : i32
      %add3A_669 = arith.constant 0 : i32
      %add3A_670 = arith.addi %add3A_668, %add3A_669 : i32
      %dma_start3A_671 = arith.constant 0 : i32
      %dma_start3A_672 = tpu.memref_slice %arg6[%squeeze3A, %dma_start3A_671] : memref<2x1024xf32, #tpu.memory_space<vmem>> -> memref<1x1024xf32, #tpu.memory_space<vmem>>
      %dma_start3A_673 = tpu.memref_squeeze %dma_start3A_672 : memref<1x1024xf32, #tpu.memory_space<vmem>> -> memref<1024xf32, #tpu.memory_space<vmem>>
      %dma_start3A_674 = arith.constant 0 : i32
      %dma_start3A_675 = tpu.memref_slice %arg4[%add3A_670, %dma_start3A_674] : memref<32768x1024xf32, #tpu.memory_space<hbm>> -> memref<1x1024xf32, #tpu.memory_space<hbm>>
      %dma_start3A_676 = tpu.memref_squeeze %dma_start3A_675 : memref<1x1024xf32, #tpu.memory_space<hbm>> -> memref<1024xf32, #tpu.memory_space<hbm>>
      %dma_start3A_677 = arith.constant 0 : i32
      %dma_start3A_678 = tpu.memref_slice %arg4[%add3A_670, %dma_start3A_677] : memref<32768x1024xf32, #tpu.memory_space<hbm>> -> memref<1x1024xf32, #tpu.memory_space<hbm>>
      %dma_start3A_679 = tpu.memref_squeeze %dma_start3A_678 : memref<1x1024xf32, #tpu.memory_space<hbm>> -> memref<1024xf32, #tpu.memory_space<hbm>>
      %dma_start3A_680 = arith.constant 0 : i32
      %dma_start3A_681 = tpu.memref_slice %arg6[%squeeze3A, %dma_start3A_680] : memref<2x1024xf32, #tpu.memory_space<vmem>> -> memref<1x1024xf32, #tpu.memory_space<vmem>>
      %dma_start3A_682 = tpu.memref_squeeze %dma_start3A_681 : memref<1x1024xf32, #tpu.memory_space<vmem>> -> memref<1024xf32, #tpu.memory_space<vmem>>
      tpu.enqueue_dma source(%dma_start3A_682 : memref<1024xf32, #tpu.memory_space<vmem>>) target(%dma_start3A_679 : memref<1024xf32, #tpu.memory_space<hbm>>) target_semaphore(%arg7 : memref<!tpu.dma_semaphore, #tpu.memory_space<semaphore_mem>>)
      %slice3A_683 = vector.extract_strided_slice %get3A_665 {offsets = [1], sizes = [1], strides = [1]} : vector<16xi32> to vector<1xi32>
      %squeeze3A_684 = vector.extract %slice3A_683[0] : i32 from vector<1xi32>
      %mul3A_685 = arith.constant 16 : i32
      %mul3A_686 = arith.muli %while3A_661, %mul3A_685 : i32
      %add3A_687 = arith.addi %multiple_of3A, %mul3A_686 : i32
      %add3A_688 = arith.constant 1 : i32
      %add3A_689 = arith.addi %add3A_687, %add3A_688 : i32
      %dma_start3A_690 = arith.constant 0 : i32
      %dma_start3A_691 = tpu.memref_slice %arg6[%squeeze3A_684, %dma_start3A_690] : memref<2x1024xf32, #tpu.memory_space<vmem>> -> memref<1x1024xf32, #tpu.memory_space<vmem>>
      %dma_start3A_692 = tpu.memref_squeeze %dma_start3A_691 : memref<1x1024xf32, #tpu.memory_space<vmem>> -> memref<1024xf32, #tpu.memory_space<vmem>>
      %dma_start3A_693 = arith.constant 0 : i32
      %dma_start3A_694 = tpu.memref_slice %arg4[%add3A_689, %dma_start3A_693] : memref<32768x1024xf32, #tpu.memory_space<hbm>> -> memref<1x1024xf32, #tpu.memory_space<hbm>>
      %dma_start3A_695 = tpu.memref_squeeze %dma_start3A_694 : memref<1x1024xf32, #tpu.memory_space<hbm>> -> memref<1024xf32, #tpu.memory_space<hbm>>
      %dma_start3A_696 = arith.constant 0 : i32
      %dma_start3A_697 = tpu.memref_slice %arg4[%add3A_689, %dma_start3A_696] : memref<32768x1024xf32, #tpu.memory_space<hbm>> -> memref<1x1024xf32, #tpu.memory_space<hbm>>
      %dma_start3A_698 = tpu.memref_squeeze %dma_start3A_697 : memref<1x1024xf32, #tpu.memory_space<hbm>> -> memref<1024xf32, #tpu.memory_space<hbm>>
      %dma_start3A_699 = arith.constant 0 : i32
      %dma_start3A_700 = tpu.memref_slice %arg6[%squeeze3A_684, %dma_start3A_699] : memref<2x1024xf32, #tpu.memory_space<vmem>> -> memref<1x1024xf32, #tpu.memory_space<vmem>>
      %dma_start3A_701 = tpu.memref_squeeze %dma_start3A_700 : memref<1x1024xf32, #tpu.memory_space<vmem>> -> memref<1024xf32, #tpu.memory_space<vmem>>
      tpu.enqueue_dma source(%dma_start3A_701 : memref<1024xf32, #tpu.memory_space<vmem>>) target(%dma_start3A_698 : memref<1024xf32, #tpu.memory_space<hbm>>) target_semaphore(%arg7 : memref<!tpu.dma_semaphore, #tpu.memory_space<semaphore_mem>>)
      %slice3A_702 = vector.extract_strided_slice %get3A_665 {offsets = [2], sizes = [1], strides = [1]} : vector<16xi32> to vector<1xi32>
      %squeeze3A_703 = vector.extract %slice3A_702[0] : i32 from vector<1xi32>
      %mul3A_704 = arith.constant 16 : i32
      %mul3A_705 = arith.muli %while3A_661, %mul3A_704 : i32
      %add3A_706 = arith.addi %multiple_of3A, %mul3A_705 : i32
      %add3A_707 = arith.constant 2 : i32
      %add3A_708 = arith.addi %add3A_706, %add3A_707 : i32
      %dma_start3A_709 = arith.constant 0 : i32
      %dma_start3A_710 = tpu.memref_slice %arg6[%squeeze3A_703, %dma_start3A_709] : memref<2x1024xf32, #tpu.memory_space<vmem>> -> memref<1x1024xf32, #tpu.memory_space<vmem>>
      %dma_start3A_711 = tpu.memref_squeeze %dma_start3A_710 : memref<1x1024xf32, #tpu.memory_space<vmem>> -> memref<1024xf32, #tpu.memory_space<vmem>>
      %dma_start3A_712 = arith.constant 0 : i32
      %dma_start3A_713 = tpu.memref_slice %arg4[%add3A_708, %dma_start3A_712] : memref<32768x1024xf32, #tpu.memory_space<hbm>> -> memref<1x1024xf32, #tpu.memory_space<hbm>>
      %dma_start3A_714 = tpu.memref_squeeze %dma_start3A_713 : memref<1x1024xf32, #tpu.memory_space<hbm>> -> memref<1024xf32, #tpu.memory_space<hbm>>
      %dma_start3A_715 = arith.constant 0 : i32
      %dma_start3A_716 = tpu.memref_slice %arg4[%add3A_708, %dma_start3A_715] : memref<32768x1024xf32, #tpu.memory_space<hbm>> -> memref<1x1024xf32, #tpu.memory_space<hbm>>
      %dma_start3A_717 = tpu.memref_squeeze %dma_start3A_716 : memref<1x1024xf32, #tpu.memory_space<hbm>> -> memref<1024xf32, #tpu.memory_space<hbm>>
      %dma_start3A_718 = arith.constant 0 : i32
      %dma_start3A_719 = tpu.memref_slice %arg6[%squeeze3A_703, %dma_start3A_718] : memref<2x1024xf32, #tpu.memory_space<vmem>> -> memref<1x1024xf32, #tpu.memory_space<vmem>>
      %dma_start3A_720 = tpu.memref_squeeze %dma_start3A_719 : memref<1x1024xf32, #tpu.memory_space<vmem>> -> memref<1024xf32, #tpu.memory_space<vmem>>
      tpu.enqueue_dma source(%dma_start3A_720 : memref<1024xf32, #tpu.memory_space<vmem>>) target(%dma_start3A_717 : memref<1024xf32, #tpu.memory_space<hbm>>) target_semaphore(%arg7 : memref<!tpu.dma_semaphore, #tpu.memory_space<semaphore_mem>>)
      %slice3A_721 = vector.extract_strided_slice %get3A_665 {offsets = [3], sizes = [1], strides = [1]} : vector<16xi32> to vector<1xi32>
      %squeeze3A_722 = vector.extract %slice3A_721[0] : i32 from vector<1xi32>
      %mul3A_723 = arith.constant 16 : i32
      %mul3A_724 = arith.muli %while3A_661, %mul3A_723 : i32
      %add3A_725 = arith.addi %multiple_of3A, %mul3A_724 : i32
      %add3A_726 = arith.constant 3 : i32
      %add3A_727 = arith.addi %add3A_725, %add3A_726 : i32
      %dma_start3A_728 = arith.constant 0 : i32
      %dma_start3A_729 = tpu.memref_slice %arg6[%squeeze3A_722, %dma_start3A_728] : memref<2x1024xf32, #tpu.memory_space<vmem>> -> memref<1x1024xf32, #tpu.memory_space<vmem>>
      %dma_start3A_730 = tpu.memref_squeeze %dma_start3A_729 : memref<1x1024xf32, #tpu.memory_space<vmem>> -> memref<1024xf32, #tpu.memory_space<vmem>>
      %dma_start3A_731 = arith.constant 0 : i32
      %dma_start3A_732 = tpu.memref_slice %arg4[%add3A_727, %dma_start3A_731] : memref<32768x1024xf32, #tpu.memory_space<hbm>> -> memref<1x1024xf32, #tpu.memory_space<hbm>>
      %dma_start3A_733 = tpu.memref_squeeze %dma_start3A_732 : memref<1x1024xf32, #tpu.memory_space<hbm>> -> memref<1024xf32, #tpu.memory_space<hbm>>
      %dma_start3A_734 = arith.constant 0 : i32
      %dma_start3A_735 = tpu.memref_slice %arg4[%add3A_727, %dma_start3A_734] : memref<32768x1024xf32, #tpu.memory_space<hbm>> -> memref<1x1024xf32, #tpu.memory_space<hbm>>
      %dma_start3A_736 = tpu.memref_squeeze %dma_start3A_735 : memref<1x1024xf32, #tpu.memory_space<hbm>> -> memref<1024xf32, #tpu.memory_space<hbm>>
      %dma_start3A_737 = arith.constant 0 : i32
      %dma_start3A_738 = tpu.memref_slice %arg6[%squeeze3A_722, %dma_start3A_737] : memref<2x1024xf32, #tpu.memory_space<vmem>> -> memref<1x1024xf32, #tpu.memory_space<vmem>>
      %dma_start3A_739 = tpu.memref_squeeze %dma_start3A_738 : memref<1x1024xf32, #tpu.memory_space<vmem>> -> memref<1024xf32, #tpu.memory_space<vmem>>
      tpu.enqueue_dma source(%dma_start3A_739 : memref<1024xf32, #tpu.memory_space<vmem>>) target(%dma_start3A_736 : memref<1024xf32, #tpu.memory_space<hbm>>) target_semaphore(%arg7 : memref<!tpu.dma_semaphore, #tpu.memory_space<semaphore_mem>>)
      %slice3A_740 = vector.extract_strided_slice %get3A_665 {offsets = [4], sizes = [1], strides = [1]} : vector<16xi32> to vector<1xi32>
      %squeeze3A_741 = vector.extract %slice3A_740[0] : i32 from vector<1xi32>
      %mul3A_742 = arith.constant 16 : i32
      %mul3A_743 = arith.muli %while3A_661, %mul3A_742 : i32
      %add3A_744 = arith.addi %multiple_of3A, %mul3A_743 : i32
      %add3A_745 = arith.constant 4 : i32
      %add3A_746 = arith.addi %add3A_744, %add3A_745 : i32
      %dma_start3A_747 = arith.constant 0 : i32
      %dma_start3A_748 = tpu.memref_slice %arg6[%squeeze3A_741, %dma_start3A_747] : memref<2x1024xf32, #tpu.memory_space<vmem>> -> memref<1x1024xf32, #tpu.memory_space<vmem>>
      %dma_start3A_749 = tpu.memref_squeeze %dma_start3A_748 : memref<1x1024xf32, #tpu.memory_space<vmem>> -> memref<1024xf32, #tpu.memory_space<vmem>>
      %dma_start3A_750 = arith.constant 0 : i32
      %dma_start3A_751 = tpu.memref_slice %arg4[%add3A_746, %dma_start3A_750] : memref<32768x1024xf32, #tpu.memory_space<hbm>> -> memref<1x1024xf32, #tpu.memory_space<hbm>>
      %dma_start3A_752 = tpu.memref_squeeze %dma_start3A_751 : memref<1x1024xf32, #tpu.memory_space<hbm>> -> memref<1024xf32, #tpu.memory_space<hbm>>
      %dma_start3A_753 = arith.constant 0 : i32
      %dma_start3A_754 = tpu.memref_slice %arg4[%add3A_746, %dma_start3A_753] : memref<32768x1024xf32, #tpu.memory_space<hbm>> -> memref<1x1024xf32, #tpu.memory_space<hbm>>
      %dma_start3A_755 = tpu.memref_squeeze %dma_start3A_754 : memref<1x1024xf32, #tpu.memory_space<hbm>> -> memref<1024xf32, #tpu.memory_space<hbm>>
      %dma_start3A_756 = arith.constant 0 : i32
      %dma_start3A_757 = tpu.memref_slice %arg6[%squeeze3A_741, %dma_start3A_756] : memref<2x1024xf32, #tpu.memory_space<vmem>> -> memref<1x1024xf32, #tpu.memory_space<vmem>>
      %dma_start3A_758 = tpu.memref_squeeze %dma_start3A_757 : memref<1x1024xf32, #tpu.memory_space<vmem>> -> memref<1024xf32, #tpu.memory_space<vmem>>
      tpu.enqueue_dma source(%dma_start3A_758 : memref<1024xf32, #tpu.memory_space<vmem>>) target(%dma_start3A_755 : memref<1024xf32, #tpu.memory_space<hbm>>) target_semaphore(%arg7 : memref<!tpu.dma_semaphore, #tpu.memory_space<semaphore_mem>>)
      %slice3A_759 = vector.extract_strided_slice %get3A_665 {offsets = [5], sizes = [1], strides = [1]} : vector<16xi32> to vector<1xi32>
      %squeeze3A_760 = vector.extract %slice3A_759[0] : i32 from vector<1xi32>
      %mul3A_761 = arith.constant 16 : i32
      %mul3A_762 = arith.muli %while3A_661, %mul3A_761 : i32
      %add3A_763 = arith.addi %multiple_of3A, %mul3A_762 : i32
      %add3A_764 = arith.constant 5 : i32
      %add3A_765 = arith.addi %add3A_763, %add3A_764 : i32
      %dma_start3A_766 = arith.constant 0 : i32
      %dma_start3A_767 = tpu.memref_slice %arg6[%squeeze3A_760, %dma_start3A_766] : memref<2x1024xf32, #tpu.memory_space<vmem>> -> memref<1x1024xf32, #tpu.memory_space<vmem>>
      %dma_start3A_768 = tpu.memref_squeeze %dma_start3A_767 : memref<1x1024xf32, #tpu.memory_space<vmem>> -> memref<1024xf32, #tpu.memory_space<vmem>>
      %dma_start3A_769 = arith.constant 0 : i32
      %dma_start3A_770 = tpu.memref_slice %arg4[%add3A_765, %dma_start3A_769] : memref<32768x1024xf32, #tpu.memory_space<hbm>> -> memref<1x1024xf32, #tpu.memory_space<hbm>>
      %dma_start3A_771 = tpu.memref_squeeze %dma_start3A_770 : memref<1x1024xf32, #tpu.memory_space<hbm>> -> memref<1024xf32, #tpu.memory_space<hbm>>
      %dma_start3A_772 = arith.constant 0 : i32
      %dma_start3A_773 = tpu.memref_slice %arg4[%add3A_765, %dma_start3A_772] : memref<32768x1024xf32, #tpu.memory_space<hbm>> -> memref<1x1024xf32, #tpu.memory_space<hbm>>
      %dma_start3A_774 = tpu.memref_squeeze %dma_start3A_773 : memref<1x1024xf32, #tpu.memory_space<hbm>> -> memref<1024xf32, #tpu.memory_space<hbm>>
      %dma_start3A_775 = arith.constant 0 : i32
      %dma_start3A_776 = tpu.memref_slice %arg6[%squeeze3A_760, %dma_start3A_775] : memref<2x1024xf32, #tpu.memory_space<vmem>> -> memref<1x1024xf32, #tpu.memory_space<vmem>>
      %dma_start3A_777 = tpu.memref_squeeze %dma_start3A_776 : memref<1x1024xf32, #tpu.memory_space<vmem>> -> memref<1024xf32, #tpu.memory_space<vmem>>
      tpu.enqueue_dma source(%dma_start3A_777 : memref<1024xf32, #tpu.memory_space<vmem>>) target(%dma_start3A_774 : memref<1024xf32, #tpu.memory_space<hbm>>) target_semaphore(%arg7 : memref<!tpu.dma_semaphore, #tpu.memory_space<semaphore_mem>>)
      %slice3A_778 = vector.extract_strided_slice %get3A_665 {offsets = [6], sizes = [1], strides = [1]} : vector<16xi32> to vector<1xi32>
      %squeeze3A_779 = vector.extract %slice3A_778[0] : i32 from vector<1xi32>
      %mul3A_780 = arith.constant 16 : i32
      %mul3A_781 = arith.muli %while3A_661, %mul3A_780 : i32
      %add3A_782 = arith.addi %multiple_of3A, %mul3A_781 : i32
      %add3A_783 = arith.constant 6 : i32
      %add3A_784 = arith.addi %add3A_782, %add3A_783 : i32
      %dma_start3A_785 = arith.constant 0 : i32
      %dma_start3A_786 = tpu.memref_slice %arg6[%squeeze3A_779, %dma_start3A_785] : memref<2x1024xf32, #tpu.memory_space<vmem>> -> memref<1x1024xf32, #tpu.memory_space<vmem>>
      %dma_start3A_787 = tpu.memref_squeeze %dma_start3A_786 : memref<1x1024xf32, #tpu.memory_space<vmem>> -> memref<1024xf32, #tpu.memory_space<vmem>>
      %dma_start3A_788 = arith.constant 0 : i32
      %dma_start3A_789 = tpu.memref_slice %arg4[%add3A_784, %dma_start3A_788] : memref<32768x1024xf32, #tpu.memory_space<hbm>> -> memref<1x1024xf32, #tpu.memory_space<hbm>>
      %dma_start3A_790 = tpu.memref_squeeze %dma_start3A_789 : memref<1x1024xf32, #tpu.memory_space<hbm>> -> memref<1024xf32, #tpu.memory_space<hbm>>
      %dma_start3A_791 = arith.constant 0 : i32
      %dma_start3A_792 = tpu.memref_slice %arg4[%add3A_784, %dma_start3A_791] : memref<32768x1024xf32, #tpu.memory_space<hbm>> -> memref<1x1024xf32, #tpu.memory_space<hbm>>
      %dma_start3A_793 = tpu.memref_squeeze %dma_start3A_792 : memref<1x1024xf32, #tpu.memory_space<hbm>> -> memref<1024xf32, #tpu.memory_space<hbm>>
      %dma_start3A_794 = arith.constant 0 : i32
      %dma_start3A_795 = tpu.memref_slice %arg6[%squeeze3A_779, %dma_start3A_794] : memref<2x1024xf32, #tpu.memory_space<vmem>> -> memref<1x1024xf32, #tpu.memory_space<vmem>>
      %dma_start3A_796 = tpu.memref_squeeze %dma_start3A_795 : memref<1x1024xf32, #tpu.memory_space<vmem>> -> memref<1024xf32, #tpu.memory_space<vmem>>
      tpu.enqueue_dma source(%dma_start3A_796 : memref<1024xf32, #tpu.memory_space<vmem>>) target(%dma_start3A_793 : memref<1024xf32, #tpu.memory_space<hbm>>) target_semaphore(%arg7 : memref<!tpu.dma_semaphore, #tpu.memory_space<semaphore_mem>>)
      %slice3A_797 = vector.extract_strided_slice %get3A_665 {offsets = [7], sizes = [1], strides = [1]} : vector<16xi32> to vector<1xi32>
      %squeeze3A_798 = vector.extract %slice3A_797[0] : i32 from vector<1xi32>
      %mul3A_799 = arith.constant 16 : i32
      %mul3A_800 = arith.muli %while3A_661, %mul3A_799 : i32
      %add3A_801 = arith.addi %multiple_of3A, %mul3A_800 : i32
      %add3A_802 = arith.constant 7 : i32
      %add3A_803 = arith.addi %add3A_801, %add3A_802 : i32
      %dma_start3A_804 = arith.constant 0 : i32
      %dma_start3A_805 = tpu.memref_slice %arg6[%squeeze3A_798, %dma_start3A_804] : memref<2x1024xf32, #tpu.memory_space<vmem>> -> memref<1x1024xf32, #tpu.memory_space<vmem>>
      %dma_start3A_806 = tpu.memref_squeeze %dma_start3A_805 : memref<1x1024xf32, #tpu.memory_space<vmem>> -> memref<1024xf32, #tpu.memory_space<vmem>>
      %dma_start3A_807 = arith.constant 0 : i32
      %dma_start3A_808 = tpu.memref_slice %arg4[%add3A_803, %dma_start3A_807] : memref<32768x1024xf32, #tpu.memory_space<hbm>> -> memref<1x1024xf32, #tpu.memory_space<hbm>>
      %dma_start3A_809 = tpu.memref_squeeze %dma_start3A_808 : memref<1x1024xf32, #tpu.memory_space<hbm>> -> memref<1024xf32, #tpu.memory_space<hbm>>
      %dma_start3A_810 = arith.constant 0 : i32
      %dma_start3A_811 = tpu.memref_slice %arg4[%add3A_803, %dma_start3A_810] : memref<32768x1024xf32, #tpu.memory_space<hbm>> -> memref<1x1024xf32, #tpu.memory_space<hbm>>
      %dma_start3A_812 = tpu.memref_squeeze %dma_start3A_811 : memref<1x1024xf32, #tpu.memory_space<hbm>> -> memref<1024xf32, #tpu.memory_space<hbm>>
      %dma_start3A_813 = arith.constant 0 : i32
      %dma_start3A_814 = tpu.memref_slice %arg6[%squeeze3A_798, %dma_start3A_813] : memref<2x1024xf32, #tpu.memory_space<vmem>> -> memref<1x1024xf32, #tpu.memory_space<vmem>>
      %dma_start3A_815 = tpu.memref_squeeze %dma_start3A_814 : memref<1x1024xf32, #tpu.memory_space<vmem>> -> memref<1024xf32, #tpu.memory_space<vmem>>
      tpu.enqueue_dma source(%dma_start3A_815 : memref<1024xf32, #tpu.memory_space<vmem>>) target(%dma_start3A_812 : memref<1024xf32, #tpu.memory_space<hbm>>) target_semaphore(%arg7 : memref<!tpu.dma_semaphore, #tpu.memory_space<semaphore_mem>>)
      %slice3A_816 = vector.extract_strided_slice %get3A_665 {offsets = [8], sizes = [1], strides = [1]} : vector<16xi32> to vector<1xi32>
      %squeeze3A_817 = vector.extract %slice3A_816[0] : i32 from vector<1xi32>
      %mul3A_818 = arith.constant 16 : i32
      %mul3A_819 = arith.muli %while3A_661, %mul3A_818 : i32
      %add3A_820 = arith.addi %multiple_of3A, %mul3A_819 : i32
      %add3A_821 = arith.constant 8 : i32
      %add3A_822 = arith.addi %add3A_820, %add3A_821 : i32
      %dma_start3A_823 = arith.constant 0 : i32
      %dma_start3A_824 = tpu.memref_slice %arg6[%squeeze3A_817, %dma_start3A_823] : memref<2x1024xf32, #tpu.memory_space<vmem>> -> memref<1x1024xf32, #tpu.memory_space<vmem>>
      %dma_start3A_825 = tpu.memref_squeeze %dma_start3A_824 : memref<1x1024xf32, #tpu.memory_space<vmem>> -> memref<1024xf32, #tpu.memory_space<vmem>>
      %dma_start3A_826 = arith.constant 0 : i32
      %dma_start3A_827 = tpu.memref_slice %arg4[%add3A_822, %dma_start3A_826] : memref<32768x1024xf32, #tpu.memory_space<hbm>> -> memref<1x1024xf32, #tpu.memory_space<hbm>>
      %dma_start3A_828 = tpu.memref_squeeze %dma_start3A_827 : memref<1x1024xf32, #tpu.memory_space<hbm>> -> memref<1024xf32, #tpu.memory_space<hbm>>
      %dma_start3A_829 = arith.constant 0 : i32
      %dma_start3A_830 = tpu.memref_slice %arg4[%add3A_822, %dma_start3A_829] : memref<32768x1024xf32, #tpu.memory_space<hbm>> -> memref<1x1024xf32, #tpu.memory_space<hbm>>
      %dma_start3A_831 = tpu.memref_squeeze %dma_start3A_830 : memref<1x1024xf32, #tpu.memory_space<hbm>> -> memref<1024xf32, #tpu.memory_space<hbm>>
      %dma_start3A_832 = arith.constant 0 : i32
      %dma_start3A_833 = tpu.memref_slice %arg6[%squeeze3A_817, %dma_start3A_832] : memref<2x1024xf32, #tpu.memory_space<vmem>> -> memref<1x1024xf32, #tpu.memory_space<vmem>>
      %dma_start3A_834 = tpu.memref_squeeze %dma_start3A_833 : memref<1x1024xf32, #tpu.memory_space<vmem>> -> memref<1024xf32, #tpu.memory_space<vmem>>
      tpu.enqueue_dma source(%dma_start3A_834 : memref<1024xf32, #tpu.memory_space<vmem>>) target(%dma_start3A_831 : memref<1024xf32, #tpu.memory_space<hbm>>) target_semaphore(%arg7 : memref<!tpu.dma_semaphore, #tpu.memory_space<semaphore_mem>>)
      %slice3A_835 = vector.extract_strided_slice %get3A_665 {offsets = [9], sizes = [1], strides = [1]} : vector<16xi32> to vector<1xi32>
      %squeeze3A_836 = vector.extract %slice3A_835[0] : i32 from vector<1xi32>
      %mul3A_837 = arith.constant 16 : i32
      %mul3A_838 = arith.muli %while3A_661, %mul3A_837 : i32
      %add3A_839 = arith.addi %multiple_of3A, %mul3A_838 : i32
      %add3A_840 = arith.constant 9 : i32
      %add3A_841 = arith.addi %add3A_839, %add3A_840 : i32
      %dma_start3A_842 = arith.constant 0 : i32
      %dma_start3A_843 = tpu.memref_slice %arg6[%squeeze3A_836, %dma_start3A_842] : memref<2x1024xf32, #tpu.memory_space<vmem>> -> memref<1x1024xf32, #tpu.memory_space<vmem>>
      %dma_start3A_844 = tpu.memref_squeeze %dma_start3A_843 : memref<1x1024xf32, #tpu.memory_space<vmem>> -> memref<1024xf32, #tpu.memory_space<vmem>>
      %dma_start3A_845 = arith.constant 0 : i32
      %dma_start3A_846 = tpu.memref_slice %arg4[%add3A_841, %dma_start3A_845] : memref<32768x1024xf32, #tpu.memory_space<hbm>> -> memref<1x1024xf32, #tpu.memory_space<hbm>>
      %dma_start3A_847 = tpu.memref_squeeze %dma_start3A_846 : memref<1x1024xf32, #tpu.memory_space<hbm>> -> memref<1024xf32, #tpu.memory_space<hbm>>
      %dma_start3A_848 = arith.constant 0 : i32
      %dma_start3A_849 = tpu.memref_slice %arg4[%add3A_841, %dma_start3A_848] : memref<32768x1024xf32, #tpu.memory_space<hbm>> -> memref<1x1024xf32, #tpu.memory_space<hbm>>
      %dma_start3A_850 = tpu.memref_squeeze %dma_start3A_849 : memref<1x1024xf32, #tpu.memory_space<hbm>> -> memref<1024xf32, #tpu.memory_space<hbm>>
      %dma_start3A_851 = arith.constant 0 : i32
      %dma_start3A_852 = tpu.memref_slice %arg6[%squeeze3A_836, %dma_start3A_851] : memref<2x1024xf32, #tpu.memory_space<vmem>> -> memref<1x1024xf32, #tpu.memory_space<vmem>>
      %dma_start3A_853 = tpu.memref_squeeze %dma_start3A_852 : memref<1x1024xf32, #tpu.memory_space<vmem>> -> memref<1024xf32, #tpu.memory_space<vmem>>
      tpu.enqueue_dma source(%dma_start3A_853 : memref<1024xf32, #tpu.memory_space<vmem>>) target(%dma_start3A_850 : memref<1024xf32, #tpu.memory_space<hbm>>) target_semaphore(%arg7 : memref<!tpu.dma_semaphore, #tpu.memory_space<semaphore_mem>>)
      %slice3A_854 = vector.extract_strided_slice %get3A_665 {offsets = [10], sizes = [1], strides = [1]} : vector<16xi32> to vector<1xi32>
      %squeeze3A_855 = vector.extract %slice3A_854[0] : i32 from vector<1xi32>
      %mul3A_856 = arith.constant 16 : i32
      %mul3A_857 = arith.muli %while3A_661, %mul3A_856 : i32
      %add3A_858 = arith.addi %multiple_of3A, %mul3A_857 : i32
      %add3A_859 = arith.constant 10 : i32
      %add3A_860 = arith.addi %add3A_858, %add3A_859 : i32
      %dma_start3A_861 = arith.constant 0 : i32
      %dma_start3A_862 = tpu.memref_slice %arg6[%squeeze3A_855, %dma_start3A_861] : memref<2x1024xf32, #tpu.memory_space<vmem>> -> memref<1x1024xf32, #tpu.memory_space<vmem>>
      %dma_start3A_863 = tpu.memref_squeeze %dma_start3A_862 : memref<1x1024xf32, #tpu.memory_space<vmem>> -> memref<1024xf32, #tpu.memory_space<vmem>>
      %dma_start3A_864 = arith.constant 0 : i32
      %dma_start3A_865 = tpu.memref_slice %arg4[%add3A_860, %dma_start3A_864] : memref<32768x1024xf32, #tpu.memory_space<hbm>> -> memref<1x1024xf32, #tpu.memory_space<hbm>>
      %dma_start3A_866 = tpu.memref_squeeze %dma_start3A_865 : memref<1x1024xf32, #tpu.memory_space<hbm>> -> memref<1024xf32, #tpu.memory_space<hbm>>
      %dma_start3A_867 = arith.constant 0 : i32
      %dma_start3A_868 = tpu.memref_slice %arg4[%add3A_860, %dma_start3A_867] : memref<32768x1024xf32, #tpu.memory_space<hbm>> -> memref<1x1024xf32, #tpu.memory_space<hbm>>
      %dma_start3A_869 = tpu.memref_squeeze %dma_start3A_868 : memref<1x1024xf32, #tpu.memory_space<hbm>> -> memref<1024xf32, #tpu.memory_space<hbm>>
      %dma_start3A_870 = arith.constant 0 : i32
      %dma_start3A_871 = tpu.memref_slice %arg6[%squeeze3A_855, %dma_start3A_870] : memref<2x1024xf32, #tpu.memory_space<vmem>> -> memref<1x1024xf32, #tpu.memory_space<vmem>>
      %dma_start3A_872 = tpu.memref_squeeze %dma_start3A_871 : memref<1x1024xf32, #tpu.memory_space<vmem>> -> memref<1024xf32, #tpu.memory_space<vmem>>
      tpu.enqueue_dma source(%dma_start3A_872 : memref<1024xf32, #tpu.memory_space<vmem>>) target(%dma_start3A_869 : memref<1024xf32, #tpu.memory_space<hbm>>) target_semaphore(%arg7 : memref<!tpu.dma_semaphore, #tpu.memory_space<semaphore_mem>>)
      %slice3A_873 = vector.extract_strided_slice %get3A_665 {offsets = [11], sizes = [1], strides = [1]} : vector<16xi32> to vector<1xi32>
      %squeeze3A_874 = vector.extract %slice3A_873[0] : i32 from vector<1xi32>
      %mul3A_875 = arith.constant 16 : i32
      %mul3A_876 = arith.muli %while3A_661, %mul3A_875 : i32
      %add3A_877 = arith.addi %multiple_of3A, %mul3A_876 : i32
      %add3A_878 = arith.constant 11 : i32
      %add3A_879 = arith.addi %add3A_877, %add3A_878 : i32
      %dma_start3A_880 = arith.constant 0 : i32
      %dma_start3A_881 = tpu.memref_slice %arg6[%squeeze3A_874, %dma_start3A_880] : memref<2x1024xf32, #tpu.memory_space<vmem>> -> memref<1x1024xf32, #tpu.memory_space<vmem>>
      %dma_start3A_882 = tpu.memref_squeeze %dma_start3A_881 : memref<1x1024xf32, #tpu.memory_space<vmem>> -> memref<1024xf32, #tpu.memory_space<vmem>>
      %dma_start3A_883 = arith.constant 0 : i32
      %dma_start3A_884 = tpu.memref_slice %arg4[%add3A_879, %dma_start3A_883] : memref<32768x1024xf32, #tpu.memory_space<hbm>> -> memref<1x1024xf32, #tpu.memory_space<hbm>>
      %dma_start3A_885 = tpu.memref_squeeze %dma_start3A_884 : memref<1x1024xf32, #tpu.memory_space<hbm>> -> memref<1024xf32, #tpu.memory_space<hbm>>
      %dma_start3A_886 = arith.constant 0 : i32
      %dma_start3A_887 = tpu.memref_slice %arg4[%add3A_879, %dma_start3A_886] : memref<32768x1024xf32, #tpu.memory_space<hbm>> -> memref<1x1024xf32, #tpu.memory_space<hbm>>
      %dma_start3A_888 = tpu.memref_squeeze %dma_start3A_887 : memref<1x1024xf32, #tpu.memory_space<hbm>> -> memref<1024xf32, #tpu.memory_space<hbm>>
      %dma_start3A_889 = arith.constant 0 : i32
      %dma_start3A_890 = tpu.memref_slice %arg6[%squeeze3A_874, %dma_start3A_889] : memref<2x1024xf32, #tpu.memory_space<vmem>> -> memref<1x1024xf32, #tpu.memory_space<vmem>>
      %dma_start3A_891 = tpu.memref_squeeze %dma_start3A_890 : memref<1x1024xf32, #tpu.memory_space<vmem>> -> memref<1024xf32, #tpu.memory_space<vmem>>
      tpu.enqueue_dma source(%dma_start3A_891 : memref<1024xf32, #tpu.memory_space<vmem>>) target(%dma_start3A_888 : memref<1024xf32, #tpu.memory_space<hbm>>) target_semaphore(%arg7 : memref<!tpu.dma_semaphore, #tpu.memory_space<semaphore_mem>>)
      %slice3A_892 = vector.extract_strided_slice %get3A_665 {offsets = [12], sizes = [1], strides = [1]} : vector<16xi32> to vector<1xi32>
      %squeeze3A_893 = vector.extract %slice3A_892[0] : i32 from vector<1xi32>
      %mul3A_894 = arith.constant 16 : i32
      %mul3A_895 = arith.muli %while3A_661, %mul3A_894 : i32
      %add3A_896 = arith.addi %multiple_of3A, %mul3A_895 : i32
      %add3A_897 = arith.constant 12 : i32
      %add3A_898 = arith.addi %add3A_896, %add3A_897 : i32
      %dma_start3A_899 = arith.constant 0 : i32
      %dma_start3A_900 = tpu.memref_slice %arg6[%squeeze3A_893, %dma_start3A_899] : memref<2x1024xf32, #tpu.memory_space<vmem>> -> memref<1x1024xf32, #tpu.memory_space<vmem>>
      %dma_start3A_901 = tpu.memref_squeeze %dma_start3A_900 : memref<1x1024xf32, #tpu.memory_space<vmem>> -> memref<1024xf32, #tpu.memory_space<vmem>>
      %dma_start3A_902 = arith.constant 0 : i32
      %dma_start3A_903 = tpu.memref_slice %arg4[%add3A_898, %dma_start3A_902] : memref<32768x1024xf32, #tpu.memory_space<hbm>> -> memref<1x1024xf32, #tpu.memory_space<hbm>>
      %dma_start3A_904 = tpu.memref_squeeze %dma_start3A_903 : memref<1x1024xf32, #tpu.memory_space<hbm>> -> memref<1024xf32, #tpu.memory_space<hbm>>
      %dma_start3A_905 = arith.constant 0 : i32
      %dma_start3A_906 = tpu.memref_slice %arg4[%add3A_898, %dma_start3A_905] : memref<32768x1024xf32, #tpu.memory_space<hbm>> -> memref<1x1024xf32, #tpu.memory_space<hbm>>
      %dma_start3A_907 = tpu.memref_squeeze %dma_start3A_906 : memref<1x1024xf32, #tpu.memory_space<hbm>> -> memref<1024xf32, #tpu.memory_space<hbm>>
      %dma_start3A_908 = arith.constant 0 : i32
      %dma_start3A_909 = tpu.memref_slice %arg6[%squeeze3A_893, %dma_start3A_908] : memref<2x1024xf32, #tpu.memory_space<vmem>> -> memref<1x1024xf32, #tpu.memory_space<vmem>>
      %dma_start3A_910 = tpu.memref_squeeze %dma_start3A_909 : memref<1x1024xf32, #tpu.memory_space<vmem>> -> memref<1024xf32, #tpu.memory_space<vmem>>
      tpu.enqueue_dma source(%dma_start3A_910 : memref<1024xf32, #tpu.memory_space<vmem>>) target(%dma_start3A_907 : memref<1024xf32, #tpu.memory_space<hbm>>) target_semaphore(%arg7 : memref<!tpu.dma_semaphore, #tpu.memory_space<semaphore_mem>>)
      %slice3A_911 = vector.extract_strided_slice %get3A_665 {offsets = [13], sizes = [1], strides = [1]} : vector<16xi32> to vector<1xi32>
      %squeeze3A_912 = vector.extract %slice3A_911[0] : i32 from vector<1xi32>
      %mul3A_913 = arith.constant 16 : i32
      %mul3A_914 = arith.muli %while3A_661, %mul3A_913 : i32
      %add3A_915 = arith.addi %multiple_of3A, %mul3A_914 : i32
      %add3A_916 = arith.constant 13 : i32
      %add3A_917 = arith.addi %add3A_915, %add3A_916 : i32
      %dma_start3A_918 = arith.constant 0 : i32
      %dma_start3A_919 = tpu.memref_slice %arg6[%squeeze3A_912, %dma_start3A_918] : memref<2x1024xf32, #tpu.memory_space<vmem>> -> memref<1x1024xf32, #tpu.memory_space<vmem>>
      %dma_start3A_920 = tpu.memref_squeeze %dma_start3A_919 : memref<1x1024xf32, #tpu.memory_space<vmem>> -> memref<1024xf32, #tpu.memory_space<vmem>>
      %dma_start3A_921 = arith.constant 0 : i32
      %dma_start3A_922 = tpu.memref_slice %arg4[%add3A_917, %dma_start3A_921] : memref<32768x1024xf32, #tpu.memory_space<hbm>> -> memref<1x1024xf32, #tpu.memory_space<hbm>>
      %dma_start3A_923 = tpu.memref_squeeze %dma_start3A_922 : memref<1x1024xf32, #tpu.memory_space<hbm>> -> memref<1024xf32, #tpu.memory_space<hbm>>
      %dma_start3A_924 = arith.constant 0 : i32
      %dma_start3A_925 = tpu.memref_slice %arg4[%add3A_917, %dma_start3A_924] : memref<32768x1024xf32, #tpu.memory_space<hbm>> -> memref<1x1024xf32, #tpu.memory_space<hbm>>
      %dma_start3A_926 = tpu.memref_squeeze %dma_start3A_925 : memref<1x1024xf32, #tpu.memory_space<hbm>> -> memref<1024xf32, #tpu.memory_space<hbm>>
      %dma_start3A_927 = arith.constant 0 : i32
      %dma_start3A_928 = tpu.memref_slice %arg6[%squeeze3A_912, %dma_start3A_927] : memref<2x1024xf32, #tpu.memory_space<vmem>> -> memref<1x1024xf32, #tpu.memory_space<vmem>>
      %dma_start3A_929 = tpu.memref_squeeze %dma_start3A_928 : memref<1x1024xf32, #tpu.memory_space<vmem>> -> memref<1024xf32, #tpu.memory_space<vmem>>
      tpu.enqueue_dma source(%dma_start3A_929 : memref<1024xf32, #tpu.memory_space<vmem>>) target(%dma_start3A_926 : memref<1024xf32, #tpu.memory_space<hbm>>) target_semaphore(%arg7 : memref<!tpu.dma_semaphore, #tpu.memory_space<semaphore_mem>>)
      %slice3A_930 = vector.extract_strided_slice %get3A_665 {offsets = [14], sizes = [1], strides = [1]} : vector<16xi32> to vector<1xi32>
      %squeeze3A_931 = vector.extract %slice3A_930[0] : i32 from vector<1xi32>
      %mul3A_932 = arith.constant 16 : i32
      %mul3A_933 = arith.muli %while3A_661, %mul3A_932 : i32
      %add3A_934 = arith.addi %multiple_of3A, %mul3A_933 : i32
      %add3A_935 = arith.constant 14 : i32
      %add3A_936 = arith.addi %add3A_934, %add3A_935 : i32
      %dma_start3A_937 = arith.constant 0 : i32
      %dma_start3A_938 = tpu.memref_slice %arg6[%squeeze3A_931, %dma_start3A_937] : memref<2x1024xf32, #tpu.memory_space<vmem>> -> memref<1x1024xf32, #tpu.memory_space<vmem>>
      %dma_start3A_939 = tpu.memref_squeeze %dma_start3A_938 : memref<1x1024xf32, #tpu.memory_space<vmem>> -> memref<1024xf32, #tpu.memory_space<vmem>>
      %dma_start3A_940 = arith.constant 0 : i32
      %dma_start3A_941 = tpu.memref_slice %arg4[%add3A_936, %dma_start3A_940] : memref<32768x1024xf32, #tpu.memory_space<hbm>> -> memref<1x1024xf32, #tpu.memory_space<hbm>>
      %dma_start3A_942 = tpu.memref_squeeze %dma_start3A_941 : memref<1x1024xf32, #tpu.memory_space<hbm>> -> memref<1024xf32, #tpu.memory_space<hbm>>
      %dma_start3A_943 = arith.constant 0 : i32
      %dma_start3A_944 = tpu.memref_slice %arg4[%add3A_936, %dma_start3A_943] : memref<32768x1024xf32, #tpu.memory_space<hbm>> -> memref<1x1024xf32, #tpu.memory_space<hbm>>
      %dma_start3A_945 = tpu.memref_squeeze %dma_start3A_944 : memref<1x1024xf32, #tpu.memory_space<hbm>> -> memref<1024xf32, #tpu.memory_space<hbm>>
      %dma_start3A_946 = arith.constant 0 : i32
      %dma_start3A_947 = tpu.memref_slice %arg6[%squeeze3A_931, %dma_start3A_946] : memref<2x1024xf32, #tpu.memory_space<vmem>> -> memref<1x1024xf32, #tpu.memory_space<vmem>>
      %dma_start3A_948 = tpu.memref_squeeze %dma_start3A_947 : memref<1x1024xf32, #tpu.memory_space<vmem>> -> memref<1024xf32, #tpu.memory_space<vmem>>
      tpu.enqueue_dma source(%dma_start3A_948 : memref<1024xf32, #tpu.memory_space<vmem>>) target(%dma_start3A_945 : memref<1024xf32, #tpu.memory_space<hbm>>) target_semaphore(%arg7 : memref<!tpu.dma_semaphore, #tpu.memory_space<semaphore_mem>>)
      %slice3A_949 = vector.extract_strided_slice %get3A_665 {offsets = [15], sizes = [1], strides = [1]} : vector<16xi32> to vector<1xi32>
      %squeeze3A_950 = vector.extract %slice3A_949[0] : i32 from vector<1xi32>
      %mul3A_951 = arith.constant 16 : i32
      %mul3A_952 = arith.muli %while3A_661, %mul3A_951 : i32
      %add3A_953 = arith.addi %multiple_of3A, %mul3A_952 : i32
      %add3A_954 = arith.constant 15 : i32
      %add3A_955 = arith.addi %add3A_953, %add3A_954 : i32
      %dma_start3A_956 = arith.constant 0 : i32
      %dma_start3A_957 = tpu.memref_slice %arg6[%squeeze3A_950, %dma_start3A_956] : memref<2x1024xf32, #tpu.memory_space<vmem>> -> memref<1x1024xf32, #tpu.memory_space<vmem>>
      %dma_start3A_958 = tpu.memref_squeeze %dma_start3A_957 : memref<1x1024xf32, #tpu.memory_space<vmem>> -> memref<1024xf32, #tpu.memory_space<vmem>>
      %dma_start3A_959 = arith.constant 0 : i32
      %dma_start3A_960 = tpu.memref_slice %arg4[%add3A_955, %dma_start3A_959] : memref<32768x1024xf32, #tpu.memory_space<hbm>> -> memref<1x1024xf32, #tpu.memory_space<hbm>>
      %dma_start3A_961 = tpu.memref_squeeze %dma_start3A_960 : memref<1x1024xf32, #tpu.memory_space<hbm>> -> memref<1024xf32, #tpu.memory_space<hbm>>
      %dma_start3A_962 = arith.constant 0 : i32
      %dma_start3A_963 = tpu.memref_slice %arg4[%add3A_955, %dma_start3A_962] : memref<32768x1024xf32, #tpu.memory_space<hbm>> -> memref<1x1024xf32, #tpu.memory_space<hbm>>
      %dma_start3A_964 = tpu.memref_squeeze %dma_start3A_963 : memref<1x1024xf32, #tpu.memory_space<hbm>> -> memref<1024xf32, #tpu.memory_space<hbm>>
      %dma_start3A_965 = arith.constant 0 : i32
      %dma_start3A_966 = tpu.memref_slice %arg6[%squeeze3A_950, %dma_start3A_965] : memref<2x1024xf32, #tpu.memory_space<vmem>> -> memref<1x1024xf32, #tpu.memory_space<vmem>>
      %dma_start3A_967 = tpu.memref_squeeze %dma_start3A_966 : memref<1x1024xf32, #tpu.memory_space<vmem>> -> memref<1024xf32, #tpu.memory_space<vmem>>
      tpu.enqueue_dma source(%dma_start3A_967 : memref<1024xf32, #tpu.memory_space<vmem>>) target(%dma_start3A_964 : memref<1024xf32, #tpu.memory_space<hbm>>) target_semaphore(%arg7 : memref<!tpu.dma_semaphore, #tpu.memory_space<semaphore_mem>>)
      %ge3A = arith.constant 3 : i32
      %ge3A_968 = arith.cmpi sge, %while3A_661, %ge3A : i32
      %convert_element_type3A = arith.extui %ge3A_968 : i1 to i32
      %cond3A = arith.constant 0 : i32
      %cond3A_969 = arith.cmpi ne, %convert_element_type3A, %cond3A : i32
      scf.if %cond3A_969 {
        %dma_wait3A_970 = arith.constant 0 : i32
        %dma_wait3A_971 = arith.constant 0 : i32
        %dma_wait3A_972 = tpu.memref_slice %arg6[%dma_wait3A_970, %dma_wait3A_971] : memref<2x1024xf32, #tpu.memory_space<vmem>> -> memref<1x1024xf32, #tpu.memory_space<vmem>>
        %dma_wait3A_973 = tpu.memref_squeeze %dma_wait3A_972 : memref<1x1024xf32, #tpu.memory_space<vmem>> -> memref<1024xf32, #tpu.memory_space<vmem>>
        %dma_wait3A_974 = arith.constant 0 : i32
        %dma_wait3A_975 = tpu.memref_slice %arg4[%multiple_of3A, %dma_wait3A_974] : memref<32768x1024xf32, #tpu.memory_space<hbm>> -> memref<1x1024xf32, #tpu.memory_space<hbm>>
        %dma_wait3A_976 = tpu.memref_squeeze %dma_wait3A_975 : memref<1x1024xf32, #tpu.memory_space<hbm>> -> memref<1024xf32, #tpu.memory_space<hbm>>
        %dma_wait3A_977 = arith.constant 0 : i32
        %dma_wait3A_978 = tpu.memref_slice %arg4[%multiple_of3A, %dma_wait3A_977] : memref<32768x1024xf32, #tpu.memory_space<hbm>> -> memref<1x1024xf32, #tpu.memory_space<hbm>>
        %dma_wait3A_979 = tpu.memref_squeeze %dma_wait3A_978 : memref<1x1024xf32, #tpu.memory_space<hbm>> -> memref<1024xf32, #tpu.memory_space<hbm>>
        %dma_wait3A_980 = arith.constant 0 : i32
        %dma_wait3A_981 = tpu.memref_slice %arg6[%dma_wait3A_970, %dma_wait3A_980] : memref<2x1024xf32, #tpu.memory_space<vmem>> -> memref<1x1024xf32, #tpu.memory_space<vmem>>
        %dma_wait3A_982 = tpu.memref_squeeze %dma_wait3A_981 : memref<1x1024xf32, #tpu.memory_space<vmem>> -> memref<1024xf32, #tpu.memory_space<vmem>>
        tpu.wait_dma2 semaphore(%arg7 : memref<!tpu.dma_semaphore, #tpu.memory_space<semaphore_mem>>) src(%dma_wait3A_982 : memref<1024xf32, #tpu.memory_space<vmem>>) dst(%dma_wait3A_979 : memref<1024xf32, #tpu.memory_space<hbm>>)
        %dma_wait3A_983 = arith.constant 0 : i32
        %dma_wait3A_984 = arith.constant 0 : i32
        %dma_wait3A_985 = tpu.memref_slice %arg6[%dma_wait3A_983, %dma_wait3A_984] : memref<2x1024xf32, #tpu.memory_space<vmem>> -> memref<1x1024xf32, #tpu.memory_space<vmem>>
        %dma_wait3A_986 = tpu.memref_squeeze %dma_wait3A_985 : memref<1x1024xf32, #tpu.memory_space<vmem>> -> memref<1024xf32, #tpu.memory_space<vmem>>
        %dma_wait3A_987 = arith.constant 0 : i32
        %dma_wait3A_988 = tpu.memref_slice %arg4[%multiple_of3A, %dma_wait3A_987] : memref<32768x1024xf32, #tpu.memory_space<hbm>> -> memref<1x1024xf32, #tpu.memory_space<hbm>>
        %dma_wait3A_989 = tpu.memref_squeeze %dma_wait3A_988 : memref<1x1024xf32, #tpu.memory_space<hbm>> -> memref<1024xf32, #tpu.memory_space<hbm>>
        %dma_wait3A_990 = arith.constant 0 : i32
        %dma_wait3A_991 = tpu.memref_slice %arg4[%multiple_of3A, %dma_wait3A_990] : memref<32768x1024xf32, #tpu.memory_space<hbm>> -> memref<1x1024xf32, #tpu.memory_space<hbm>>
        %dma_wait3A_992 = tpu.memref_squeeze %dma_wait3A_991 : memref<1x1024xf32, #tpu.memory_space<hbm>> -> memref<1024xf32, #tpu.memory_space<hbm>>
        %dma_wait3A_993 = arith.constant 0 : i32
        %dma_wait3A_994 = tpu.memref_slice %arg6[%dma_wait3A_983, %dma_wait3A_993] : memref<2x1024xf32, #tpu.memory_space<vmem>> -> memref<1x1024xf32, #tpu.memory_space<vmem>>
        %dma_wait3A_995 = tpu.memref_squeeze %dma_wait3A_994 : memref<1x1024xf32, #tpu.memory_space<vmem>> -> memref<1024xf32, #tpu.memory_space<vmem>>
        tpu.wait_dma2 semaphore(%arg7 : memref<!tpu.dma_semaphore, #tpu.memory_space<semaphore_mem>>) src(%dma_wait3A_995 : memref<1024xf32, #tpu.memory_space<vmem>>) dst(%dma_wait3A_992 : memref<1024xf32, #tpu.memory_space<hbm>>)
        %dma_wait3A_996 = arith.constant 0 : i32
        %dma_wait3A_997 = arith.constant 0 : i32
        %dma_wait3A_998 = tpu.memref_slice %arg6[%dma_wait3A_996, %dma_wait3A_997] : memref<2x1024xf32, #tpu.memory_space<vmem>> -> memref<1x1024xf32, #tpu.memory_space<vmem>>
        %dma_wait3A_999 = tpu.memref_squeeze %dma_wait3A_998 : memref<1x1024xf32, #tpu.memory_space<vmem>> -> memref<1024xf32, #tpu.memory_space<vmem>>
        %dma_wait3A_1000 = arith.constant 0 : i32
        %dma_wait3A_1001 = tpu.memref_slice %arg4[%multiple_of3A, %dma_wait3A_1000] : memref<32768x1024xf32, #tpu.memory_space<hbm>> -> memref<1x1024xf32, #tpu.memory_space<hbm>>
        %dma_wait3A_1002 = tpu.memref_squeeze %dma_wait3A_1001 : memref<1x1024xf32, #tpu.memory_space<hbm>> -> memref<1024xf32, #tpu.memory_space<hbm>>
        %dma_wait3A_1003 = arith.constant 0 : i32
        %dma_wait3A_1004 = tpu.memref_slice %arg4[%multiple_of3A, %dma_wait3A_1003] : memref<32768x1024xf32, #tpu.memory_space<hbm>> -> memref<1x1024xf32, #tpu.memory_space<hbm>>
        %dma_wait3A_1005 = tpu.memref_squeeze %dma_wait3A_1004 : memref<1x1024xf32, #tpu.memory_space<hbm>> -> memref<1024xf32, #tpu.memory_space<hbm>>
        %dma_wait3A_1006 = arith.constant 0 : i32
        %dma_wait3A_1007 = tpu.memref_slice %arg6[%dma_wait3A_996, %dma_wait3A_1006] : memref<2x1024xf32, #tpu.memory_space<vmem>> -> memref<1x1024xf32, #tpu.memory_space<vmem>>
        %dma_wait3A_1008 = tpu.memref_squeeze %dma_wait3A_1007 : memref<1x1024xf32, #tpu.memory_space<vmem>> -> memref<1024xf32, #tpu.memory_space<vmem>>
        tpu.wait_dma2 semaphore(%arg7 : memref<!tpu.dma_semaphore, #tpu.memory_space<semaphore_mem>>) src(%dma_wait3A_1008 : memref<1024xf32, #tpu.memory_space<vmem>>) dst(%dma_wait3A_1005 : memref<1024xf32, #tpu.memory_space<hbm>>)
        %dma_wait3A_1009 = arith.constant 0 : i32
        %dma_wait3A_1010 = arith.constant 0 : i32
        %dma_wait3A_1011 = tpu.memref_slice %arg6[%dma_wait3A_1009, %dma_wait3A_1010] : memref<2x1024xf32, #tpu.memory_space<vmem>> -> memref<1x1024xf32, #tpu.memory_space<vmem>>
        %dma_wait3A_1012 = tpu.memref_squeeze %dma_wait3A_1011 : memref<1x1024xf32, #tpu.memory_space<vmem>> -> memref<1024xf32, #tpu.memory_space<vmem>>
        %dma_wait3A_1013 = arith.constant 0 : i32
        %dma_wait3A_1014 = tpu.memref_slice %arg4[%multiple_of3A, %dma_wait3A_1013] : memref<32768x1024xf32, #tpu.memory_space<hbm>> -> memref<1x1024xf32, #tpu.memory_space<hbm>>
        %dma_wait3A_1015 = tpu.memref_squeeze %dma_wait3A_1014 : memref<1x1024xf32, #tpu.memory_space<hbm>> -> memref<1024xf32, #tpu.memory_space<hbm>>
        %dma_wait3A_1016 = arith.constant 0 : i32
        %dma_wait3A_1017 = tpu.memref_slice %arg4[%multiple_of3A, %dma_wait3A_1016] : memref<32768x1024xf32, #tpu.memory_space<hbm>> -> memref<1x1024xf32, #tpu.memory_space<hbm>>
        %dma_wait3A_1018 = tpu.memref_squeeze %dma_wait3A_1017 : memref<1x1024xf32, #tpu.memory_space<hbm>> -> memref<1024xf32, #tpu.memory_space<hbm>>
        %dma_wait3A_1019 = arith.constant 0 : i32
        %dma_wait3A_1020 = tpu.memref_slice %arg6[%dma_wait3A_1009, %dma_wait3A_1019] : memref<2x1024xf32, #tpu.memory_space<vmem>> -> memref<1x1024xf32, #tpu.memory_space<vmem>>
        %dma_wait3A_1021 = tpu.memref_squeeze %dma_wait3A_1020 : memref<1x1024xf32, #tpu.memory_space<vmem>> -> memref<1024xf32, #tpu.memory_space<vmem>>
        tpu.wait_dma2 semaphore(%arg7 : memref<!tpu.dma_semaphore, #tpu.memory_space<semaphore_mem>>) src(%dma_wait3A_1021 : memref<1024xf32, #tpu.memory_space<vmem>>) dst(%dma_wait3A_1018 : memref<1024xf32, #tpu.memory_space<hbm>>)
        %dma_wait3A_1022 = arith.constant 0 : i32
        %dma_wait3A_1023 = arith.constant 0 : i32
        %dma_wait3A_1024 = tpu.memref_slice %arg6[%dma_wait3A_1022, %dma_wait3A_1023] : memref<2x1024xf32, #tpu.memory_space<vmem>> -> memref<1x1024xf32, #tpu.memory_space<vmem>>
        %dma_wait3A_1025 = tpu.memref_squeeze %dma_wait3A_1024 : memref<1x1024xf32, #tpu.memory_space<vmem>> -> memref<1024xf32, #tpu.memory_space<vmem>>
        %dma_wait3A_1026 = arith.constant 0 : i32
        %dma_wait3A_1027 = tpu.memref_slice %arg4[%multiple_of3A, %dma_wait3A_1026] : memref<32768x1024xf32, #tpu.memory_space<hbm>> -> memref<1x1024xf32, #tpu.memory_space<hbm>>
        %dma_wait3A_1028 = tpu.memref_squeeze %dma_wait3A_1027 : memref<1x1024xf32, #tpu.memory_space<hbm>> -> memref<1024xf32, #tpu.memory_space<hbm>>
        %dma_wait3A_1029 = arith.constant 0 : i32
        %dma_wait3A_1030 = tpu.memref_slice %arg4[%multiple_of3A, %dma_wait3A_1029] : memref<32768x1024xf32, #tpu.memory_space<hbm>> -> memref<1x1024xf32, #tpu.memory_space<hbm>>
        %dma_wait3A_1031 = tpu.memref_squeeze %dma_wait3A_1030 : memref<1x1024xf32, #tpu.memory_space<hbm>> -> memref<1024xf32, #tpu.memory_space<hbm>>
        %dma_wait3A_1032 = arith.constant 0 : i32
        %dma_wait3A_1033 = tpu.memref_slice %arg6[%dma_wait3A_1022, %dma_wait3A_1032] : memref<2x1024xf32, #tpu.memory_space<vmem>> -> memref<1x1024xf32, #tpu.memory_space<vmem>>
        %dma_wait3A_1034 = tpu.memref_squeeze %dma_wait3A_1033 : memref<1x1024xf32, #tpu.memory_space<vmem>> -> memref<1024xf32, #tpu.memory_space<vmem>>
        tpu.wait_dma2 semaphore(%arg7 : memref<!tpu.dma_semaphore, #tpu.memory_space<semaphore_mem>>) src(%dma_wait3A_1034 : memref<1024xf32, #tpu.memory_space<vmem>>) dst(%dma_wait3A_1031 : memref<1024xf32, #tpu.memory_space<hbm>>)
        %dma_wait3A_1035 = arith.constant 0 : i32
        %dma_wait3A_1036 = arith.constant 0 : i32
        %dma_wait3A_1037 = tpu.memref_slice %arg6[%dma_wait3A_1035, %dma_wait3A_1036] : memref<2x1024xf32, #tpu.memory_space<vmem>> -> memref<1x1024xf32, #tpu.memory_space<vmem>>
        %dma_wait3A_1038 = tpu.memref_squeeze %dma_wait3A_1037 : memref<1x1024xf32, #tpu.memory_space<vmem>> -> memref<1024xf32, #tpu.memory_space<vmem>>
        %dma_wait3A_1039 = arith.constant 0 : i32
        %dma_wait3A_1040 = tpu.memref_slice %arg4[%multiple_of3A, %dma_wait3A_1039] : memref<32768x1024xf32, #tpu.memory_space<hbm>> -> memref<1x1024xf32, #tpu.memory_space<hbm>>
        %dma_wait3A_1041 = tpu.memref_squeeze %dma_wait3A_1040 : memref<1x1024xf32, #tpu.memory_space<hbm>> -> memref<1024xf32, #tpu.memory_space<hbm>>
        %dma_wait3A_1042 = arith.constant 0 : i32
        %dma_wait3A_1043 = tpu.memref_slice %arg4[%multiple_of3A, %dma_wait3A_1042] : memref<32768x1024xf32, #tpu.memory_space<hbm>> -> memref<1x1024xf32, #tpu.memory_space<hbm>>
        %dma_wait3A_1044 = tpu.memref_squeeze %dma_wait3A_1043 : memref<1x1024xf32, #tpu.memory_space<hbm>> -> memref<1024xf32, #tpu.memory_space<hbm>>
        %dma_wait3A_1045 = arith.constant 0 : i32
        %dma_wait3A_1046 = tpu.memref_slice %arg6[%dma_wait3A_1035, %dma_wait3A_1045] : memref<2x1024xf32, #tpu.memory_space<vmem>> -> memref<1x1024xf32, #tpu.memory_space<vmem>>
        %dma_wait3A_1047 = tpu.memref_squeeze %dma_wait3A_1046 : memref<1x1024xf32, #tpu.memory_space<vmem>> -> memref<1024xf32, #tpu.memory_space<vmem>>
        tpu.wait_dma2 semaphore(%arg7 : memref<!tpu.dma_semaphore, #tpu.memory_space<semaphore_mem>>) src(%dma_wait3A_1047 : memref<1024xf32, #tpu.memory_space<vmem>>) dst(%dma_wait3A_1044 : memref<1024xf32, #tpu.memory_space<hbm>>)
        %dma_wait3A_1048 = arith.constant 0 : i32
        %dma_wait3A_1049 = arith.constant 0 : i32
        %dma_wait3A_1050 = tpu.memref_slice %arg6[%dma_wait3A_1048, %dma_wait3A_1049] : memref<2x1024xf32, #tpu.memory_space<vmem>> -> memref<1x1024xf32, #tpu.memory_space<vmem>>
        %dma_wait3A_1051 = tpu.memref_squeeze %dma_wait3A_1050 : memref<1x1024xf32, #tpu.memory_space<vmem>> -> memref<1024xf32, #tpu.memory_space<vmem>>
        %dma_wait3A_1052 = arith.constant 0 : i32
        %dma_wait3A_1053 = tpu.memref_slice %arg4[%multiple_of3A, %dma_wait3A_1052] : memref<32768x1024xf32, #tpu.memory_space<hbm>> -> memref<1x1024xf32, #tpu.memory_space<hbm>>
        %dma_wait3A_1054 = tpu.memref_squeeze %dma_wait3A_1053 : memref<1x1024xf32, #tpu.memory_space<hbm>> -> memref<1024xf32, #tpu.memory_space<hbm>>
        %dma_wait3A_1055 = arith.constant 0 : i32
        %dma_wait3A_1056 = tpu.memref_slice %arg4[%multiple_of3A, %dma_wait3A_1055] : memref<32768x1024xf32, #tpu.memory_space<hbm>> -> memref<1x1024xf32, #tpu.memory_space<hbm>>
        %dma_wait3A_1057 = tpu.memref_squeeze %dma_wait3A_1056 : memref<1x1024xf32, #tpu.memory_space<hbm>> -> memref<1024xf32, #tpu.memory_space<hbm>>
        %dma_wait3A_1058 = arith.constant 0 : i32
        %dma_wait3A_1059 = tpu.memref_slice %arg6[%dma_wait3A_1048, %dma_wait3A_1058] : memref<2x1024xf32, #tpu.memory_space<vmem>> -> memref<1x1024xf32, #tpu.memory_space<vmem>>
        %dma_wait3A_1060 = tpu.memref_squeeze %dma_wait3A_1059 : memref<1x1024xf32, #tpu.memory_space<vmem>> -> memref<1024xf32, #tpu.memory_space<vmem>>
        tpu.wait_dma2 semaphore(%arg7 : memref<!tpu.dma_semaphore, #tpu.memory_space<semaphore_mem>>) src(%dma_wait3A_1060 : memref<1024xf32, #tpu.memory_space<vmem>>) dst(%dma_wait3A_1057 : memref<1024xf32, #tpu.memory_space<hbm>>)
        %dma_wait3A_1061 = arith.constant 0 : i32
        %dma_wait3A_1062 = arith.constant 0 : i32
        %dma_wait3A_1063 = tpu.memref_slice %arg6[%dma_wait3A_1061, %dma_wait3A_1062] : memref<2x1024xf32, #tpu.memory_space<vmem>> -> memref<1x1024xf32, #tpu.memory_space<vmem>>
        %dma_wait3A_1064 = tpu.memref_squeeze %dma_wait3A_1063 : memref<1x1024xf32, #tpu.memory_space<vmem>> -> memref<1024xf32, #tpu.memory_space<vmem>>
        %dma_wait3A_1065 = arith.constant 0 : i32
        %dma_wait3A_1066 = tpu.memref_slice %arg4[%multiple_of3A, %dma_wait3A_1065] : memref<32768x1024xf32, #tpu.memory_space<hbm>> -> memref<1x1024xf32, #tpu.memory_space<hbm>>
        %dma_wait3A_1067 = tpu.memref_squeeze %dma_wait3A_1066 : memref<1x1024xf32, #tpu.memory_space<hbm>> -> memref<1024xf32, #tpu.memory_space<hbm>>
        %dma_wait3A_1068 = arith.constant 0 : i32
        %dma_wait3A_1069 = tpu.memref_slice %arg4[%multiple_of3A, %dma_wait3A_1068] : memref<32768x1024xf32, #tpu.memory_space<hbm>> -> memref<1x1024xf32, #tpu.memory_space<hbm>>
        %dma_wait3A_1070 = tpu.memref_squeeze %dma_wait3A_1069 : memref<1x1024xf32, #tpu.memory_space<hbm>> -> memref<1024xf32, #tpu.memory_space<hbm>>
        %dma_wait3A_1071 = arith.constant 0 : i32
        %dma_wait3A_1072 = tpu.memref_slice %arg6[%dma_wait3A_1061, %dma_wait3A_1071] : memref<2x1024xf32, #tpu.memory_space<vmem>> -> memref<1x1024xf32, #tpu.memory_space<vmem>>
        %dma_wait3A_1073 = tpu.memref_squeeze %dma_wait3A_1072 : memref<1x1024xf32, #tpu.memory_space<vmem>> -> memref<1024xf32, #tpu.memory_space<vmem>>
        tpu.wait_dma2 semaphore(%arg7 : memref<!tpu.dma_semaphore, #tpu.memory_space<semaphore_mem>>) src(%dma_wait3A_1073 : memref<1024xf32, #tpu.memory_space<vmem>>) dst(%dma_wait3A_1070 : memref<1024xf32, #tpu.memory_space<hbm>>)
        %dma_wait3A_1074 = arith.constant 0 : i32
        %dma_wait3A_1075 = arith.constant 0 : i32
        %dma_wait3A_1076 = tpu.memref_slice %arg6[%dma_wait3A_1074, %dma_wait3A_1075] : memref<2x1024xf32, #tpu.memory_space<vmem>> -> memref<1x1024xf32, #tpu.memory_space<vmem>>
        %dma_wait3A_1077 = tpu.memref_squeeze %dma_wait3A_1076 : memref<1x1024xf32, #tpu.memory_space<vmem>> -> memref<1024xf32, #tpu.memory_space<vmem>>
        %dma_wait3A_1078 = arith.constant 0 : i32
        %dma_wait3A_1079 = tpu.memref_slice %arg4[%multiple_of3A, %dma_wait3A_1078] : memref<32768x1024xf32, #tpu.memory_space<hbm>> -> memref<1x1024xf32, #tpu.memory_space<hbm>>
        %dma_wait3A_1080 = tpu.memref_squeeze %dma_wait3A_1079 : memref<1x1024xf32, #tpu.memory_space<hbm>> -> memref<1024xf32, #tpu.memory_space<hbm>>
        %dma_wait3A_1081 = arith.constant 0 : i32
        %dma_wait3A_1082 = tpu.memref_slice %arg4[%multiple_of3A, %dma_wait3A_1081] : memref<32768x1024xf32, #tpu.memory_space<hbm>> -> memref<1x1024xf32, #tpu.memory_space<hbm>>
        %dma_wait3A_1083 = tpu.memref_squeeze %dma_wait3A_1082 : memref<1x1024xf32, #tpu.memory_space<hbm>> -> memref<1024xf32, #tpu.memory_space<hbm>>
        %dma_wait3A_1084 = arith.constant 0 : i32
        %dma_wait3A_1085 = tpu.memref_slice %arg6[%dma_wait3A_1074, %dma_wait3A_1084] : memref<2x1024xf32, #tpu.memory_space<vmem>> -> memref<1x1024xf32, #tpu.memory_space<vmem>>
        %dma_wait3A_1086 = tpu.memref_squeeze %dma_wait3A_1085 : memref<1x1024xf32, #tpu.memory_space<vmem>> -> memref<1024xf32, #tpu.memory_space<vmem>>
        tpu.wait_dma2 semaphore(%arg7 : memref<!tpu.dma_semaphore, #tpu.memory_space<semaphore_mem>>) src(%dma_wait3A_1086 : memref<1024xf32, #tpu.memory_space<vmem>>) dst(%dma_wait3A_1083 : memref<1024xf32, #tpu.memory_space<hbm>>)
        %dma_wait3A_1087 = arith.constant 0 : i32
        %dma_wait3A_1088 = arith.constant 0 : i32
        %dma_wait3A_1089 = tpu.memref_slice %arg6[%dma_wait3A_1087, %dma_wait3A_1088] : memref<2x1024xf32, #tpu.memory_space<vmem>> -> memref<1x1024xf32, #tpu.memory_space<vmem>>
        %dma_wait3A_1090 = tpu.memref_squeeze %dma_wait3A_1089 : memref<1x1024xf32, #tpu.memory_space<vmem>> -> memref<1024xf32, #tpu.memory_space<vmem>>
        %dma_wait3A_1091 = arith.constant 0 : i32
        %dma_wait3A_1092 = tpu.memref_slice %arg4[%multiple_of3A, %dma_wait3A_1091] : memref<32768x1024xf32, #tpu.memory_space<hbm>> -> memref<1x1024xf32, #tpu.memory_space<hbm>>
        %dma_wait3A_1093 = tpu.memref_squeeze %dma_wait3A_1092 : memref<1x1024xf32, #tpu.memory_space<hbm>> -> memref<1024xf32, #tpu.memory_space<hbm>>
        %dma_wait3A_1094 = arith.constant 0 : i32
        %dma_wait3A_1095 = tpu.memref_slice %arg4[%multiple_of3A, %dma_wait3A_1094] : memref<32768x1024xf32, #tpu.memory_space<hbm>> -> memref<1x1024xf32, #tpu.memory_space<hbm>>
        %dma_wait3A_1096 = tpu.memref_squeeze %dma_wait3A_1095 : memref<1x1024xf32, #tpu.memory_space<hbm>> -> memref<1024xf32, #tpu.memory_space<hbm>>
        %dma_wait3A_1097 = arith.constant 0 : i32
        %dma_wait3A_1098 = tpu.memref_slice %arg6[%dma_wait3A_1087, %dma_wait3A_1097] : memref<2x1024xf32, #tpu.memory_space<vmem>> -> memref<1x1024xf32, #tpu.memory_space<vmem>>
        %dma_wait3A_1099 = tpu.memref_squeeze %dma_wait3A_1098 : memref<1x1024xf32, #tpu.memory_space<vmem>> -> memref<1024xf32, #tpu.memory_space<vmem>>
        tpu.wait_dma2 semaphore(%arg7 : memref<!tpu.dma_semaphore, #tpu.memory_space<semaphore_mem>>) src(%dma_wait3A_1099 : memref<1024xf32, #tpu.memory_space<vmem>>) dst(%dma_wait3A_1096 : memref<1024xf32, #tpu.memory_space<hbm>>)
        %dma_wait3A_1100 = arith.constant 0 : i32
        %dma_wait3A_1101 = arith.constant 0 : i32
        %dma_wait3A_1102 = tpu.memref_slice %arg6[%dma_wait3A_1100, %dma_wait3A_1101] : memref<2x1024xf32, #tpu.memory_space<vmem>> -> memref<1x1024xf32, #tpu.memory_space<vmem>>
        %dma_wait3A_1103 = tpu.memref_squeeze %dma_wait3A_1102 : memref<1x1024xf32, #tpu.memory_space<vmem>> -> memref<1024xf32, #tpu.memory_space<vmem>>
        %dma_wait3A_1104 = arith.constant 0 : i32
        %dma_wait3A_1105 = tpu.memref_slice %arg4[%multiple_of3A, %dma_wait3A_1104] : memref<32768x1024xf32, #tpu.memory_space<hbm>> -> memref<1x1024xf32, #tpu.memory_space<hbm>>
        %dma_wait3A_1106 = tpu.memref_squeeze %dma_wait3A_1105 : memref<1x1024xf32, #tpu.memory_space<hbm>> -> memref<1024xf32, #tpu.memory_space<hbm>>
        %dma_wait3A_1107 = arith.constant 0 : i32
        %dma_wait3A_1108 = tpu.memref_slice %arg4[%multiple_of3A, %dma_wait3A_1107] : memref<32768x1024xf32, #tpu.memory_space<hbm>> -> memref<1x1024xf32, #tpu.memory_space<hbm>>
        %dma_wait3A_1109 = tpu.memref_squeeze %dma_wait3A_1108 : memref<1x1024xf32, #tpu.memory_space<hbm>> -> memref<1024xf32, #tpu.memory_space<hbm>>
        %dma_wait3A_1110 = arith.constant 0 : i32
        %dma_wait3A_1111 = tpu.memref_slice %arg6[%dma_wait3A_1100, %dma_wait3A_1110] : memref<2x1024xf32, #tpu.memory_space<vmem>> -> memref<1x1024xf32, #tpu.memory_space<vmem>>
        %dma_wait3A_1112 = tpu.memref_squeeze %dma_wait3A_1111 : memref<1x1024xf32, #tpu.memory_space<vmem>> -> memref<1024xf32, #tpu.memory_space<vmem>>
        tpu.wait_dma2 semaphore(%arg7 : memref<!tpu.dma_semaphore, #tpu.memory_space<semaphore_mem>>) src(%dma_wait3A_1112 : memref<1024xf32, #tpu.memory_space<vmem>>) dst(%dma_wait3A_1109 : memref<1024xf32, #tpu.memory_space<hbm>>)
        %dma_wait3A_1113 = arith.constant 0 : i32
        %dma_wait3A_1114 = arith.constant 0 : i32
        %dma_wait3A_1115 = tpu.memref_slice %arg6[%dma_wait3A_1113, %dma_wait3A_1114] : memref<2x1024xf32, #tpu.memory_space<vmem>> -> memref<1x1024xf32, #tpu.memory_space<vmem>>
        %dma_wait3A_1116 = tpu.memref_squeeze %dma_wait3A_1115 : memref<1x1024xf32, #tpu.memory_space<vmem>> -> memref<1024xf32, #tpu.memory_space<vmem>>
        %dma_wait3A_1117 = arith.constant 0 : i32
        %dma_wait3A_1118 = tpu.memref_slice %arg4[%multiple_of3A, %dma_wait3A_1117] : memref<32768x1024xf32, #tpu.memory_space<hbm>> -> memref<1x1024xf32, #tpu.memory_space<hbm>>
        %dma_wait3A_1119 = tpu.memref_squeeze %dma_wait3A_1118 : memref<1x1024xf32, #tpu.memory_space<hbm>> -> memref<1024xf32, #tpu.memory_space<hbm>>
        %dma_wait3A_1120 = arith.constant 0 : i32
        %dma_wait3A_1121 = tpu.memref_slice %arg4[%multiple_of3A, %dma_wait3A_1120] : memref<32768x1024xf32, #tpu.memory_space<hbm>> -> memref<1x1024xf32, #tpu.memory_space<hbm>>
        %dma_wait3A_1122 = tpu.memref_squeeze %dma_wait3A_1121 : memref<1x1024xf32, #tpu.memory_space<hbm>> -> memref<1024xf32, #tpu.memory_space<hbm>>
        %dma_wait3A_1123 = arith.constant 0 : i32
        %dma_wait3A_1124 = tpu.memref_slice %arg6[%dma_wait3A_1113, %dma_wait3A_1123] : memref<2x1024xf32, #tpu.memory_space<vmem>> -> memref<1x1024xf32, #tpu.memory_space<vmem>>
        %dma_wait3A_1125 = tpu.memref_squeeze %dma_wait3A_1124 : memref<1x1024xf32, #tpu.memory_space<vmem>> -> memref<1024xf32, #tpu.memory_space<vmem>>
        tpu.wait_dma2 semaphore(%arg7 : memref<!tpu.dma_semaphore, #tpu.memory_space<semaphore_mem>>) src(%dma_wait3A_1125 : memref<1024xf32, #tpu.memory_space<vmem>>) dst(%dma_wait3A_1122 : memref<1024xf32, #tpu.memory_space<hbm>>)
        %dma_wait3A_1126 = arith.constant 0 : i32
        %dma_wait3A_1127 = arith.constant 0 : i32
        %dma_wait3A_1128 = tpu.memref_slice %arg6[%dma_wait3A_1126, %dma_wait3A_1127] : memref<2x1024xf32, #tpu.memory_space<vmem>> -> memref<1x1024xf32, #tpu.memory_space<vmem>>
        %dma_wait3A_1129 = tpu.memref_squeeze %dma_wait3A_1128 : memref<1x1024xf32, #tpu.memory_space<vmem>> -> memref<1024xf32, #tpu.memory_space<vmem>>
        %dma_wait3A_1130 = arith.constant 0 : i32
        %dma_wait3A_1131 = tpu.memref_slice %arg4[%multiple_of3A, %dma_wait3A_1130] : memref<32768x1024xf32, #tpu.memory_space<hbm>> -> memref<1x1024xf32, #tpu.memory_space<hbm>>
        %dma_wait3A_1132 = tpu.memref_squeeze %dma_wait3A_1131 : memref<1x1024xf32, #tpu.memory_space<hbm>> -> memref<1024xf32, #tpu.memory_space<hbm>>
        %dma_wait3A_1133 = arith.constant 0 : i32
        %dma_wait3A_1134 = tpu.memref_slice %arg4[%multiple_of3A, %dma_wait3A_1133] : memref<32768x1024xf32, #tpu.memory_space<hbm>> -> memref<1x1024xf32, #tpu.memory_space<hbm>>
        %dma_wait3A_1135 = tpu.memref_squeeze %dma_wait3A_1134 : memref<1x1024xf32, #tpu.memory_space<hbm>> -> memref<1024xf32, #tpu.memory_space<hbm>>
        %dma_wait3A_1136 = arith.constant 0 : i32
        %dma_wait3A_1137 = tpu.memref_slice %arg6[%dma_wait3A_1126, %dma_wait3A_1136] : memref<2x1024xf32, #tpu.memory_space<vmem>> -> memref<1x1024xf32, #tpu.memory_space<vmem>>
        %dma_wait3A_1138 = tpu.memref_squeeze %dma_wait3A_1137 : memref<1x1024xf32, #tpu.memory_space<vmem>> -> memref<1024xf32, #tpu.memory_space<vmem>>
        tpu.wait_dma2 semaphore(%arg7 : memref<!tpu.dma_semaphore, #tpu.memory_space<semaphore_mem>>) src(%dma_wait3A_1138 : memref<1024xf32, #tpu.memory_space<vmem>>) dst(%dma_wait3A_1135 : memref<1024xf32, #tpu.memory_space<hbm>>)
        %dma_wait3A_1139 = arith.constant 0 : i32
        %dma_wait3A_1140 = arith.constant 0 : i32
        %dma_wait3A_1141 = tpu.memref_slice %arg6[%dma_wait3A_1139, %dma_wait3A_1140] : memref<2x1024xf32, #tpu.memory_space<vmem>> -> memref<1x1024xf32, #tpu.memory_space<vmem>>
        %dma_wait3A_1142 = tpu.memref_squeeze %dma_wait3A_1141 : memref<1x1024xf32, #tpu.memory_space<vmem>> -> memref<1024xf32, #tpu.memory_space<vmem>>
        %dma_wait3A_1143 = arith.constant 0 : i32
        %dma_wait3A_1144 = tpu.memref_slice %arg4[%multiple_of3A, %dma_wait3A_1143] : memref<32768x1024xf32, #tpu.memory_space<hbm>> -> memref<1x1024xf32, #tpu.memory_space<hbm>>
        %dma_wait3A_1145 = tpu.memref_squeeze %dma_wait3A_1144 : memref<1x1024xf32, #tpu.memory_space<hbm>> -> memref<1024xf32, #tpu.memory_space<hbm>>
        %dma_wait3A_1146 = arith.constant 0 : i32
        %dma_wait3A_1147 = tpu.memref_slice %arg4[%multiple_of3A, %dma_wait3A_1146] : memref<32768x1024xf32, #tpu.memory_space<hbm>> -> memref<1x1024xf32, #tpu.memory_space<hbm>>
        %dma_wait3A_1148 = tpu.memref_squeeze %dma_wait3A_1147 : memref<1x1024xf32, #tpu.memory_space<hbm>> -> memref<1024xf32, #tpu.memory_space<hbm>>
        %dma_wait3A_1149 = arith.constant 0 : i32
        %dma_wait3A_1150 = tpu.memref_slice %arg6[%dma_wait3A_1139, %dma_wait3A_1149] : memref<2x1024xf32, #tpu.memory_space<vmem>> -> memref<1x1024xf32, #tpu.memory_space<vmem>>
        %dma_wait3A_1151 = tpu.memref_squeeze %dma_wait3A_1150 : memref<1x1024xf32, #tpu.memory_space<vmem>> -> memref<1024xf32, #tpu.memory_space<vmem>>
        tpu.wait_dma2 semaphore(%arg7 : memref<!tpu.dma_semaphore, #tpu.memory_space<semaphore_mem>>) src(%dma_wait3A_1151 : memref<1024xf32, #tpu.memory_space<vmem>>) dst(%dma_wait3A_1148 : memref<1024xf32, #tpu.memory_space<hbm>>)
        %dma_wait3A_1152 = arith.constant 0 : i32
        %dma_wait3A_1153 = arith.constant 0 : i32
        %dma_wait3A_1154 = tpu.memref_slice %arg6[%dma_wait3A_1152, %dma_wait3A_1153] : memref<2x1024xf32, #tpu.memory_space<vmem>> -> memref<1x1024xf32, #tpu.memory_space<vmem>>
        %dma_wait3A_1155 = tpu.memref_squeeze %dma_wait3A_1154 : memref<1x1024xf32, #tpu.memory_space<vmem>> -> memref<1024xf32, #tpu.memory_space<vmem>>
        %dma_wait3A_1156 = arith.constant 0 : i32
        %dma_wait3A_1157 = tpu.memref_slice %arg4[%multiple_of3A, %dma_wait3A_1156] : memref<32768x1024xf32, #tpu.memory_space<hbm>> -> memref<1x1024xf32, #tpu.memory_space<hbm>>
        %dma_wait3A_1158 = tpu.memref_squeeze %dma_wait3A_1157 : memref<1x1024xf32, #tpu.memory_space<hbm>> -> memref<1024xf32, #tpu.memory_space<hbm>>
        %dma_wait3A_1159 = arith.constant 0 : i32
        %dma_wait3A_1160 = tpu.memref_slice %arg4[%multiple_of3A, %dma_wait3A_1159] : memref<32768x1024xf32, #tpu.memory_space<hbm>> -> memref<1x1024xf32, #tpu.memory_space<hbm>>
        %dma_wait3A_1161 = tpu.memref_squeeze %dma_wait3A_1160 : memref<1x1024xf32, #tpu.memory_space<hbm>> -> memref<1024xf32, #tpu.memory_space<hbm>>
        %dma_wait3A_1162 = arith.constant 0 : i32
        %dma_wait3A_1163 = tpu.memref_slice %arg6[%dma_wait3A_1152, %dma_wait3A_1162] : memref<2x1024xf32, #tpu.memory_space<vmem>> -> memref<1x1024xf32, #tpu.memory_space<vmem>>
        %dma_wait3A_1164 = tpu.memref_squeeze %dma_wait3A_1163 : memref<1x1024xf32, #tpu.memory_space<vmem>> -> memref<1024xf32, #tpu.memory_space<vmem>>
        tpu.wait_dma2 semaphore(%arg7 : memref<!tpu.dma_semaphore, #tpu.memory_space<semaphore_mem>>) src(%dma_wait3A_1164 : memref<1024xf32, #tpu.memory_space<vmem>>) dst(%dma_wait3A_1161 : memref<1024xf32, #tpu.memory_space<hbm>>)
        %dma_wait3A_1165 = arith.constant 0 : i32
        %dma_wait3A_1166 = arith.constant 0 : i32
        %dma_wait3A_1167 = tpu.memref_slice %arg6[%dma_wait3A_1165, %dma_wait3A_1166] : memref<2x1024xf32, #tpu.memory_space<vmem>> -> memref<1x1024xf32, #tpu.memory_space<vmem>>
        %dma_wait3A_1168 = tpu.memref_squeeze %dma_wait3A_1167 : memref<1x1024xf32, #tpu.memory_space<vmem>> -> memref<1024xf32, #tpu.memory_space<vmem>>
        %dma_wait3A_1169 = arith.constant 0 : i32
        %dma_wait3A_1170 = tpu.memref_slice %arg4[%multiple_of3A, %dma_wait3A_1169] : memref<32768x1024xf32, #tpu.memory_space<hbm>> -> memref<1x1024xf32, #tpu.memory_space<hbm>>
        %dma_wait3A_1171 = tpu.memref_squeeze %dma_wait3A_1170 : memref<1x1024xf32, #tpu.memory_space<hbm>> -> memref<1024xf32, #tpu.memory_space<hbm>>
        %dma_wait3A_1172 = arith.constant 0 : i32
        %dma_wait3A_1173 = tpu.memref_slice %arg4[%multiple_of3A, %dma_wait3A_1172] : memref<32768x1024xf32, #tpu.memory_space<hbm>> -> memref<1x1024xf32, #tpu.memory_space<hbm>>
        %dma_wait3A_1174 = tpu.memref_squeeze %dma_wait3A_1173 : memref<1x1024xf32, #tpu.memory_space<hbm>> -> memref<1024xf32, #tpu.memory_space<hbm>>
        %dma_wait3A_1175 = arith.constant 0 : i32
        %dma_wait3A_1176 = tpu.memref_slice %arg6[%dma_wait3A_1165, %dma_wait3A_1175] : memref<2x1024xf32, #tpu.memory_space<vmem>> -> memref<1x1024xf32, #tpu.memory_space<vmem>>
        %dma_wait3A_1177 = tpu.memref_squeeze %dma_wait3A_1176 : memref<1x1024xf32, #tpu.memory_space<vmem>> -> memref<1024xf32, #tpu.memory_space<vmem>>
        tpu.wait_dma2 semaphore(%arg7 : memref<!tpu.dma_semaphore, #tpu.memory_space<semaphore_mem>>) src(%dma_wait3A_1177 : memref<1024xf32, #tpu.memory_space<vmem>>) dst(%dma_wait3A_1174 : memref<1024xf32, #tpu.memory_space<hbm>>)
      } else {
      }
    }
    %dma_wait3A_37 = arith.constant 0 : i32
    %dma_wait3A_38 = arith.constant 0 : i32
    %dma_wait3A_39 = tpu.memref_slice %arg6[%dma_wait3A_37, %dma_wait3A_38] : memref<2x1024xf32, #tpu.memory_space<vmem>> -> memref<1x1024xf32, #tpu.memory_space<vmem>>
    %dma_wait3A_40 = tpu.memref_squeeze %dma_wait3A_39 : memref<1x1024xf32, #tpu.memory_space<vmem>> -> memref<1024xf32, #tpu.memory_space<vmem>>
    %dma_wait3A_41 = arith.constant 0 : i32
    %dma_wait3A_42 = tpu.memref_slice %arg4[%multiple_of3A, %dma_wait3A_41] : memref<32768x1024xf32, #tpu.memory_space<hbm>> -> memref<1x1024xf32, #tpu.memory_space<hbm>>
    %dma_wait3A_43 = tpu.memref_squeeze %dma_wait3A_42 : memref<1x1024xf32, #tpu.memory_space<hbm>> -> memref<1024xf32, #tpu.memory_space<hbm>>
    %dma_wait3A_44 = arith.constant 0 : i32
    %dma_wait3A_45 = tpu.memref_slice %arg4[%multiple_of3A, %dma_wait3A_44] : memref<32768x1024xf32, #tpu.memory_space<hbm>> -> memref<1x1024xf32, #tpu.memory_space<hbm>>
    %dma_wait3A_46 = tpu.memref_squeeze %dma_wait3A_45 : memref<1x1024xf32, #tpu.memory_space<hbm>> -> memref<1024xf32, #tpu.memory_space<hbm>>
    %dma_wait3A_47 = arith.constant 0 : i32
    %dma_wait3A_48 = tpu.memref_slice %arg6[%dma_wait3A_37, %dma_wait3A_47] : memref<2x1024xf32, #tpu.memory_space<vmem>> -> memref<1x1024xf32, #tpu.memory_space<vmem>>
    %dma_wait3A_49 = tpu.memref_squeeze %dma_wait3A_48 : memref<1x1024xf32, #tpu.memory_space<vmem>> -> memref<1024xf32, #tpu.memory_space<vmem>>
    tpu.wait_dma2 semaphore(%arg7 : memref<!tpu.dma_semaphore, #tpu.memory_space<semaphore_mem>>) src(%dma_wait3A_49 : memref<1024xf32, #tpu.memory_space<vmem>>) dst(%dma_wait3A_46 : memref<1024xf32, #tpu.memory_space<hbm>>)
    %dma_wait3A_50 = arith.constant 0 : i32
    %dma_wait3A_51 = arith.constant 0 : i32
    %dma_wait3A_52 = tpu.memref_slice %arg6[%dma_wait3A_50, %dma_wait3A_51] : memref<2x1024xf32, #tpu.memory_space<vmem>> -> memref<1x1024xf32, #tpu.memory_space<vmem>>
    %dma_wait3A_53 = tpu.memref_squeeze %dma_wait3A_52 : memref<1x1024xf32, #tpu.memory_space<vmem>> -> memref<1024xf32, #tpu.memory_space<vmem>>
    %dma_wait3A_54 = arith.constant 0 : i32
    %dma_wait3A_55 = tpu.memref_slice %arg4[%multiple_of3A, %dma_wait3A_54] : memref<32768x1024xf32, #tpu.memory_space<hbm>> -> memref<1x1024xf32, #tpu.memory_space<hbm>>
    %dma_wait3A_56 = tpu.memref_squeeze %dma_wait3A_55 : memref<1x1024xf32, #tpu.memory_space<hbm>> -> memref<1024xf32, #tpu.memory_space<hbm>>
    %dma_wait3A_57 = arith.constant 0 : i32
    %dma_wait3A_58 = tpu.memref_slice %arg4[%multiple_of3A, %dma_wait3A_57] : memref<32768x1024xf32, #tpu.memory_space<hbm>> -> memref<1x1024xf32, #tpu.memory_space<hbm>>
    %dma_wait3A_59 = tpu.memref_squeeze %dma_wait3A_58 : memref<1x1024xf32, #tpu.memory_space<hbm>> -> memref<1024xf32, #tpu.memory_space<hbm>>
    %dma_wait3A_60 = arith.constant 0 : i32
    %dma_wait3A_61 = tpu.memref_slice %arg6[%dma_wait3A_50, %dma_wait3A_60] : memref<2x1024xf32, #tpu.memory_space<vmem>> -> memref<1x1024xf32, #tpu.memory_space<vmem>>
    %dma_wait3A_62 = tpu.memref_squeeze %dma_wait3A_61 : memref<1x1024xf32, #tpu.memory_space<vmem>> -> memref<1024xf32, #tpu.memory_space<vmem>>
    tpu.wait_dma2 semaphore(%arg7 : memref<!tpu.dma_semaphore, #tpu.memory_space<semaphore_mem>>) src(%dma_wait3A_62 : memref<1024xf32, #tpu.memory_space<vmem>>) dst(%dma_wait3A_59 : memref<1024xf32, #tpu.memory_space<hbm>>)
    %dma_wait3A_63 = arith.constant 0 : i32
    %dma_wait3A_64 = arith.constant 0 : i32
    %dma_wait3A_65 = tpu.memref_slice %arg6[%dma_wait3A_63, %dma_wait3A_64] : memref<2x1024xf32, #tpu.memory_space<vmem>> -> memref<1x1024xf32, #tpu.memory_space<vmem>>
    %dma_wait3A_66 = tpu.memref_squeeze %dma_wait3A_65 : memref<1x1024xf32, #tpu.memory_space<vmem>> -> memref<1024xf32, #tpu.memory_space<vmem>>
    %dma_wait3A_67 = arith.constant 0 : i32
    %dma_wait3A_68 = tpu.memref_slice %arg4[%multiple_of3A, %dma_wait3A_67] : memref<32768x1024xf32, #tpu.memory_space<hbm>> -> memref<1x1024xf32, #tpu.memory_space<hbm>>
    %dma_wait3A_69 = tpu.memref_squeeze %dma_wait3A_68 : memref<1x1024xf32, #tpu.memory_space<hbm>> -> memref<1024xf32, #tpu.memory_space<hbm>>
    %dma_wait3A_70 = arith.constant 0 : i32
    %dma_wait3A_71 = tpu.memref_slice %arg4[%multiple_of3A, %dma_wait3A_70] : memref<32768x1024xf32, #tpu.memory_space<hbm>> -> memref<1x1024xf32, #tpu.memory_space<hbm>>
    %dma_wait3A_72 = tpu.memref_squeeze %dma_wait3A_71 : memref<1x1024xf32, #tpu.memory_space<hbm>> -> memref<1024xf32, #tpu.memory_space<hbm>>
    %dma_wait3A_73 = arith.constant 0 : i32
    %dma_wait3A_74 = tpu.memref_slice %arg6[%dma_wait3A_63, %dma_wait3A_73] : memref<2x1024xf32, #tpu.memory_space<vmem>> -> memref<1x1024xf32, #tpu.memory_space<vmem>>
    %dma_wait3A_75 = tpu.memref_squeeze %dma_wait3A_74 : memref<1x1024xf32, #tpu.memory_space<vmem>> -> memref<1024xf32, #tpu.memory_space<vmem>>
    tpu.wait_dma2 semaphore(%arg7 : memref<!tpu.dma_semaphore, #tpu.memory_space<semaphore_mem>>) src(%dma_wait3A_75 : memref<1024xf32, #tpu.memory_space<vmem>>) dst(%dma_wait3A_72 : memref<1024xf32, #tpu.memory_space<hbm>>)
    %dma_wait3A_76 = arith.constant 0 : i32
    %dma_wait3A_77 = arith.constant 0 : i32
    %dma_wait3A_78 = tpu.memref_slice %arg6[%dma_wait3A_76, %dma_wait3A_77] : memref<2x1024xf32, #tpu.memory_space<vmem>> -> memref<1x1024xf32, #tpu.memory_space<vmem>>
    %dma_wait3A_79 = tpu.memref_squeeze %dma_wait3A_78 : memref<1x1024xf32, #tpu.memory_space<vmem>> -> memref<1024xf32, #tpu.memory_space<vmem>>
    %dma_wait3A_80 = arith.constant 0 : i32
    %dma_wait3A_81 = tpu.memref_slice %arg4[%multiple_of3A, %dma_wait3A_80] : memref<32768x1024xf32, #tpu.memory_space<hbm>> -> memref<1x1024xf32, #tpu.memory_space<hbm>>
    %dma_wait3A_82 = tpu.memref_squeeze %dma_wait3A_81 : memref<1x1024xf32, #tpu.memory_space<hbm>> -> memref<1024xf32, #tpu.memory_space<hbm>>
    %dma_wait3A_83 = arith.constant 0 : i32
    %dma_wait3A_84 = tpu.memref_slice %arg4[%multiple_of3A, %dma_wait3A_83] : memref<32768x1024xf32, #tpu.memory_space<hbm>> -> memref<1x1024xf32, #tpu.memory_space<hbm>>
    %dma_wait3A_85 = tpu.memref_squeeze %dma_wait3A_84 : memref<1x1024xf32, #tpu.memory_space<hbm>> -> memref<1024xf32, #tpu.memory_space<hbm>>
    %dma_wait3A_86 = arith.constant 0 : i32
    %dma_wait3A_87 = tpu.memref_slice %arg6[%dma_wait3A_76, %dma_wait3A_86] : memref<2x1024xf32, #tpu.memory_space<vmem>> -> memref<1x1024xf32, #tpu.memory_space<vmem>>
    %dma_wait3A_88 = tpu.memref_squeeze %dma_wait3A_87 : memref<1x1024xf32, #tpu.memory_space<vmem>> -> memref<1024xf32, #tpu.memory_space<vmem>>
    tpu.wait_dma2 semaphore(%arg7 : memref<!tpu.dma_semaphore, #tpu.memory_space<semaphore_mem>>) src(%dma_wait3A_88 : memref<1024xf32, #tpu.memory_space<vmem>>) dst(%dma_wait3A_85 : memref<1024xf32, #tpu.memory_space<hbm>>)
    %dma_wait3A_89 = arith.constant 0 : i32
    %dma_wait3A_90 = arith.constant 0 : i32
    %dma_wait3A_91 = tpu.memref_slice %arg6[%dma_wait3A_89, %dma_wait3A_90] : memref<2x1024xf32, #tpu.memory_space<vmem>> -> memref<1x1024xf32, #tpu.memory_space<vmem>>
    %dma_wait3A_92 = tpu.memref_squeeze %dma_wait3A_91 : memref<1x1024xf32, #tpu.memory_space<vmem>> -> memref<1024xf32, #tpu.memory_space<vmem>>
    %dma_wait3A_93 = arith.constant 0 : i32
    %dma_wait3A_94 = tpu.memref_slice %arg4[%multiple_of3A, %dma_wait3A_93] : memref<32768x1024xf32, #tpu.memory_space<hbm>> -> memref<1x1024xf32, #tpu.memory_space<hbm>>
    %dma_wait3A_95 = tpu.memref_squeeze %dma_wait3A_94 : memref<1x1024xf32, #tpu.memory_space<hbm>> -> memref<1024xf32, #tpu.memory_space<hbm>>
    %dma_wait3A_96 = arith.constant 0 : i32
    %dma_wait3A_97 = tpu.memref_slice %arg4[%multiple_of3A, %dma_wait3A_96] : memref<32768x1024xf32, #tpu.memory_space<hbm>> -> memref<1x1024xf32, #tpu.memory_space<hbm>>
    %dma_wait3A_98 = tpu.memref_squeeze %dma_wait3A_97 : memref<1x1024xf32, #tpu.memory_space<hbm>> -> memref<1024xf32, #tpu.memory_space<hbm>>
    %dma_wait3A_99 = arith.constant 0 : i32
    %dma_wait3A_100 = tpu.memref_slice %arg6[%dma_wait3A_89, %dma_wait3A_99] : memref<2x1024xf32, #tpu.memory_space<vmem>> -> memref<1x1024xf32, #tpu.memory_space<vmem>>
    %dma_wait3A_101 = tpu.memref_squeeze %dma_wait3A_100 : memref<1x1024xf32, #tpu.memory_space<vmem>> -> memref<1024xf32, #tpu.memory_space<vmem>>
    tpu.wait_dma2 semaphore(%arg7 : memref<!tpu.dma_semaphore, #tpu.memory_space<semaphore_mem>>) src(%dma_wait3A_101 : memref<1024xf32, #tpu.memory_space<vmem>>) dst(%dma_wait3A_98 : memref<1024xf32, #tpu.memory_space<hbm>>)
    %dma_wait3A_102 = arith.constant 0 : i32
    %dma_wait3A_103 = arith.constant 0 : i32
    %dma_wait3A_104 = tpu.memref_slice %arg6[%dma_wait3A_102, %dma_wait3A_103] : memref<2x1024xf32, #tpu.memory_space<vmem>> -> memref<1x1024xf32, #tpu.memory_space<vmem>>
    %dma_wait3A_105 = tpu.memref_squeeze %dma_wait3A_104 : memref<1x1024xf32, #tpu.memory_space<vmem>> -> memref<1024xf32, #tpu.memory_space<vmem>>
    %dma_wait3A_106 = arith.constant 0 : i32
    %dma_wait3A_107 = tpu.memref_slice %arg4[%multiple_of3A, %dma_wait3A_106] : memref<32768x1024xf32, #tpu.memory_space<hbm>> -> memref<1x1024xf32, #tpu.memory_space<hbm>>
    %dma_wait3A_108 = tpu.memref_squeeze %dma_wait3A_107 : memref<1x1024xf32, #tpu.memory_space<hbm>> -> memref<1024xf32, #tpu.memory_space<hbm>>
    %dma_wait3A_109 = arith.constant 0 : i32
    %dma_wait3A_110 = tpu.memref_slice %arg4[%multiple_of3A, %dma_wait3A_109] : memref<32768x1024xf32, #tpu.memory_space<hbm>> -> memref<1x1024xf32, #tpu.memory_space<hbm>>
    %dma_wait3A_111 = tpu.memref_squeeze %dma_wait3A_110 : memref<1x1024xf32, #tpu.memory_space<hbm>> -> memref<1024xf32, #tpu.memory_space<hbm>>
    %dma_wait3A_112 = arith.constant 0 : i32
    %dma_wait3A_113 = tpu.memref_slice %arg6[%dma_wait3A_102, %dma_wait3A_112] : memref<2x1024xf32, #tpu.memory_space<vmem>> -> memref<1x1024xf32, #tpu.memory_space<vmem>>
    %dma_wait3A_114 = tpu.memref_squeeze %dma_wait3A_113 : memref<1x1024xf32, #tpu.memory_space<vmem>> -> memref<1024xf32, #tpu.memory_space<vmem>>
    tpu.wait_dma2 semaphore(%arg7 : memref<!tpu.dma_semaphore, #tpu.memory_space<semaphore_mem>>) src(%dma_wait3A_114 : memref<1024xf32, #tpu.memory_space<vmem>>) dst(%dma_wait3A_111 : memref<1024xf32, #tpu.memory_space<hbm>>)
    %dma_wait3A_115 = arith.constant 0 : i32
    %dma_wait3A_116 = arith.constant 0 : i32
    %dma_wait3A_117 = tpu.memref_slice %arg6[%dma_wait3A_115, %dma_wait3A_116] : memref<2x1024xf32, #tpu.memory_space<vmem>> -> memref<1x1024xf32, #tpu.memory_space<vmem>>
    %dma_wait3A_118 = tpu.memref_squeeze %dma_wait3A_117 : memref<1x1024xf32, #tpu.memory_space<vmem>> -> memref<1024xf32, #tpu.memory_space<vmem>>
    %dma_wait3A_119 = arith.constant 0 : i32
    %dma_wait3A_120 = tpu.memref_slice %arg4[%multiple_of3A, %dma_wait3A_119] : memref<32768x1024xf32, #tpu.memory_space<hbm>> -> memref<1x1024xf32, #tpu.memory_space<hbm>>
    %dma_wait3A_121 = tpu.memref_squeeze %dma_wait3A_120 : memref<1x1024xf32, #tpu.memory_space<hbm>> -> memref<1024xf32, #tpu.memory_space<hbm>>
    %dma_wait3A_122 = arith.constant 0 : i32
    %dma_wait3A_123 = tpu.memref_slice %arg4[%multiple_of3A, %dma_wait3A_122] : memref<32768x1024xf32, #tpu.memory_space<hbm>> -> memref<1x1024xf32, #tpu.memory_space<hbm>>
    %dma_wait3A_124 = tpu.memref_squeeze %dma_wait3A_123 : memref<1x1024xf32, #tpu.memory_space<hbm>> -> memref<1024xf32, #tpu.memory_space<hbm>>
    %dma_wait3A_125 = arith.constant 0 : i32
    %dma_wait3A_126 = tpu.memref_slice %arg6[%dma_wait3A_115, %dma_wait3A_125] : memref<2x1024xf32, #tpu.memory_space<vmem>> -> memref<1x1024xf32, #tpu.memory_space<vmem>>
    %dma_wait3A_127 = tpu.memref_squeeze %dma_wait3A_126 : memref<1x1024xf32, #tpu.memory_space<vmem>> -> memref<1024xf32, #tpu.memory_space<vmem>>
    tpu.wait_dma2 semaphore(%arg7 : memref<!tpu.dma_semaphore, #tpu.memory_space<semaphore_mem>>) src(%dma_wait3A_127 : memref<1024xf32, #tpu.memory_space<vmem>>) dst(%dma_wait3A_124 : memref<1024xf32, #tpu.memory_space<hbm>>)
    %dma_wait3A_128 = arith.constant 0 : i32
    %dma_wait3A_129 = arith.constant 0 : i32
    %dma_wait3A_130 = tpu.memref_slice %arg6[%dma_wait3A_128, %dma_wait3A_129] : memref<2x1024xf32, #tpu.memory_space<vmem>> -> memref<1x1024xf32, #tpu.memory_space<vmem>>
    %dma_wait3A_131 = tpu.memref_squeeze %dma_wait3A_130 : memref<1x1024xf32, #tpu.memory_space<vmem>> -> memref<1024xf32, #tpu.memory_space<vmem>>
    %dma_wait3A_132 = arith.constant 0 : i32
    %dma_wait3A_133 = tpu.memref_slice %arg4[%multiple_of3A, %dma_wait3A_132] : memref<32768x1024xf32, #tpu.memory_space<hbm>> -> memref<1x1024xf32, #tpu.memory_space<hbm>>
    %dma_wait3A_134 = tpu.memref_squeeze %dma_wait3A_133 : memref<1x1024xf32, #tpu.memory_space<hbm>> -> memref<1024xf32, #tpu.memory_space<hbm>>
    %dma_wait3A_135 = arith.constant 0 : i32
    %dma_wait3A_136 = tpu.memref_slice %arg4[%multiple_of3A, %dma_wait3A_135] : memref<32768x1024xf32, #tpu.memory_space<hbm>> -> memref<1x1024xf32, #tpu.memory_space<hbm>>
    %dma_wait3A_137 = tpu.memref_squeeze %dma_wait3A_136 : memref<1x1024xf32, #tpu.memory_space<hbm>> -> memref<1024xf32, #tpu.memory_space<hbm>>
    %dma_wait3A_138 = arith.constant 0 : i32
    %dma_wait3A_139 = tpu.memref_slice %arg6[%dma_wait3A_128, %dma_wait3A_138] : memref<2x1024xf32, #tpu.memory_space<vmem>> -> memref<1x1024xf32, #tpu.memory_space<vmem>>
    %dma_wait3A_140 = tpu.memref_squeeze %dma_wait3A_139 : memref<1x1024xf32, #tpu.memory_space<vmem>> -> memref<1024xf32, #tpu.memory_space<vmem>>
    tpu.wait_dma2 semaphore(%arg7 : memref<!tpu.dma_semaphore, #tpu.memory_space<semaphore_mem>>) src(%dma_wait3A_140 : memref<1024xf32, #tpu.memory_space<vmem>>) dst(%dma_wait3A_137 : memref<1024xf32, #tpu.memory_space<hbm>>)
    %dma_wait3A_141 = arith.constant 0 : i32
    %dma_wait3A_142 = arith.constant 0 : i32
    %dma_wait3A_143 = tpu.memref_slice %arg6[%dma_wait3A_141, %dma_wait3A_142] : memref<2x1024xf32, #tpu.memory_space<vmem>> -> memref<1x1024xf32, #tpu.memory_space<vmem>>
    %dma_wait3A_144 = tpu.memref_squeeze %dma_wait3A_143 : memref<1x1024xf32, #tpu.memory_space<vmem>> -> memref<1024xf32, #tpu.memory_space<vmem>>
    %dma_wait3A_145 = arith.constant 0 : i32
    %dma_wait3A_146 = tpu.memref_slice %arg4[%multiple_of3A, %dma_wait3A_145] : memref<32768x1024xf32, #tpu.memory_space<hbm>> -> memref<1x1024xf32, #tpu.memory_space<hbm>>
    %dma_wait3A_147 = tpu.memref_squeeze %dma_wait3A_146 : memref<1x1024xf32, #tpu.memory_space<hbm>> -> memref<1024xf32, #tpu.memory_space<hbm>>
    %dma_wait3A_148 = arith.constant 0 : i32
    %dma_wait3A_149 = tpu.memref_slice %arg4[%multiple_of3A, %dma_wait3A_148] : memref<32768x1024xf32, #tpu.memory_space<hbm>> -> memref<1x1024xf32, #tpu.memory_space<hbm>>
    %dma_wait3A_150 = tpu.memref_squeeze %dma_wait3A_149 : memref<1x1024xf32, #tpu.memory_space<hbm>> -> memref<1024xf32, #tpu.memory_space<hbm>>
    %dma_wait3A_151 = arith.constant 0 : i32
    %dma_wait3A_152 = tpu.memref_slice %arg6[%dma_wait3A_141, %dma_wait3A_151] : memref<2x1024xf32, #tpu.memory_space<vmem>> -> memref<1x1024xf32, #tpu.memory_space<vmem>>
    %dma_wait3A_153 = tpu.memref_squeeze %dma_wait3A_152 : memref<1x1024xf32, #tpu.memory_space<vmem>> -> memref<1024xf32, #tpu.memory_space<vmem>>
    tpu.wait_dma2 semaphore(%arg7 : memref<!tpu.dma_semaphore, #tpu.memory_space<semaphore_mem>>) src(%dma_wait3A_153 : memref<1024xf32, #tpu.memory_space<vmem>>) dst(%dma_wait3A_150 : memref<1024xf32, #tpu.memory_space<hbm>>)
    %dma_wait3A_154 = arith.constant 0 : i32
    %dma_wait3A_155 = arith.constant 0 : i32
    %dma_wait3A_156 = tpu.memref_slice %arg6[%dma_wait3A_154, %dma_wait3A_155] : memref<2x1024xf32, #tpu.memory_space<vmem>> -> memref<1x1024xf32, #tpu.memory_space<vmem>>
    %dma_wait3A_157 = tpu.memref_squeeze %dma_wait3A_156 : memref<1x1024xf32, #tpu.memory_space<vmem>> -> memref<1024xf32, #tpu.memory_space<vmem>>
    %dma_wait3A_158 = arith.constant 0 : i32
    %dma_wait3A_159 = tpu.memref_slice %arg4[%multiple_of3A, %dma_wait3A_158] : memref<32768x1024xf32, #tpu.memory_space<hbm>> -> memref<1x1024xf32, #tpu.memory_space<hbm>>
    %dma_wait3A_160 = tpu.memref_squeeze %dma_wait3A_159 : memref<1x1024xf32, #tpu.memory_space<hbm>> -> memref<1024xf32, #tpu.memory_space<hbm>>
    %dma_wait3A_161 = arith.constant 0 : i32
    %dma_wait3A_162 = tpu.memref_slice %arg4[%multiple_of3A, %dma_wait3A_161] : memref<32768x1024xf32, #tpu.memory_space<hbm>> -> memref<1x1024xf32, #tpu.memory_space<hbm>>
    %dma_wait3A_163 = tpu.memref_squeeze %dma_wait3A_162 : memref<1x1024xf32, #tpu.memory_space<hbm>> -> memref<1024xf32, #tpu.memory_space<hbm>>
    %dma_wait3A_164 = arith.constant 0 : i32
    %dma_wait3A_165 = tpu.memref_slice %arg6[%dma_wait3A_154, %dma_wait3A_164] : memref<2x1024xf32, #tpu.memory_space<vmem>> -> memref<1x1024xf32, #tpu.memory_space<vmem>>
    %dma_wait3A_166 = tpu.memref_squeeze %dma_wait3A_165 : memref<1x1024xf32, #tpu.memory_space<vmem>> -> memref<1024xf32, #tpu.memory_space<vmem>>
    tpu.wait_dma2 semaphore(%arg7 : memref<!tpu.dma_semaphore, #tpu.memory_space<semaphore_mem>>) src(%dma_wait3A_166 : memref<1024xf32, #tpu.memory_space<vmem>>) dst(%dma_wait3A_163 : memref<1024xf32, #tpu.memory_space<hbm>>)
    %dma_wait3A_167 = arith.constant 0 : i32
    %dma_wait3A_168 = arith.constant 0 : i32
    %dma_wait3A_169 = tpu.memref_slice %arg6[%dma_wait3A_167, %dma_wait3A_168] : memref<2x1024xf32, #tpu.memory_space<vmem>> -> memref<1x1024xf32, #tpu.memory_space<vmem>>
    %dma_wait3A_170 = tpu.memref_squeeze %dma_wait3A_169 : memref<1x1024xf32, #tpu.memory_space<vmem>> -> memref<1024xf32, #tpu.memory_space<vmem>>
    %dma_wait3A_171 = arith.constant 0 : i32
    %dma_wait3A_172 = tpu.memref_slice %arg4[%multiple_of3A, %dma_wait3A_171] : memref<32768x1024xf32, #tpu.memory_space<hbm>> -> memref<1x1024xf32, #tpu.memory_space<hbm>>
    %dma_wait3A_173 = tpu.memref_squeeze %dma_wait3A_172 : memref<1x1024xf32, #tpu.memory_space<hbm>> -> memref<1024xf32, #tpu.memory_space<hbm>>
    %dma_wait3A_174 = arith.constant 0 : i32
    %dma_wait3A_175 = tpu.memref_slice %arg4[%multiple_of3A, %dma_wait3A_174] : memref<32768x1024xf32, #tpu.memory_space<hbm>> -> memref<1x1024xf32, #tpu.memory_space<hbm>>
    %dma_wait3A_176 = tpu.memref_squeeze %dma_wait3A_175 : memref<1x1024xf32, #tpu.memory_space<hbm>> -> memref<1024xf32, #tpu.memory_space<hbm>>
    %dma_wait3A_177 = arith.constant 0 : i32
    %dma_wait3A_178 = tpu.memref_slice %arg6[%dma_wait3A_167, %dma_wait3A_177] : memref<2x1024xf32, #tpu.memory_space<vmem>> -> memref<1x1024xf32, #tpu.memory_space<vmem>>
    %dma_wait3A_179 = tpu.memref_squeeze %dma_wait3A_178 : memref<1x1024xf32, #tpu.memory_space<vmem>> -> memref<1024xf32, #tpu.memory_space<vmem>>
    tpu.wait_dma2 semaphore(%arg7 : memref<!tpu.dma_semaphore, #tpu.memory_space<semaphore_mem>>) src(%dma_wait3A_179 : memref<1024xf32, #tpu.memory_space<vmem>>) dst(%dma_wait3A_176 : memref<1024xf32, #tpu.memory_space<hbm>>)
    %dma_wait3A_180 = arith.constant 0 : i32
    %dma_wait3A_181 = arith.constant 0 : i32
    %dma_wait3A_182 = tpu.memref_slice %arg6[%dma_wait3A_180, %dma_wait3A_181] : memref<2x1024xf32, #tpu.memory_space<vmem>> -> memref<1x1024xf32, #tpu.memory_space<vmem>>
    %dma_wait3A_183 = tpu.memref_squeeze %dma_wait3A_182 : memref<1x1024xf32, #tpu.memory_space<vmem>> -> memref<1024xf32, #tpu.memory_space<vmem>>
    %dma_wait3A_184 = arith.constant 0 : i32
    %dma_wait3A_185 = tpu.memref_slice %arg4[%multiple_of3A, %dma_wait3A_184] : memref<32768x1024xf32, #tpu.memory_space<hbm>> -> memref<1x1024xf32, #tpu.memory_space<hbm>>
    %dma_wait3A_186 = tpu.memref_squeeze %dma_wait3A_185 : memref<1x1024xf32, #tpu.memory_space<hbm>> -> memref<1024xf32, #tpu.memory_space<hbm>>
    %dma_wait3A_187 = arith.constant 0 : i32
    %dma_wait3A_188 = tpu.memref_slice %arg4[%multiple_of3A, %dma_wait3A_187] : memref<32768x1024xf32, #tpu.memory_space<hbm>> -> memref<1x1024xf32, #tpu.memory_space<hbm>>
    %dma_wait3A_189 = tpu.memref_squeeze %dma_wait3A_188 : memref<1x1024xf32, #tpu.memory_space<hbm>> -> memref<1024xf32, #tpu.memory_space<hbm>>
    %dma_wait3A_190 = arith.constant 0 : i32
    %dma_wait3A_191 = tpu.memref_slice %arg6[%dma_wait3A_180, %dma_wait3A_190] : memref<2x1024xf32, #tpu.memory_space<vmem>> -> memref<1x1024xf32, #tpu.memory_space<vmem>>
    %dma_wait3A_192 = tpu.memref_squeeze %dma_wait3A_191 : memref<1x1024xf32, #tpu.memory_space<vmem>> -> memref<1024xf32, #tpu.memory_space<vmem>>
    tpu.wait_dma2 semaphore(%arg7 : memref<!tpu.dma_semaphore, #tpu.memory_space<semaphore_mem>>) src(%dma_wait3A_192 : memref<1024xf32, #tpu.memory_space<vmem>>) dst(%dma_wait3A_189 : memref<1024xf32, #tpu.memory_space<hbm>>)
    %dma_wait3A_193 = arith.constant 0 : i32
    %dma_wait3A_194 = arith.constant 0 : i32
    %dma_wait3A_195 = tpu.memref_slice %arg6[%dma_wait3A_193, %dma_wait3A_194] : memref<2x1024xf32, #tpu.memory_space<vmem>> -> memref<1x1024xf32, #tpu.memory_space<vmem>>
    %dma_wait3A_196 = tpu.memref_squeeze %dma_wait3A_195 : memref<1x1024xf32, #tpu.memory_space<vmem>> -> memref<1024xf32, #tpu.memory_space<vmem>>
    %dma_wait3A_197 = arith.constant 0 : i32
    %dma_wait3A_198 = tpu.memref_slice %arg4[%multiple_of3A, %dma_wait3A_197] : memref<32768x1024xf32, #tpu.memory_space<hbm>> -> memref<1x1024xf32, #tpu.memory_space<hbm>>
    %dma_wait3A_199 = tpu.memref_squeeze %dma_wait3A_198 : memref<1x1024xf32, #tpu.memory_space<hbm>> -> memref<1024xf32, #tpu.memory_space<hbm>>
    %dma_wait3A_200 = arith.constant 0 : i32
    %dma_wait3A_201 = tpu.memref_slice %arg4[%multiple_of3A, %dma_wait3A_200] : memref<32768x1024xf32, #tpu.memory_space<hbm>> -> memref<1x1024xf32, #tpu.memory_space<hbm>>
    %dma_wait3A_202 = tpu.memref_squeeze %dma_wait3A_201 : memref<1x1024xf32, #tpu.memory_space<hbm>> -> memref<1024xf32, #tpu.memory_space<hbm>>
    %dma_wait3A_203 = arith.constant 0 : i32
    %dma_wait3A_204 = tpu.memref_slice %arg6[%dma_wait3A_193, %dma_wait3A_203] : memref<2x1024xf32, #tpu.memory_space<vmem>> -> memref<1x1024xf32, #tpu.memory_space<vmem>>
    %dma_wait3A_205 = tpu.memref_squeeze %dma_wait3A_204 : memref<1x1024xf32, #tpu.memory_space<vmem>> -> memref<1024xf32, #tpu.memory_space<vmem>>
    tpu.wait_dma2 semaphore(%arg7 : memref<!tpu.dma_semaphore, #tpu.memory_space<semaphore_mem>>) src(%dma_wait3A_205 : memref<1024xf32, #tpu.memory_space<vmem>>) dst(%dma_wait3A_202 : memref<1024xf32, #tpu.memory_space<hbm>>)
    %dma_wait3A_206 = arith.constant 0 : i32
    %dma_wait3A_207 = arith.constant 0 : i32
    %dma_wait3A_208 = tpu.memref_slice %arg6[%dma_wait3A_206, %dma_wait3A_207] : memref<2x1024xf32, #tpu.memory_space<vmem>> -> memref<1x1024xf32, #tpu.memory_space<vmem>>
    %dma_wait3A_209 = tpu.memref_squeeze %dma_wait3A_208 : memref<1x1024xf32, #tpu.memory_space<vmem>> -> memref<1024xf32, #tpu.memory_space<vmem>>
    %dma_wait3A_210 = arith.constant 0 : i32
    %dma_wait3A_211 = tpu.memref_slice %arg4[%multiple_of3A, %dma_wait3A_210] : memref<32768x1024xf32, #tpu.memory_space<hbm>> -> memref<1x1024xf32, #tpu.memory_space<hbm>>
    %dma_wait3A_212 = tpu.memref_squeeze %dma_wait3A_211 : memref<1x1024xf32, #tpu.memory_space<hbm>> -> memref<1024xf32, #tpu.memory_space<hbm>>
    %dma_wait3A_213 = arith.constant 0 : i32
    %dma_wait3A_214 = tpu.memref_slice %arg4[%multiple_of3A, %dma_wait3A_213] : memref<32768x1024xf32, #tpu.memory_space<hbm>> -> memref<1x1024xf32, #tpu.memory_space<hbm>>
    %dma_wait3A_215 = tpu.memref_squeeze %dma_wait3A_214 : memref<1x1024xf32, #tpu.memory_space<hbm>> -> memref<1024xf32, #tpu.memory_space<hbm>>
    %dma_wait3A_216 = arith.constant 0 : i32
    %dma_wait3A_217 = tpu.memref_slice %arg6[%dma_wait3A_206, %dma_wait3A_216] : memref<2x1024xf32, #tpu.memory_space<vmem>> -> memref<1x1024xf32, #tpu.memory_space<vmem>>
    %dma_wait3A_218 = tpu.memref_squeeze %dma_wait3A_217 : memref<1x1024xf32, #tpu.memory_space<vmem>> -> memref<1024xf32, #tpu.memory_space<vmem>>
    tpu.wait_dma2 semaphore(%arg7 : memref<!tpu.dma_semaphore, #tpu.memory_space<semaphore_mem>>) src(%dma_wait3A_218 : memref<1024xf32, #tpu.memory_space<vmem>>) dst(%dma_wait3A_215 : memref<1024xf32, #tpu.memory_space<hbm>>)
    %dma_wait3A_219 = arith.constant 0 : i32
    %dma_wait3A_220 = arith.constant 0 : i32
    %dma_wait3A_221 = tpu.memref_slice %arg6[%dma_wait3A_219, %dma_wait3A_220] : memref<2x1024xf32, #tpu.memory_space<vmem>> -> memref<1x1024xf32, #tpu.memory_space<vmem>>
    %dma_wait3A_222 = tpu.memref_squeeze %dma_wait3A_221 : memref<1x1024xf32, #tpu.memory_space<vmem>> -> memref<1024xf32, #tpu.memory_space<vmem>>
    %dma_wait3A_223 = arith.constant 0 : i32
    %dma_wait3A_224 = tpu.memref_slice %arg4[%multiple_of3A, %dma_wait3A_223] : memref<32768x1024xf32, #tpu.memory_space<hbm>> -> memref<1x1024xf32, #tpu.memory_space<hbm>>
    %dma_wait3A_225 = tpu.memref_squeeze %dma_wait3A_224 : memref<1x1024xf32, #tpu.memory_space<hbm>> -> memref<1024xf32, #tpu.memory_space<hbm>>
    %dma_wait3A_226 = arith.constant 0 : i32
    %dma_wait3A_227 = tpu.memref_slice %arg4[%multiple_of3A, %dma_wait3A_226] : memref<32768x1024xf32, #tpu.memory_space<hbm>> -> memref<1x1024xf32, #tpu.memory_space<hbm>>
    %dma_wait3A_228 = tpu.memref_squeeze %dma_wait3A_227 : memref<1x1024xf32, #tpu.memory_space<hbm>> -> memref<1024xf32, #tpu.memory_space<hbm>>
    %dma_wait3A_229 = arith.constant 0 : i32
    %dma_wait3A_230 = tpu.memref_slice %arg6[%dma_wait3A_219, %dma_wait3A_229] : memref<2x1024xf32, #tpu.memory_space<vmem>> -> memref<1x1024xf32, #tpu.memory_space<vmem>>
    %dma_wait3A_231 = tpu.memref_squeeze %dma_wait3A_230 : memref<1x1024xf32, #tpu.memory_space<vmem>> -> memref<1024xf32, #tpu.memory_space<vmem>>
    tpu.wait_dma2 semaphore(%arg7 : memref<!tpu.dma_semaphore, #tpu.memory_space<semaphore_mem>>) src(%dma_wait3A_231 : memref<1024xf32, #tpu.memory_space<vmem>>) dst(%dma_wait3A_228 : memref<1024xf32, #tpu.memory_space<hbm>>)
    %dma_wait3A_232 = arith.constant 0 : i32
    %dma_wait3A_233 = arith.constant 0 : i32
    %dma_wait3A_234 = tpu.memref_slice %arg6[%dma_wait3A_232, %dma_wait3A_233] : memref<2x1024xf32, #tpu.memory_space<vmem>> -> memref<1x1024xf32, #tpu.memory_space<vmem>>
    %dma_wait3A_235 = tpu.memref_squeeze %dma_wait3A_234 : memref<1x1024xf32, #tpu.memory_space<vmem>> -> memref<1024xf32, #tpu.memory_space<vmem>>
    %dma_wait3A_236 = arith.constant 0 : i32
    %dma_wait3A_237 = tpu.memref_slice %arg4[%multiple_of3A, %dma_wait3A_236] : memref<32768x1024xf32, #tpu.memory_space<hbm>> -> memref<1x1024xf32, #tpu.memory_space<hbm>>
    %dma_wait3A_238 = tpu.memref_squeeze %dma_wait3A_237 : memref<1x1024xf32, #tpu.memory_space<hbm>> -> memref<1024xf32, #tpu.memory_space<hbm>>
    %dma_wait3A_239 = arith.constant 0 : i32
    %dma_wait3A_240 = tpu.memref_slice %arg4[%multiple_of3A, %dma_wait3A_239] : memref<32768x1024xf32, #tpu.memory_space<hbm>> -> memref<1x1024xf32, #tpu.memory_space<hbm>>
    %dma_wait3A_241 = tpu.memref_squeeze %dma_wait3A_240 : memref<1x1024xf32, #tpu.memory_space<hbm>> -> memref<1024xf32, #tpu.memory_space<hbm>>
    %dma_wait3A_242 = arith.constant 0 : i32
    %dma_wait3A_243 = tpu.memref_slice %arg6[%dma_wait3A_232, %dma_wait3A_242] : memref<2x1024xf32, #tpu.memory_space<vmem>> -> memref<1x1024xf32, #tpu.memory_space<vmem>>
    %dma_wait3A_244 = tpu.memref_squeeze %dma_wait3A_243 : memref<1x1024xf32, #tpu.memory_space<vmem>> -> memref<1024xf32, #tpu.memory_space<vmem>>
    tpu.wait_dma2 semaphore(%arg7 : memref<!tpu.dma_semaphore, #tpu.memory_space<semaphore_mem>>) src(%dma_wait3A_244 : memref<1024xf32, #tpu.memory_space<vmem>>) dst(%dma_wait3A_241 : memref<1024xf32, #tpu.memory_space<hbm>>)
    %dma_wait3A_245 = arith.constant 0 : i32
    %dma_wait3A_246 = arith.constant 0 : i32
    %dma_wait3A_247 = tpu.memref_slice %arg6[%dma_wait3A_245, %dma_wait3A_246] : memref<2x1024xf32, #tpu.memory_space<vmem>> -> memref<1x1024xf32, #tpu.memory_space<vmem>>
    %dma_wait3A_248 = tpu.memref_squeeze %dma_wait3A_247 : memref<1x1024xf32, #tpu.memory_space<vmem>> -> memref<1024xf32, #tpu.memory_space<vmem>>
    %dma_wait3A_249 = arith.constant 0 : i32
    %dma_wait3A_250 = tpu.memref_slice %arg4[%multiple_of3A, %dma_wait3A_249] : memref<32768x1024xf32, #tpu.memory_space<hbm>> -> memref<1x1024xf32, #tpu.memory_space<hbm>>
    %dma_wait3A_251 = tpu.memref_squeeze %dma_wait3A_250 : memref<1x1024xf32, #tpu.memory_space<hbm>> -> memref<1024xf32, #tpu.memory_space<hbm>>
    %dma_wait3A_252 = arith.constant 0 : i32
    %dma_wait3A_253 = tpu.memref_slice %arg4[%multiple_of3A, %dma_wait3A_252] : memref<32768x1024xf32, #tpu.memory_space<hbm>> -> memref<1x1024xf32, #tpu.memory_space<hbm>>
    %dma_wait3A_254 = tpu.memref_squeeze %dma_wait3A_253 : memref<1x1024xf32, #tpu.memory_space<hbm>> -> memref<1024xf32, #tpu.memory_space<hbm>>
    %dma_wait3A_255 = arith.constant 0 : i32
    %dma_wait3A_256 = tpu.memref_slice %arg6[%dma_wait3A_245, %dma_wait3A_255] : memref<2x1024xf32, #tpu.memory_space<vmem>> -> memref<1x1024xf32, #tpu.memory_space<vmem>>
    %dma_wait3A_257 = tpu.memref_squeeze %dma_wait3A_256 : memref<1x1024xf32, #tpu.memory_space<vmem>> -> memref<1024xf32, #tpu.memory_space<vmem>>
    tpu.wait_dma2 semaphore(%arg7 : memref<!tpu.dma_semaphore, #tpu.memory_space<semaphore_mem>>) src(%dma_wait3A_257 : memref<1024xf32, #tpu.memory_space<vmem>>) dst(%dma_wait3A_254 : memref<1024xf32, #tpu.memory_space<hbm>>)
    %dma_wait3A_258 = arith.constant 0 : i32
    %dma_wait3A_259 = arith.constant 0 : i32
    %dma_wait3A_260 = tpu.memref_slice %arg6[%dma_wait3A_258, %dma_wait3A_259] : memref<2x1024xf32, #tpu.memory_space<vmem>> -> memref<1x1024xf32, #tpu.memory_space<vmem>>
    %dma_wait3A_261 = tpu.memref_squeeze %dma_wait3A_260 : memref<1x1024xf32, #tpu.memory_space<vmem>> -> memref<1024xf32, #tpu.memory_space<vmem>>
    %dma_wait3A_262 = arith.constant 0 : i32
    %dma_wait3A_263 = tpu.memref_slice %arg4[%multiple_of3A, %dma_wait3A_262] : memref<32768x1024xf32, #tpu.memory_space<hbm>> -> memref<1x1024xf32, #tpu.memory_space<hbm>>
    %dma_wait3A_264 = tpu.memref_squeeze %dma_wait3A_263 : memref<1x1024xf32, #tpu.memory_space<hbm>> -> memref<1024xf32, #tpu.memory_space<hbm>>
    %dma_wait3A_265 = arith.constant 0 : i32
    %dma_wait3A_266 = tpu.memref_slice %arg4[%multiple_of3A, %dma_wait3A_265] : memref<32768x1024xf32, #tpu.memory_space<hbm>> -> memref<1x1024xf32, #tpu.memory_space<hbm>>
    %dma_wait3A_267 = tpu.memref_squeeze %dma_wait3A_266 : memref<1x1024xf32, #tpu.memory_space<hbm>> -> memref<1024xf32, #tpu.memory_space<hbm>>
    %dma_wait3A_268 = arith.constant 0 : i32
    %dma_wait3A_269 = tpu.memref_slice %arg6[%dma_wait3A_258, %dma_wait3A_268] : memref<2x1024xf32, #tpu.memory_space<vmem>> -> memref<1x1024xf32, #tpu.memory_space<vmem>>
    %dma_wait3A_270 = tpu.memref_squeeze %dma_wait3A_269 : memref<1x1024xf32, #tpu.memory_space<vmem>> -> memref<1024xf32, #tpu.memory_space<vmem>>
    tpu.wait_dma2 semaphore(%arg7 : memref<!tpu.dma_semaphore, #tpu.memory_space<semaphore_mem>>) src(%dma_wait3A_270 : memref<1024xf32, #tpu.memory_space<vmem>>) dst(%dma_wait3A_267 : memref<1024xf32, #tpu.memory_space<hbm>>)
    %dma_wait3A_271 = arith.constant 0 : i32
    %dma_wait3A_272 = arith.constant 0 : i32
    %dma_wait3A_273 = tpu.memref_slice %arg6[%dma_wait3A_271, %dma_wait3A_272] : memref<2x1024xf32, #tpu.memory_space<vmem>> -> memref<1x1024xf32, #tpu.memory_space<vmem>>
    %dma_wait3A_274 = tpu.memref_squeeze %dma_wait3A_273 : memref<1x1024xf32, #tpu.memory_space<vmem>> -> memref<1024xf32, #tpu.memory_space<vmem>>
    %dma_wait3A_275 = arith.constant 0 : i32
    %dma_wait3A_276 = tpu.memref_slice %arg4[%multiple_of3A, %dma_wait3A_275] : memref<32768x1024xf32, #tpu.memory_space<hbm>> -> memref<1x1024xf32, #tpu.memory_space<hbm>>
    %dma_wait3A_277 = tpu.memref_squeeze %dma_wait3A_276 : memref<1x1024xf32, #tpu.memory_space<hbm>> -> memref<1024xf32, #tpu.memory_space<hbm>>
    %dma_wait3A_278 = arith.constant 0 : i32
    %dma_wait3A_279 = tpu.memref_slice %arg4[%multiple_of3A, %dma_wait3A_278] : memref<32768x1024xf32, #tpu.memory_space<hbm>> -> memref<1x1024xf32, #tpu.memory_space<hbm>>
    %dma_wait3A_280 = tpu.memref_squeeze %dma_wait3A_279 : memref<1x1024xf32, #tpu.memory_space<hbm>> -> memref<1024xf32, #tpu.memory_space<hbm>>
    %dma_wait3A_281 = arith.constant 0 : i32
    %dma_wait3A_282 = tpu.memref_slice %arg6[%dma_wait3A_271, %dma_wait3A_281] : memref<2x1024xf32, #tpu.memory_space<vmem>> -> memref<1x1024xf32, #tpu.memory_space<vmem>>
    %dma_wait3A_283 = tpu.memref_squeeze %dma_wait3A_282 : memref<1x1024xf32, #tpu.memory_space<vmem>> -> memref<1024xf32, #tpu.memory_space<vmem>>
    tpu.wait_dma2 semaphore(%arg7 : memref<!tpu.dma_semaphore, #tpu.memory_space<semaphore_mem>>) src(%dma_wait3A_283 : memref<1024xf32, #tpu.memory_space<vmem>>) dst(%dma_wait3A_280 : memref<1024xf32, #tpu.memory_space<hbm>>)
    %dma_wait3A_284 = arith.constant 0 : i32
    %dma_wait3A_285 = arith.constant 0 : i32
    %dma_wait3A_286 = tpu.memref_slice %arg6[%dma_wait3A_284, %dma_wait3A_285] : memref<2x1024xf32, #tpu.memory_space<vmem>> -> memref<1x1024xf32, #tpu.memory_space<vmem>>
    %dma_wait3A_287 = tpu.memref_squeeze %dma_wait3A_286 : memref<1x1024xf32, #tpu.memory_space<vmem>> -> memref<1024xf32, #tpu.memory_space<vmem>>
    %dma_wait3A_288 = arith.constant 0 : i32
    %dma_wait3A_289 = tpu.memref_slice %arg4[%multiple_of3A, %dma_wait3A_288] : memref<32768x1024xf32, #tpu.memory_space<hbm>> -> memref<1x1024xf32, #tpu.memory_space<hbm>>
    %dma_wait3A_290 = tpu.memref_squeeze %dma_wait3A_289 : memref<1x1024xf32, #tpu.memory_space<hbm>> -> memref<1024xf32, #tpu.memory_space<hbm>>
    %dma_wait3A_291 = arith.constant 0 : i32
    %dma_wait3A_292 = tpu.memref_slice %arg4[%multiple_of3A, %dma_wait3A_291] : memref<32768x1024xf32, #tpu.memory_space<hbm>> -> memref<1x1024xf32, #tpu.memory_space<hbm>>
    %dma_wait3A_293 = tpu.memref_squeeze %dma_wait3A_292 : memref<1x1024xf32, #tpu.memory_space<hbm>> -> memref<1024xf32, #tpu.memory_space<hbm>>
    %dma_wait3A_294 = arith.constant 0 : i32
    %dma_wait3A_295 = tpu.memref_slice %arg6[%dma_wait3A_284, %dma_wait3A_294] : memref<2x1024xf32, #tpu.memory_space<vmem>> -> memref<1x1024xf32, #tpu.memory_space<vmem>>
    %dma_wait3A_296 = tpu.memref_squeeze %dma_wait3A_295 : memref<1x1024xf32, #tpu.memory_space<vmem>> -> memref<1024xf32, #tpu.memory_space<vmem>>
    tpu.wait_dma2 semaphore(%arg7 : memref<!tpu.dma_semaphore, #tpu.memory_space<semaphore_mem>>) src(%dma_wait3A_296 : memref<1024xf32, #tpu.memory_space<vmem>>) dst(%dma_wait3A_293 : memref<1024xf32, #tpu.memory_space<hbm>>)
    %dma_wait3A_297 = arith.constant 0 : i32
    %dma_wait3A_298 = arith.constant 0 : i32
    %dma_wait3A_299 = tpu.memref_slice %arg6[%dma_wait3A_297, %dma_wait3A_298] : memref<2x1024xf32, #tpu.memory_space<vmem>> -> memref<1x1024xf32, #tpu.memory_space<vmem>>
    %dma_wait3A_300 = tpu.memref_squeeze %dma_wait3A_299 : memref<1x1024xf32, #tpu.memory_space<vmem>> -> memref<1024xf32, #tpu.memory_space<vmem>>
    %dma_wait3A_301 = arith.constant 0 : i32
    %dma_wait3A_302 = tpu.memref_slice %arg4[%multiple_of3A, %dma_wait3A_301] : memref<32768x1024xf32, #tpu.memory_space<hbm>> -> memref<1x1024xf32, #tpu.memory_space<hbm>>
    %dma_wait3A_303 = tpu.memref_squeeze %dma_wait3A_302 : memref<1x1024xf32, #tpu.memory_space<hbm>> -> memref<1024xf32, #tpu.memory_space<hbm>>
    %dma_wait3A_304 = arith.constant 0 : i32
    %dma_wait3A_305 = tpu.memref_slice %arg4[%multiple_of3A, %dma_wait3A_304] : memref<32768x1024xf32, #tpu.memory_space<hbm>> -> memref<1x1024xf32, #tpu.memory_space<hbm>>
    %dma_wait3A_306 = tpu.memref_squeeze %dma_wait3A_305 : memref<1x1024xf32, #tpu.memory_space<hbm>> -> memref<1024xf32, #tpu.memory_space<hbm>>
    %dma_wait3A_307 = arith.constant 0 : i32
    %dma_wait3A_308 = tpu.memref_slice %arg6[%dma_wait3A_297, %dma_wait3A_307] : memref<2x1024xf32, #tpu.memory_space<vmem>> -> memref<1x1024xf32, #tpu.memory_space<vmem>>
    %dma_wait3A_309 = tpu.memref_squeeze %dma_wait3A_308 : memref<1x1024xf32, #tpu.memory_space<vmem>> -> memref<1024xf32, #tpu.memory_space<vmem>>
    tpu.wait_dma2 semaphore(%arg7 : memref<!tpu.dma_semaphore, #tpu.memory_space<semaphore_mem>>) src(%dma_wait3A_309 : memref<1024xf32, #tpu.memory_space<vmem>>) dst(%dma_wait3A_306 : memref<1024xf32, #tpu.memory_space<hbm>>)
    %dma_wait3A_310 = arith.constant 0 : i32
    %dma_wait3A_311 = arith.constant 0 : i32
    %dma_wait3A_312 = tpu.memref_slice %arg6[%dma_wait3A_310, %dma_wait3A_311] : memref<2x1024xf32, #tpu.memory_space<vmem>> -> memref<1x1024xf32, #tpu.memory_space<vmem>>
    %dma_wait3A_313 = tpu.memref_squeeze %dma_wait3A_312 : memref<1x1024xf32, #tpu.memory_space<vmem>> -> memref<1024xf32, #tpu.memory_space<vmem>>
    %dma_wait3A_314 = arith.constant 0 : i32
    %dma_wait3A_315 = tpu.memref_slice %arg4[%multiple_of3A, %dma_wait3A_314] : memref<32768x1024xf32, #tpu.memory_space<hbm>> -> memref<1x1024xf32, #tpu.memory_space<hbm>>
    %dma_wait3A_316 = tpu.memref_squeeze %dma_wait3A_315 : memref<1x1024xf32, #tpu.memory_space<hbm>> -> memref<1024xf32, #tpu.memory_space<hbm>>
    %dma_wait3A_317 = arith.constant 0 : i32
    %dma_wait3A_318 = tpu.memref_slice %arg4[%multiple_of3A, %dma_wait3A_317] : memref<32768x1024xf32, #tpu.memory_space<hbm>> -> memref<1x1024xf32, #tpu.memory_space<hbm>>
    %dma_wait3A_319 = tpu.memref_squeeze %dma_wait3A_318 : memref<1x1024xf32, #tpu.memory_space<hbm>> -> memref<1024xf32, #tpu.memory_space<hbm>>
    %dma_wait3A_320 = arith.constant 0 : i32
    %dma_wait3A_321 = tpu.memref_slice %arg6[%dma_wait3A_310, %dma_wait3A_320] : memref<2x1024xf32, #tpu.memory_space<vmem>> -> memref<1x1024xf32, #tpu.memory_space<vmem>>
    %dma_wait3A_322 = tpu.memref_squeeze %dma_wait3A_321 : memref<1x1024xf32, #tpu.memory_space<vmem>> -> memref<1024xf32, #tpu.memory_space<vmem>>
    tpu.wait_dma2 semaphore(%arg7 : memref<!tpu.dma_semaphore, #tpu.memory_space<semaphore_mem>>) src(%dma_wait3A_322 : memref<1024xf32, #tpu.memory_space<vmem>>) dst(%dma_wait3A_319 : memref<1024xf32, #tpu.memory_space<hbm>>)
    %dma_wait3A_323 = arith.constant 0 : i32
    %dma_wait3A_324 = arith.constant 0 : i32
    %dma_wait3A_325 = tpu.memref_slice %arg6[%dma_wait3A_323, %dma_wait3A_324] : memref<2x1024xf32, #tpu.memory_space<vmem>> -> memref<1x1024xf32, #tpu.memory_space<vmem>>
    %dma_wait3A_326 = tpu.memref_squeeze %dma_wait3A_325 : memref<1x1024xf32, #tpu.memory_space<vmem>> -> memref<1024xf32, #tpu.memory_space<vmem>>
    %dma_wait3A_327 = arith.constant 0 : i32
    %dma_wait3A_328 = tpu.memref_slice %arg4[%multiple_of3A, %dma_wait3A_327] : memref<32768x1024xf32, #tpu.memory_space<hbm>> -> memref<1x1024xf32, #tpu.memory_space<hbm>>
    %dma_wait3A_329 = tpu.memref_squeeze %dma_wait3A_328 : memref<1x1024xf32, #tpu.memory_space<hbm>> -> memref<1024xf32, #tpu.memory_space<hbm>>
    %dma_wait3A_330 = arith.constant 0 : i32
    %dma_wait3A_331 = tpu.memref_slice %arg4[%multiple_of3A, %dma_wait3A_330] : memref<32768x1024xf32, #tpu.memory_space<hbm>> -> memref<1x1024xf32, #tpu.memory_space<hbm>>
    %dma_wait3A_332 = tpu.memref_squeeze %dma_wait3A_331 : memref<1x1024xf32, #tpu.memory_space<hbm>> -> memref<1024xf32, #tpu.memory_space<hbm>>
    %dma_wait3A_333 = arith.constant 0 : i32
    %dma_wait3A_334 = tpu.memref_slice %arg6[%dma_wait3A_323, %dma_wait3A_333] : memref<2x1024xf32, #tpu.memory_space<vmem>> -> memref<1x1024xf32, #tpu.memory_space<vmem>>
    %dma_wait3A_335 = tpu.memref_squeeze %dma_wait3A_334 : memref<1x1024xf32, #tpu.memory_space<vmem>> -> memref<1024xf32, #tpu.memory_space<vmem>>
    tpu.wait_dma2 semaphore(%arg7 : memref<!tpu.dma_semaphore, #tpu.memory_space<semaphore_mem>>) src(%dma_wait3A_335 : memref<1024xf32, #tpu.memory_space<vmem>>) dst(%dma_wait3A_332 : memref<1024xf32, #tpu.memory_space<hbm>>)
    %dma_wait3A_336 = arith.constant 0 : i32
    %dma_wait3A_337 = arith.constant 0 : i32
    %dma_wait3A_338 = tpu.memref_slice %arg6[%dma_wait3A_336, %dma_wait3A_337] : memref<2x1024xf32, #tpu.memory_space<vmem>> -> memref<1x1024xf32, #tpu.memory_space<vmem>>
    %dma_wait3A_339 = tpu.memref_squeeze %dma_wait3A_338 : memref<1x1024xf32, #tpu.memory_space<vmem>> -> memref<1024xf32, #tpu.memory_space<vmem>>
    %dma_wait3A_340 = arith.constant 0 : i32
    %dma_wait3A_341 = tpu.memref_slice %arg4[%multiple_of3A, %dma_wait3A_340] : memref<32768x1024xf32, #tpu.memory_space<hbm>> -> memref<1x1024xf32, #tpu.memory_space<hbm>>
    %dma_wait3A_342 = tpu.memref_squeeze %dma_wait3A_341 : memref<1x1024xf32, #tpu.memory_space<hbm>> -> memref<1024xf32, #tpu.memory_space<hbm>>
    %dma_wait3A_343 = arith.constant 0 : i32
    %dma_wait3A_344 = tpu.memref_slice %arg4[%multiple_of3A, %dma_wait3A_343] : memref<32768x1024xf32, #tpu.memory_space<hbm>> -> memref<1x1024xf32, #tpu.memory_space<hbm>>
    %dma_wait3A_345 = tpu.memref_squeeze %dma_wait3A_344 : memref<1x1024xf32, #tpu.memory_space<hbm>> -> memref<1024xf32, #tpu.memory_space<hbm>>
    %dma_wait3A_346 = arith.constant 0 : i32
    %dma_wait3A_347 = tpu.memref_slice %arg6[%dma_wait3A_336, %dma_wait3A_346] : memref<2x1024xf32, #tpu.memory_space<vmem>> -> memref<1x1024xf32, #tpu.memory_space<vmem>>
    %dma_wait3A_348 = tpu.memref_squeeze %dma_wait3A_347 : memref<1x1024xf32, #tpu.memory_space<vmem>> -> memref<1024xf32, #tpu.memory_space<vmem>>
    tpu.wait_dma2 semaphore(%arg7 : memref<!tpu.dma_semaphore, #tpu.memory_space<semaphore_mem>>) src(%dma_wait3A_348 : memref<1024xf32, #tpu.memory_space<vmem>>) dst(%dma_wait3A_345 : memref<1024xf32, #tpu.memory_space<hbm>>)
    %dma_wait3A_349 = arith.constant 0 : i32
    %dma_wait3A_350 = arith.constant 0 : i32
    %dma_wait3A_351 = tpu.memref_slice %arg6[%dma_wait3A_349, %dma_wait3A_350] : memref<2x1024xf32, #tpu.memory_space<vmem>> -> memref<1x1024xf32, #tpu.memory_space<vmem>>
    %dma_wait3A_352 = tpu.memref_squeeze %dma_wait3A_351 : memref<1x1024xf32, #tpu.memory_space<vmem>> -> memref<1024xf32, #tpu.memory_space<vmem>>
    %dma_wait3A_353 = arith.constant 0 : i32
    %dma_wait3A_354 = tpu.memref_slice %arg4[%multiple_of3A, %dma_wait3A_353] : memref<32768x1024xf32, #tpu.memory_space<hbm>> -> memref<1x1024xf32, #tpu.memory_space<hbm>>
    %dma_wait3A_355 = tpu.memref_squeeze %dma_wait3A_354 : memref<1x1024xf32, #tpu.memory_space<hbm>> -> memref<1024xf32, #tpu.memory_space<hbm>>
    %dma_wait3A_356 = arith.constant 0 : i32
    %dma_wait3A_357 = tpu.memref_slice %arg4[%multiple_of3A, %dma_wait3A_356] : memref<32768x1024xf32, #tpu.memory_space<hbm>> -> memref<1x1024xf32, #tpu.memory_space<hbm>>
    %dma_wait3A_358 = tpu.memref_squeeze %dma_wait3A_357 : memref<1x1024xf32, #tpu.memory_space<hbm>> -> memref<1024xf32, #tpu.memory_space<hbm>>
    %dma_wait3A_359 = arith.constant 0 : i32
    %dma_wait3A_360 = tpu.memref_slice %arg6[%dma_wait3A_349, %dma_wait3A_359] : memref<2x1024xf32, #tpu.memory_space<vmem>> -> memref<1x1024xf32, #tpu.memory_space<vmem>>
    %dma_wait3A_361 = tpu.memref_squeeze %dma_wait3A_360 : memref<1x1024xf32, #tpu.memory_space<vmem>> -> memref<1024xf32, #tpu.memory_space<vmem>>
    tpu.wait_dma2 semaphore(%arg7 : memref<!tpu.dma_semaphore, #tpu.memory_space<semaphore_mem>>) src(%dma_wait3A_361 : memref<1024xf32, #tpu.memory_space<vmem>>) dst(%dma_wait3A_358 : memref<1024xf32, #tpu.memory_space<hbm>>)
    %dma_wait3A_362 = arith.constant 0 : i32
    %dma_wait3A_363 = arith.constant 0 : i32
    %dma_wait3A_364 = tpu.memref_slice %arg6[%dma_wait3A_362, %dma_wait3A_363] : memref<2x1024xf32, #tpu.memory_space<vmem>> -> memref<1x1024xf32, #tpu.memory_space<vmem>>
    %dma_wait3A_365 = tpu.memref_squeeze %dma_wait3A_364 : memref<1x1024xf32, #tpu.memory_space<vmem>> -> memref<1024xf32, #tpu.memory_space<vmem>>
    %dma_wait3A_366 = arith.constant 0 : i32
    %dma_wait3A_367 = tpu.memref_slice %arg4[%multiple_of3A, %dma_wait3A_366] : memref<32768x1024xf32, #tpu.memory_space<hbm>> -> memref<1x1024xf32, #tpu.memory_space<hbm>>
    %dma_wait3A_368 = tpu.memref_squeeze %dma_wait3A_367 : memref<1x1024xf32, #tpu.memory_space<hbm>> -> memref<1024xf32, #tpu.memory_space<hbm>>
    %dma_wait3A_369 = arith.constant 0 : i32
    %dma_wait3A_370 = tpu.memref_slice %arg4[%multiple_of3A, %dma_wait3A_369] : memref<32768x1024xf32, #tpu.memory_space<hbm>> -> memref<1x1024xf32, #tpu.memory_space<hbm>>
    %dma_wait3A_371 = tpu.memref_squeeze %dma_wait3A_370 : memref<1x1024xf32, #tpu.memory_space<hbm>> -> memref<1024xf32, #tpu.memory_space<hbm>>
    %dma_wait3A_372 = arith.constant 0 : i32
    %dma_wait3A_373 = tpu.memref_slice %arg6[%dma_wait3A_362, %dma_wait3A_372] : memref<2x1024xf32, #tpu.memory_space<vmem>> -> memref<1x1024xf32, #tpu.memory_space<vmem>>
    %dma_wait3A_374 = tpu.memref_squeeze %dma_wait3A_373 : memref<1x1024xf32, #tpu.memory_space<vmem>> -> memref<1024xf32, #tpu.memory_space<vmem>>
    tpu.wait_dma2 semaphore(%arg7 : memref<!tpu.dma_semaphore, #tpu.memory_space<semaphore_mem>>) src(%dma_wait3A_374 : memref<1024xf32, #tpu.memory_space<vmem>>) dst(%dma_wait3A_371 : memref<1024xf32, #tpu.memory_space<hbm>>)
    %dma_wait3A_375 = arith.constant 0 : i32
    %dma_wait3A_376 = arith.constant 0 : i32
    %dma_wait3A_377 = tpu.memref_slice %arg6[%dma_wait3A_375, %dma_wait3A_376] : memref<2x1024xf32, #tpu.memory_space<vmem>> -> memref<1x1024xf32, #tpu.memory_space<vmem>>
    %dma_wait3A_378 = tpu.memref_squeeze %dma_wait3A_377 : memref<1x1024xf32, #tpu.memory_space<vmem>> -> memref<1024xf32, #tpu.memory_space<vmem>>
    %dma_wait3A_379 = arith.constant 0 : i32
    %dma_wait3A_380 = tpu.memref_slice %arg4[%multiple_of3A, %dma_wait3A_379] : memref<32768x1024xf32, #tpu.memory_space<hbm>> -> memref<1x1024xf32, #tpu.memory_space<hbm>>
    %dma_wait3A_381 = tpu.memref_squeeze %dma_wait3A_380 : memref<1x1024xf32, #tpu.memory_space<hbm>> -> memref<1024xf32, #tpu.memory_space<hbm>>
    %dma_wait3A_382 = arith.constant 0 : i32
    %dma_wait3A_383 = tpu.memref_slice %arg4[%multiple_of3A, %dma_wait3A_382] : memref<32768x1024xf32, #tpu.memory_space<hbm>> -> memref<1x1024xf32, #tpu.memory_space<hbm>>
    %dma_wait3A_384 = tpu.memref_squeeze %dma_wait3A_383 : memref<1x1024xf32, #tpu.memory_space<hbm>> -> memref<1024xf32, #tpu.memory_space<hbm>>
    %dma_wait3A_385 = arith.constant 0 : i32
    %dma_wait3A_386 = tpu.memref_slice %arg6[%dma_wait3A_375, %dma_wait3A_385] : memref<2x1024xf32, #tpu.memory_space<vmem>> -> memref<1x1024xf32, #tpu.memory_space<vmem>>
    %dma_wait3A_387 = tpu.memref_squeeze %dma_wait3A_386 : memref<1x1024xf32, #tpu.memory_space<vmem>> -> memref<1024xf32, #tpu.memory_space<vmem>>
    tpu.wait_dma2 semaphore(%arg7 : memref<!tpu.dma_semaphore, #tpu.memory_space<semaphore_mem>>) src(%dma_wait3A_387 : memref<1024xf32, #tpu.memory_space<vmem>>) dst(%dma_wait3A_384 : memref<1024xf32, #tpu.memory_space<hbm>>)
    %dma_wait3A_388 = arith.constant 0 : i32
    %dma_wait3A_389 = arith.constant 0 : i32
    %dma_wait3A_390 = tpu.memref_slice %arg6[%dma_wait3A_388, %dma_wait3A_389] : memref<2x1024xf32, #tpu.memory_space<vmem>> -> memref<1x1024xf32, #tpu.memory_space<vmem>>
    %dma_wait3A_391 = tpu.memref_squeeze %dma_wait3A_390 : memref<1x1024xf32, #tpu.memory_space<vmem>> -> memref<1024xf32, #tpu.memory_space<vmem>>
    %dma_wait3A_392 = arith.constant 0 : i32
    %dma_wait3A_393 = tpu.memref_slice %arg4[%multiple_of3A, %dma_wait3A_392] : memref<32768x1024xf32, #tpu.memory_space<hbm>> -> memref<1x1024xf32, #tpu.memory_space<hbm>>
    %dma_wait3A_394 = tpu.memref_squeeze %dma_wait3A_393 : memref<1x1024xf32, #tpu.memory_space<hbm>> -> memref<1024xf32, #tpu.memory_space<hbm>>
    %dma_wait3A_395 = arith.constant 0 : i32
    %dma_wait3A_396 = tpu.memref_slice %arg4[%multiple_of3A, %dma_wait3A_395] : memref<32768x1024xf32, #tpu.memory_space<hbm>> -> memref<1x1024xf32, #tpu.memory_space<hbm>>
    %dma_wait3A_397 = tpu.memref_squeeze %dma_wait3A_396 : memref<1x1024xf32, #tpu.memory_space<hbm>> -> memref<1024xf32, #tpu.memory_space<hbm>>
    %dma_wait3A_398 = arith.constant 0 : i32
    %dma_wait3A_399 = tpu.memref_slice %arg6[%dma_wait3A_388, %dma_wait3A_398] : memref<2x1024xf32, #tpu.memory_space<vmem>> -> memref<1x1024xf32, #tpu.memory_space<vmem>>
    %dma_wait3A_400 = tpu.memref_squeeze %dma_wait3A_399 : memref<1x1024xf32, #tpu.memory_space<vmem>> -> memref<1024xf32, #tpu.memory_space<vmem>>
    tpu.wait_dma2 semaphore(%arg7 : memref<!tpu.dma_semaphore, #tpu.memory_space<semaphore_mem>>) src(%dma_wait3A_400 : memref<1024xf32, #tpu.memory_space<vmem>>) dst(%dma_wait3A_397 : memref<1024xf32, #tpu.memory_space<hbm>>)
    %dma_wait3A_401 = arith.constant 0 : i32
    %dma_wait3A_402 = arith.constant 0 : i32
    %dma_wait3A_403 = tpu.memref_slice %arg6[%dma_wait3A_401, %dma_wait3A_402] : memref<2x1024xf32, #tpu.memory_space<vmem>> -> memref<1x1024xf32, #tpu.memory_space<vmem>>
    %dma_wait3A_404 = tpu.memref_squeeze %dma_wait3A_403 : memref<1x1024xf32, #tpu.memory_space<vmem>> -> memref<1024xf32, #tpu.memory_space<vmem>>
    %dma_wait3A_405 = arith.constant 0 : i32
    %dma_wait3A_406 = tpu.memref_slice %arg4[%multiple_of3A, %dma_wait3A_405] : memref<32768x1024xf32, #tpu.memory_space<hbm>> -> memref<1x1024xf32, #tpu.memory_space<hbm>>
    %dma_wait3A_407 = tpu.memref_squeeze %dma_wait3A_406 : memref<1x1024xf32, #tpu.memory_space<hbm>> -> memref<1024xf32, #tpu.memory_space<hbm>>
    %dma_wait3A_408 = arith.constant 0 : i32
    %dma_wait3A_409 = tpu.memref_slice %arg4[%multiple_of3A, %dma_wait3A_408] : memref<32768x1024xf32, #tpu.memory_space<hbm>> -> memref<1x1024xf32, #tpu.memory_space<hbm>>
    %dma_wait3A_410 = tpu.memref_squeeze %dma_wait3A_409 : memref<1x1024xf32, #tpu.memory_space<hbm>> -> memref<1024xf32, #tpu.memory_space<hbm>>
    %dma_wait3A_411 = arith.constant 0 : i32
    %dma_wait3A_412 = tpu.memref_slice %arg6[%dma_wait3A_401, %dma_wait3A_411] : memref<2x1024xf32, #tpu.memory_space<vmem>> -> memref<1x1024xf32, #tpu.memory_space<vmem>>
    %dma_wait3A_413 = tpu.memref_squeeze %dma_wait3A_412 : memref<1x1024xf32, #tpu.memory_space<vmem>> -> memref<1024xf32, #tpu.memory_space<vmem>>
    tpu.wait_dma2 semaphore(%arg7 : memref<!tpu.dma_semaphore, #tpu.memory_space<semaphore_mem>>) src(%dma_wait3A_413 : memref<1024xf32, #tpu.memory_space<vmem>>) dst(%dma_wait3A_410 : memref<1024xf32, #tpu.memory_space<hbm>>)
    %dma_wait3A_414 = arith.constant 0 : i32
    %dma_wait3A_415 = arith.constant 0 : i32
    %dma_wait3A_416 = tpu.memref_slice %arg6[%dma_wait3A_414, %dma_wait3A_415] : memref<2x1024xf32, #tpu.memory_space<vmem>> -> memref<1x1024xf32, #tpu.memory_space<vmem>>
    %dma_wait3A_417 = tpu.memref_squeeze %dma_wait3A_416 : memref<1x1024xf32, #tpu.memory_space<vmem>> -> memref<1024xf32, #tpu.memory_space<vmem>>
    %dma_wait3A_418 = arith.constant 0 : i32
    %dma_wait3A_419 = tpu.memref_slice %arg4[%multiple_of3A, %dma_wait3A_418] : memref<32768x1024xf32, #tpu.memory_space<hbm>> -> memref<1x1024xf32, #tpu.memory_space<hbm>>
    %dma_wait3A_420 = tpu.memref_squeeze %dma_wait3A_419 : memref<1x1024xf32, #tpu.memory_space<hbm>> -> memref<1024xf32, #tpu.memory_space<hbm>>
    %dma_wait3A_421 = arith.constant 0 : i32
    %dma_wait3A_422 = tpu.memref_slice %arg4[%multiple_of3A, %dma_wait3A_421] : memref<32768x1024xf32, #tpu.memory_space<hbm>> -> memref<1x1024xf32, #tpu.memory_space<hbm>>
    %dma_wait3A_423 = tpu.memref_squeeze %dma_wait3A_422 : memref<1x1024xf32, #tpu.memory_space<hbm>> -> memref<1024xf32, #tpu.memory_space<hbm>>
    %dma_wait3A_424 = arith.constant 0 : i32
    %dma_wait3A_425 = tpu.memref_slice %arg6[%dma_wait3A_414, %dma_wait3A_424] : memref<2x1024xf32, #tpu.memory_space<vmem>> -> memref<1x1024xf32, #tpu.memory_space<vmem>>
    %dma_wait3A_426 = tpu.memref_squeeze %dma_wait3A_425 : memref<1x1024xf32, #tpu.memory_space<vmem>> -> memref<1024xf32, #tpu.memory_space<vmem>>
    tpu.wait_dma2 semaphore(%arg7 : memref<!tpu.dma_semaphore, #tpu.memory_space<semaphore_mem>>) src(%dma_wait3A_426 : memref<1024xf32, #tpu.memory_space<vmem>>) dst(%dma_wait3A_423 : memref<1024xf32, #tpu.memory_space<hbm>>)
    %dma_wait3A_427 = arith.constant 0 : i32
    %dma_wait3A_428 = arith.constant 0 : i32
    %dma_wait3A_429 = tpu.memref_slice %arg6[%dma_wait3A_427, %dma_wait3A_428] : memref<2x1024xf32, #tpu.memory_space<vmem>> -> memref<1x1024xf32, #tpu.memory_space<vmem>>
    %dma_wait3A_430 = tpu.memref_squeeze %dma_wait3A_429 : memref<1x1024xf32, #tpu.memory_space<vmem>> -> memref<1024xf32, #tpu.memory_space<vmem>>
    %dma_wait3A_431 = arith.constant 0 : i32
    %dma_wait3A_432 = tpu.memref_slice %arg4[%multiple_of3A, %dma_wait3A_431] : memref<32768x1024xf32, #tpu.memory_space<hbm>> -> memref<1x1024xf32, #tpu.memory_space<hbm>>
    %dma_wait3A_433 = tpu.memref_squeeze %dma_wait3A_432 : memref<1x1024xf32, #tpu.memory_space<hbm>> -> memref<1024xf32, #tpu.memory_space<hbm>>
    %dma_wait3A_434 = arith.constant 0 : i32
    %dma_wait3A_435 = tpu.memref_slice %arg4[%multiple_of3A, %dma_wait3A_434] : memref<32768x1024xf32, #tpu.memory_space<hbm>> -> memref<1x1024xf32, #tpu.memory_space<hbm>>
    %dma_wait3A_436 = tpu.memref_squeeze %dma_wait3A_435 : memref<1x1024xf32, #tpu.memory_space<hbm>> -> memref<1024xf32, #tpu.memory_space<hbm>>
    %dma_wait3A_437 = arith.constant 0 : i32
    %dma_wait3A_438 = tpu.memref_slice %arg6[%dma_wait3A_427, %dma_wait3A_437] : memref<2x1024xf32, #tpu.memory_space<vmem>> -> memref<1x1024xf32, #tpu.memory_space<vmem>>
    %dma_wait3A_439 = tpu.memref_squeeze %dma_wait3A_438 : memref<1x1024xf32, #tpu.memory_space<vmem>> -> memref<1024xf32, #tpu.memory_space<vmem>>
    tpu.wait_dma2 semaphore(%arg7 : memref<!tpu.dma_semaphore, #tpu.memory_space<semaphore_mem>>) src(%dma_wait3A_439 : memref<1024xf32, #tpu.memory_space<vmem>>) dst(%dma_wait3A_436 : memref<1024xf32, #tpu.memory_space<hbm>>)
    %dma_wait3A_440 = arith.constant 0 : i32
    %dma_wait3A_441 = arith.constant 0 : i32
    %dma_wait3A_442 = tpu.memref_slice %arg6[%dma_wait3A_440, %dma_wait3A_441] : memref<2x1024xf32, #tpu.memory_space<vmem>> -> memref<1x1024xf32, #tpu.memory_space<vmem>>
    %dma_wait3A_443 = tpu.memref_squeeze %dma_wait3A_442 : memref<1x1024xf32, #tpu.memory_space<vmem>> -> memref<1024xf32, #tpu.memory_space<vmem>>
    %dma_wait3A_444 = arith.constant 0 : i32
    %dma_wait3A_445 = tpu.memref_slice %arg4[%multiple_of3A, %dma_wait3A_444] : memref<32768x1024xf32, #tpu.memory_space<hbm>> -> memref<1x1024xf32, #tpu.memory_space<hbm>>
    %dma_wait3A_446 = tpu.memref_squeeze %dma_wait3A_445 : memref<1x1024xf32, #tpu.memory_space<hbm>> -> memref<1024xf32, #tpu.memory_space<hbm>>
    %dma_wait3A_447 = arith.constant 0 : i32
    %dma_wait3A_448 = tpu.memref_slice %arg4[%multiple_of3A, %dma_wait3A_447] : memref<32768x1024xf32, #tpu.memory_space<hbm>> -> memref<1x1024xf32, #tpu.memory_space<hbm>>
    %dma_wait3A_449 = tpu.memref_squeeze %dma_wait3A_448 : memref<1x1024xf32, #tpu.memory_space<hbm>> -> memref<1024xf32, #tpu.memory_space<hbm>>
    %dma_wait3A_450 = arith.constant 0 : i32
    %dma_wait3A_451 = tpu.memref_slice %arg6[%dma_wait3A_440, %dma_wait3A_450] : memref<2x1024xf32, #tpu.memory_space<vmem>> -> memref<1x1024xf32, #tpu.memory_space<vmem>>
    %dma_wait3A_452 = tpu.memref_squeeze %dma_wait3A_451 : memref<1x1024xf32, #tpu.memory_space<vmem>> -> memref<1024xf32, #tpu.memory_space<vmem>>
    tpu.wait_dma2 semaphore(%arg7 : memref<!tpu.dma_semaphore, #tpu.memory_space<semaphore_mem>>) src(%dma_wait3A_452 : memref<1024xf32, #tpu.memory_space<vmem>>) dst(%dma_wait3A_449 : memref<1024xf32, #tpu.memory_space<hbm>>)
    %dma_wait3A_453 = arith.constant 0 : i32
    %dma_wait3A_454 = arith.constant 0 : i32
    %dma_wait3A_455 = tpu.memref_slice %arg6[%dma_wait3A_453, %dma_wait3A_454] : memref<2x1024xf32, #tpu.memory_space<vmem>> -> memref<1x1024xf32, #tpu.memory_space<vmem>>
    %dma_wait3A_456 = tpu.memref_squeeze %dma_wait3A_455 : memref<1x1024xf32, #tpu.memory_space<vmem>> -> memref<1024xf32, #tpu.memory_space<vmem>>
    %dma_wait3A_457 = arith.constant 0 : i32
    %dma_wait3A_458 = tpu.memref_slice %arg4[%multiple_of3A, %dma_wait3A_457] : memref<32768x1024xf32, #tpu.memory_space<hbm>> -> memref<1x1024xf32, #tpu.memory_space<hbm>>
    %dma_wait3A_459 = tpu.memref_squeeze %dma_wait3A_458 : memref<1x1024xf32, #tpu.memory_space<hbm>> -> memref<1024xf32, #tpu.memory_space<hbm>>
    %dma_wait3A_460 = arith.constant 0 : i32
    %dma_wait3A_461 = tpu.memref_slice %arg4[%multiple_of3A, %dma_wait3A_460] : memref<32768x1024xf32, #tpu.memory_space<hbm>> -> memref<1x1024xf32, #tpu.memory_space<hbm>>
    %dma_wait3A_462 = tpu.memref_squeeze %dma_wait3A_461 : memref<1x1024xf32, #tpu.memory_space<hbm>> -> memref<1024xf32, #tpu.memory_space<hbm>>
    %dma_wait3A_463 = arith.constant 0 : i32
    %dma_wait3A_464 = tpu.memref_slice %arg6[%dma_wait3A_453, %dma_wait3A_463] : memref<2x1024xf32, #tpu.memory_space<vmem>> -> memref<1x1024xf32, #tpu.memory_space<vmem>>
    %dma_wait3A_465 = tpu.memref_squeeze %dma_wait3A_464 : memref<1x1024xf32, #tpu.memory_space<vmem>> -> memref<1024xf32, #tpu.memory_space<vmem>>
    tpu.wait_dma2 semaphore(%arg7 : memref<!tpu.dma_semaphore, #tpu.memory_space<semaphore_mem>>) src(%dma_wait3A_465 : memref<1024xf32, #tpu.memory_space<vmem>>) dst(%dma_wait3A_462 : memref<1024xf32, #tpu.memory_space<hbm>>)
    %dma_wait3A_466 = arith.constant 0 : i32
    %dma_wait3A_467 = arith.constant 0 : i32
    %dma_wait3A_468 = tpu.memref_slice %arg6[%dma_wait3A_466, %dma_wait3A_467] : memref<2x1024xf32, #tpu.memory_space<vmem>> -> memref<1x1024xf32, #tpu.memory_space<vmem>>
    %dma_wait3A_469 = tpu.memref_squeeze %dma_wait3A_468 : memref<1x1024xf32, #tpu.memory_space<vmem>> -> memref<1024xf32, #tpu.memory_space<vmem>>
    %dma_wait3A_470 = arith.constant 0 : i32
    %dma_wait3A_471 = tpu.memref_slice %arg4[%multiple_of3A, %dma_wait3A_470] : memref<32768x1024xf32, #tpu.memory_space<hbm>> -> memref<1x1024xf32, #tpu.memory_space<hbm>>
    %dma_wait3A_472 = tpu.memref_squeeze %dma_wait3A_471 : memref<1x1024xf32, #tpu.memory_space<hbm>> -> memref<1024xf32, #tpu.memory_space<hbm>>
    %dma_wait3A_473 = arith.constant 0 : i32
    %dma_wait3A_474 = tpu.memref_slice %arg4[%multiple_of3A, %dma_wait3A_473] : memref<32768x1024xf32, #tpu.memory_space<hbm>> -> memref<1x1024xf32, #tpu.memory_space<hbm>>
    %dma_wait3A_475 = tpu.memref_squeeze %dma_wait3A_474 : memref<1x1024xf32, #tpu.memory_space<hbm>> -> memref<1024xf32, #tpu.memory_space<hbm>>
    %dma_wait3A_476 = arith.constant 0 : i32
    %dma_wait3A_477 = tpu.memref_slice %arg6[%dma_wait3A_466, %dma_wait3A_476] : memref<2x1024xf32, #tpu.memory_space<vmem>> -> memref<1x1024xf32, #tpu.memory_space<vmem>>
    %dma_wait3A_478 = tpu.memref_squeeze %dma_wait3A_477 : memref<1x1024xf32, #tpu.memory_space<vmem>> -> memref<1024xf32, #tpu.memory_space<vmem>>
    tpu.wait_dma2 semaphore(%arg7 : memref<!tpu.dma_semaphore, #tpu.memory_space<semaphore_mem>>) src(%dma_wait3A_478 : memref<1024xf32, #tpu.memory_space<vmem>>) dst(%dma_wait3A_475 : memref<1024xf32, #tpu.memory_space<hbm>>)
    %dma_wait3A_479 = arith.constant 0 : i32
    %dma_wait3A_480 = arith.constant 0 : i32
    %dma_wait3A_481 = tpu.memref_slice %arg6[%dma_wait3A_479, %dma_wait3A_480] : memref<2x1024xf32, #tpu.memory_space<vmem>> -> memref<1x1024xf32, #tpu.memory_space<vmem>>
    %dma_wait3A_482 = tpu.memref_squeeze %dma_wait3A_481 : memref<1x1024xf32, #tpu.memory_space<vmem>> -> memref<1024xf32, #tpu.memory_space<vmem>>
    %dma_wait3A_483 = arith.constant 0 : i32
    %dma_wait3A_484 = tpu.memref_slice %arg4[%multiple_of3A, %dma_wait3A_483] : memref<32768x1024xf32, #tpu.memory_space<hbm>> -> memref<1x1024xf32, #tpu.memory_space<hbm>>
    %dma_wait3A_485 = tpu.memref_squeeze %dma_wait3A_484 : memref<1x1024xf32, #tpu.memory_space<hbm>> -> memref<1024xf32, #tpu.memory_space<hbm>>
    %dma_wait3A_486 = arith.constant 0 : i32
    %dma_wait3A_487 = tpu.memref_slice %arg4[%multiple_of3A, %dma_wait3A_486] : memref<32768x1024xf32, #tpu.memory_space<hbm>> -> memref<1x1024xf32, #tpu.memory_space<hbm>>
    %dma_wait3A_488 = tpu.memref_squeeze %dma_wait3A_487 : memref<1x1024xf32, #tpu.memory_space<hbm>> -> memref<1024xf32, #tpu.memory_space<hbm>>
    %dma_wait3A_489 = arith.constant 0 : i32
    %dma_wait3A_490 = tpu.memref_slice %arg6[%dma_wait3A_479, %dma_wait3A_489] : memref<2x1024xf32, #tpu.memory_space<vmem>> -> memref<1x1024xf32, #tpu.memory_space<vmem>>
    %dma_wait3A_491 = tpu.memref_squeeze %dma_wait3A_490 : memref<1x1024xf32, #tpu.memory_space<vmem>> -> memref<1024xf32, #tpu.memory_space<vmem>>
    tpu.wait_dma2 semaphore(%arg7 : memref<!tpu.dma_semaphore, #tpu.memory_space<semaphore_mem>>) src(%dma_wait3A_491 : memref<1024xf32, #tpu.memory_space<vmem>>) dst(%dma_wait3A_488 : memref<1024xf32, #tpu.memory_space<hbm>>)
    %dma_wait3A_492 = arith.constant 0 : i32
    %dma_wait3A_493 = arith.constant 0 : i32
    %dma_wait3A_494 = tpu.memref_slice %arg6[%dma_wait3A_492, %dma_wait3A_493] : memref<2x1024xf32, #tpu.memory_space<vmem>> -> memref<1x1024xf32, #tpu.memory_space<vmem>>
    %dma_wait3A_495 = tpu.memref_squeeze %dma_wait3A_494 : memref<1x1024xf32, #tpu.memory_space<vmem>> -> memref<1024xf32, #tpu.memory_space<vmem>>
    %dma_wait3A_496 = arith.constant 0 : i32
    %dma_wait3A_497 = tpu.memref_slice %arg4[%multiple_of3A, %dma_wait3A_496] : memref<32768x1024xf32, #tpu.memory_space<hbm>> -> memref<1x1024xf32, #tpu.memory_space<hbm>>
    %dma_wait3A_498 = tpu.memref_squeeze %dma_wait3A_497 : memref<1x1024xf32, #tpu.memory_space<hbm>> -> memref<1024xf32, #tpu.memory_space<hbm>>
    %dma_wait3A_499 = arith.constant 0 : i32
    %dma_wait3A_500 = tpu.memref_slice %arg4[%multiple_of3A, %dma_wait3A_499] : memref<32768x1024xf32, #tpu.memory_space<hbm>> -> memref<1x1024xf32, #tpu.memory_space<hbm>>
    %dma_wait3A_501 = tpu.memref_squeeze %dma_wait3A_500 : memref<1x1024xf32, #tpu.memory_space<hbm>> -> memref<1024xf32, #tpu.memory_space<hbm>>
    %dma_wait3A_502 = arith.constant 0 : i32
    %dma_wait3A_503 = tpu.memref_slice %arg6[%dma_wait3A_492, %dma_wait3A_502] : memref<2x1024xf32, #tpu.memory_space<vmem>> -> memref<1x1024xf32, #tpu.memory_space<vmem>>
    %dma_wait3A_504 = tpu.memref_squeeze %dma_wait3A_503 : memref<1x1024xf32, #tpu.memory_space<vmem>> -> memref<1024xf32, #tpu.memory_space<vmem>>
    tpu.wait_dma2 semaphore(%arg7 : memref<!tpu.dma_semaphore, #tpu.memory_space<semaphore_mem>>) src(%dma_wait3A_504 : memref<1024xf32, #tpu.memory_space<vmem>>) dst(%dma_wait3A_501 : memref<1024xf32, #tpu.memory_space<hbm>>)
    %dma_wait3A_505 = arith.constant 0 : i32
    %dma_wait3A_506 = arith.constant 0 : i32
    %dma_wait3A_507 = tpu.memref_slice %arg6[%dma_wait3A_505, %dma_wait3A_506] : memref<2x1024xf32, #tpu.memory_space<vmem>> -> memref<1x1024xf32, #tpu.memory_space<vmem>>
    %dma_wait3A_508 = tpu.memref_squeeze %dma_wait3A_507 : memref<1x1024xf32, #tpu.memory_space<vmem>> -> memref<1024xf32, #tpu.memory_space<vmem>>
    %dma_wait3A_509 = arith.constant 0 : i32
    %dma_wait3A_510 = tpu.memref_slice %arg4[%multiple_of3A, %dma_wait3A_509] : memref<32768x1024xf32, #tpu.memory_space<hbm>> -> memref<1x1024xf32, #tpu.memory_space<hbm>>
    %dma_wait3A_511 = tpu.memref_squeeze %dma_wait3A_510 : memref<1x1024xf32, #tpu.memory_space<hbm>> -> memref<1024xf32, #tpu.memory_space<hbm>>
    %dma_wait3A_512 = arith.constant 0 : i32
    %dma_wait3A_513 = tpu.memref_slice %arg4[%multiple_of3A, %dma_wait3A_512] : memref<32768x1024xf32, #tpu.memory_space<hbm>> -> memref<1x1024xf32, #tpu.memory_space<hbm>>
    %dma_wait3A_514 = tpu.memref_squeeze %dma_wait3A_513 : memref<1x1024xf32, #tpu.memory_space<hbm>> -> memref<1024xf32, #tpu.memory_space<hbm>>
    %dma_wait3A_515 = arith.constant 0 : i32
    %dma_wait3A_516 = tpu.memref_slice %arg6[%dma_wait3A_505, %dma_wait3A_515] : memref<2x1024xf32, #tpu.memory_space<vmem>> -> memref<1x1024xf32, #tpu.memory_space<vmem>>
    %dma_wait3A_517 = tpu.memref_squeeze %dma_wait3A_516 : memref<1x1024xf32, #tpu.memory_space<vmem>> -> memref<1024xf32, #tpu.memory_space<vmem>>
    tpu.wait_dma2 semaphore(%arg7 : memref<!tpu.dma_semaphore, #tpu.memory_space<semaphore_mem>>) src(%dma_wait3A_517 : memref<1024xf32, #tpu.memory_space<vmem>>) dst(%dma_wait3A_514 : memref<1024xf32, #tpu.memory_space<hbm>>)
    %dma_wait3A_518 = arith.constant 0 : i32
    %dma_wait3A_519 = arith.constant 0 : i32
    %dma_wait3A_520 = tpu.memref_slice %arg6[%dma_wait3A_518, %dma_wait3A_519] : memref<2x1024xf32, #tpu.memory_space<vmem>> -> memref<1x1024xf32, #tpu.memory_space<vmem>>
    %dma_wait3A_521 = tpu.memref_squeeze %dma_wait3A_520 : memref<1x1024xf32, #tpu.memory_space<vmem>> -> memref<1024xf32, #tpu.memory_space<vmem>>
    %dma_wait3A_522 = arith.constant 0 : i32
    %dma_wait3A_523 = tpu.memref_slice %arg4[%multiple_of3A, %dma_wait3A_522] : memref<32768x1024xf32, #tpu.memory_space<hbm>> -> memref<1x1024xf32, #tpu.memory_space<hbm>>
    %dma_wait3A_524 = tpu.memref_squeeze %dma_wait3A_523 : memref<1x1024xf32, #tpu.memory_space<hbm>> -> memref<1024xf32, #tpu.memory_space<hbm>>
    %dma_wait3A_525 = arith.constant 0 : i32
    %dma_wait3A_526 = tpu.memref_slice %arg4[%multiple_of3A, %dma_wait3A_525] : memref<32768x1024xf32, #tpu.memory_space<hbm>> -> memref<1x1024xf32, #tpu.memory_space<hbm>>
    %dma_wait3A_527 = tpu.memref_squeeze %dma_wait3A_526 : memref<1x1024xf32, #tpu.memory_space<hbm>> -> memref<1024xf32, #tpu.memory_space<hbm>>
    %dma_wait3A_528 = arith.constant 0 : i32
    %dma_wait3A_529 = tpu.memref_slice %arg6[%dma_wait3A_518, %dma_wait3A_528] : memref<2x1024xf32, #tpu.memory_space<vmem>> -> memref<1x1024xf32, #tpu.memory_space<vmem>>
    %dma_wait3A_530 = tpu.memref_squeeze %dma_wait3A_529 : memref<1x1024xf32, #tpu.memory_space<vmem>> -> memref<1024xf32, #tpu.memory_space<vmem>>
    tpu.wait_dma2 semaphore(%arg7 : memref<!tpu.dma_semaphore, #tpu.memory_space<semaphore_mem>>) src(%dma_wait3A_530 : memref<1024xf32, #tpu.memory_space<vmem>>) dst(%dma_wait3A_527 : memref<1024xf32, #tpu.memory_space<hbm>>)
    %dma_wait3A_531 = arith.constant 0 : i32
    %dma_wait3A_532 = arith.constant 0 : i32
    %dma_wait3A_533 = tpu.memref_slice %arg6[%dma_wait3A_531, %dma_wait3A_532] : memref<2x1024xf32, #tpu.memory_space<vmem>> -> memref<1x1024xf32, #tpu.memory_space<vmem>>
    %dma_wait3A_534 = tpu.memref_squeeze %dma_wait3A_533 : memref<1x1024xf32, #tpu.memory_space<vmem>> -> memref<1024xf32, #tpu.memory_space<vmem>>
    %dma_wait3A_535 = arith.constant 0 : i32
    %dma_wait3A_536 = tpu.memref_slice %arg4[%multiple_of3A, %dma_wait3A_535] : memref<32768x1024xf32, #tpu.memory_space<hbm>> -> memref<1x1024xf32, #tpu.memory_space<hbm>>
    %dma_wait3A_537 = tpu.memref_squeeze %dma_wait3A_536 : memref<1x1024xf32, #tpu.memory_space<hbm>> -> memref<1024xf32, #tpu.memory_space<hbm>>
    %dma_wait3A_538 = arith.constant 0 : i32
    %dma_wait3A_539 = tpu.memref_slice %arg4[%multiple_of3A, %dma_wait3A_538] : memref<32768x1024xf32, #tpu.memory_space<hbm>> -> memref<1x1024xf32, #tpu.memory_space<hbm>>
    %dma_wait3A_540 = tpu.memref_squeeze %dma_wait3A_539 : memref<1x1024xf32, #tpu.memory_space<hbm>> -> memref<1024xf32, #tpu.memory_space<hbm>>
    %dma_wait3A_541 = arith.constant 0 : i32
    %dma_wait3A_542 = tpu.memref_slice %arg6[%dma_wait3A_531, %dma_wait3A_541] : memref<2x1024xf32, #tpu.memory_space<vmem>> -> memref<1x1024xf32, #tpu.memory_space<vmem>>
    %dma_wait3A_543 = tpu.memref_squeeze %dma_wait3A_542 : memref<1x1024xf32, #tpu.memory_space<vmem>> -> memref<1024xf32, #tpu.memory_space<vmem>>
    tpu.wait_dma2 semaphore(%arg7 : memref<!tpu.dma_semaphore, #tpu.memory_space<semaphore_mem>>) src(%dma_wait3A_543 : memref<1024xf32, #tpu.memory_space<vmem>>) dst(%dma_wait3A_540 : memref<1024xf32, #tpu.memory_space<hbm>>)
    %dma_wait3A_544 = arith.constant 0 : i32
    %dma_wait3A_545 = arith.constant 0 : i32
    %dma_wait3A_546 = tpu.memref_slice %arg6[%dma_wait3A_544, %dma_wait3A_545] : memref<2x1024xf32, #tpu.memory_space<vmem>> -> memref<1x1024xf32, #tpu.memory_space<vmem>>
    %dma_wait3A_547 = tpu.memref_squeeze %dma_wait3A_546 : memref<1x1024xf32, #tpu.memory_space<vmem>> -> memref<1024xf32, #tpu.memory_space<vmem>>
    %dma_wait3A_548 = arith.constant 0 : i32
    %dma_wait3A_549 = tpu.memref_slice %arg4[%multiple_of3A, %dma_wait3A_548] : memref<32768x1024xf32, #tpu.memory_space<hbm>> -> memref<1x1024xf32, #tpu.memory_space<hbm>>
    %dma_wait3A_550 = tpu.memref_squeeze %dma_wait3A_549 : memref<1x1024xf32, #tpu.memory_space<hbm>> -> memref<1024xf32, #tpu.memory_space<hbm>>
    %dma_wait3A_551 = arith.constant 0 : i32
    %dma_wait3A_552 = tpu.memref_slice %arg4[%multiple_of3A, %dma_wait3A_551] : memref<32768x1024xf32, #tpu.memory_space<hbm>> -> memref<1x1024xf32, #tpu.memory_space<hbm>>
    %dma_wait3A_553 = tpu.memref_squeeze %dma_wait3A_552 : memref<1x1024xf32, #tpu.memory_space<hbm>> -> memref<1024xf32, #tpu.memory_space<hbm>>
    %dma_wait3A_554 = arith.constant 0 : i32
    %dma_wait3A_555 = tpu.memref_slice %arg6[%dma_wait3A_544, %dma_wait3A_554] : memref<2x1024xf32, #tpu.memory_space<vmem>> -> memref<1x1024xf32, #tpu.memory_space<vmem>>
    %dma_wait3A_556 = tpu.memref_squeeze %dma_wait3A_555 : memref<1x1024xf32, #tpu.memory_space<vmem>> -> memref<1024xf32, #tpu.memory_space<vmem>>
    tpu.wait_dma2 semaphore(%arg7 : memref<!tpu.dma_semaphore, #tpu.memory_space<semaphore_mem>>) src(%dma_wait3A_556 : memref<1024xf32, #tpu.memory_space<vmem>>) dst(%dma_wait3A_553 : memref<1024xf32, #tpu.memory_space<hbm>>)
    %dma_wait3A_557 = arith.constant 0 : i32
    %dma_wait3A_558 = arith.constant 0 : i32
    %dma_wait3A_559 = tpu.memref_slice %arg6[%dma_wait3A_557, %dma_wait3A_558] : memref<2x1024xf32, #tpu.memory_space<vmem>> -> memref<1x1024xf32, #tpu.memory_space<vmem>>
    %dma_wait3A_560 = tpu.memref_squeeze %dma_wait3A_559 : memref<1x1024xf32, #tpu.memory_space<vmem>> -> memref<1024xf32, #tpu.memory_space<vmem>>
    %dma_wait3A_561 = arith.constant 0 : i32
    %dma_wait3A_562 = tpu.memref_slice %arg4[%multiple_of3A, %dma_wait3A_561] : memref<32768x1024xf32, #tpu.memory_space<hbm>> -> memref<1x1024xf32, #tpu.memory_space<hbm>>
    %dma_wait3A_563 = tpu.memref_squeeze %dma_wait3A_562 : memref<1x1024xf32, #tpu.memory_space<hbm>> -> memref<1024xf32, #tpu.memory_space<hbm>>
    %dma_wait3A_564 = arith.constant 0 : i32
    %dma_wait3A_565 = tpu.memref_slice %arg4[%multiple_of3A, %dma_wait3A_564] : memref<32768x1024xf32, #tpu.memory_space<hbm>> -> memref<1x1024xf32, #tpu.memory_space<hbm>>
    %dma_wait3A_566 = tpu.memref_squeeze %dma_wait3A_565 : memref<1x1024xf32, #tpu.memory_space<hbm>> -> memref<1024xf32, #tpu.memory_space<hbm>>
    %dma_wait3A_567 = arith.constant 0 : i32
    %dma_wait3A_568 = tpu.memref_slice %arg6[%dma_wait3A_557, %dma_wait3A_567] : memref<2x1024xf32, #tpu.memory_space<vmem>> -> memref<1x1024xf32, #tpu.memory_space<vmem>>
    %dma_wait3A_569 = tpu.memref_squeeze %dma_wait3A_568 : memref<1x1024xf32, #tpu.memory_space<vmem>> -> memref<1024xf32, #tpu.memory_space<vmem>>
    tpu.wait_dma2 semaphore(%arg7 : memref<!tpu.dma_semaphore, #tpu.memory_space<semaphore_mem>>) src(%dma_wait3A_569 : memref<1024xf32, #tpu.memory_space<vmem>>) dst(%dma_wait3A_566 : memref<1024xf32, #tpu.memory_space<hbm>>)
    %dma_wait3A_570 = arith.constant 0 : i32
    %dma_wait3A_571 = arith.constant 0 : i32
    %dma_wait3A_572 = tpu.memref_slice %arg6[%dma_wait3A_570, %dma_wait3A_571] : memref<2x1024xf32, #tpu.memory_space<vmem>> -> memref<1x1024xf32, #tpu.memory_space<vmem>>
    %dma_wait3A_573 = tpu.memref_squeeze %dma_wait3A_572 : memref<1x1024xf32, #tpu.memory_space<vmem>> -> memref<1024xf32, #tpu.memory_space<vmem>>
    %dma_wait3A_574 = arith.constant 0 : i32
    %dma_wait3A_575 = tpu.memref_slice %arg4[%multiple_of3A, %dma_wait3A_574] : memref<32768x1024xf32, #tpu.memory_space<hbm>> -> memref<1x1024xf32, #tpu.memory_space<hbm>>
    %dma_wait3A_576 = tpu.memref_squeeze %dma_wait3A_575 : memref<1x1024xf32, #tpu.memory_space<hbm>> -> memref<1024xf32, #tpu.memory_space<hbm>>
    %dma_wait3A_577 = arith.constant 0 : i32
    %dma_wait3A_578 = tpu.memref_slice %arg4[%multiple_of3A, %dma_wait3A_577] : memref<32768x1024xf32, #tpu.memory_space<hbm>> -> memref<1x1024xf32, #tpu.memory_space<hbm>>
    %dma_wait3A_579 = tpu.memref_squeeze %dma_wait3A_578 : memref<1x1024xf32, #tpu.memory_space<hbm>> -> memref<1024xf32, #tpu.memory_space<hbm>>
    %dma_wait3A_580 = arith.constant 0 : i32
    %dma_wait3A_581 = tpu.memref_slice %arg6[%dma_wait3A_570, %dma_wait3A_580] : memref<2x1024xf32, #tpu.memory_space<vmem>> -> memref<1x1024xf32, #tpu.memory_space<vmem>>
    %dma_wait3A_582 = tpu.memref_squeeze %dma_wait3A_581 : memref<1x1024xf32, #tpu.memory_space<vmem>> -> memref<1024xf32, #tpu.memory_space<vmem>>
    tpu.wait_dma2 semaphore(%arg7 : memref<!tpu.dma_semaphore, #tpu.memory_space<semaphore_mem>>) src(%dma_wait3A_582 : memref<1024xf32, #tpu.memory_space<vmem>>) dst(%dma_wait3A_579 : memref<1024xf32, #tpu.memory_space<hbm>>)
    %dma_wait3A_583 = arith.constant 0 : i32
    %dma_wait3A_584 = arith.constant 0 : i32
    %dma_wait3A_585 = tpu.memref_slice %arg6[%dma_wait3A_583, %dma_wait3A_584] : memref<2x1024xf32, #tpu.memory_space<vmem>> -> memref<1x1024xf32, #tpu.memory_space<vmem>>
    %dma_wait3A_586 = tpu.memref_squeeze %dma_wait3A_585 : memref<1x1024xf32, #tpu.memory_space<vmem>> -> memref<1024xf32, #tpu.memory_space<vmem>>
    %dma_wait3A_587 = arith.constant 0 : i32
    %dma_wait3A_588 = tpu.memref_slice %arg4[%multiple_of3A, %dma_wait3A_587] : memref<32768x1024xf32, #tpu.memory_space<hbm>> -> memref<1x1024xf32, #tpu.memory_space<hbm>>
    %dma_wait3A_589 = tpu.memref_squeeze %dma_wait3A_588 : memref<1x1024xf32, #tpu.memory_space<hbm>> -> memref<1024xf32, #tpu.memory_space<hbm>>
    %dma_wait3A_590 = arith.constant 0 : i32
    %dma_wait3A_591 = tpu.memref_slice %arg4[%multiple_of3A, %dma_wait3A_590] : memref<32768x1024xf32, #tpu.memory_space<hbm>> -> memref<1x1024xf32, #tpu.memory_space<hbm>>
    %dma_wait3A_592 = tpu.memref_squeeze %dma_wait3A_591 : memref<1x1024xf32, #tpu.memory_space<hbm>> -> memref<1024xf32, #tpu.memory_space<hbm>>
    %dma_wait3A_593 = arith.constant 0 : i32
    %dma_wait3A_594 = tpu.memref_slice %arg6[%dma_wait3A_583, %dma_wait3A_593] : memref<2x1024xf32, #tpu.memory_space<vmem>> -> memref<1x1024xf32, #tpu.memory_space<vmem>>
    %dma_wait3A_595 = tpu.memref_squeeze %dma_wait3A_594 : memref<1x1024xf32, #tpu.memory_space<vmem>> -> memref<1024xf32, #tpu.memory_space<vmem>>
    tpu.wait_dma2 semaphore(%arg7 : memref<!tpu.dma_semaphore, #tpu.memory_space<semaphore_mem>>) src(%dma_wait3A_595 : memref<1024xf32, #tpu.memory_space<vmem>>) dst(%dma_wait3A_592 : memref<1024xf32, #tpu.memory_space<hbm>>)
    %dma_wait3A_596 = arith.constant 0 : i32
    %dma_wait3A_597 = arith.constant 0 : i32
    %dma_wait3A_598 = tpu.memref_slice %arg6[%dma_wait3A_596, %dma_wait3A_597] : memref<2x1024xf32, #tpu.memory_space<vmem>> -> memref<1x1024xf32, #tpu.memory_space<vmem>>
    %dma_wait3A_599 = tpu.memref_squeeze %dma_wait3A_598 : memref<1x1024xf32, #tpu.memory_space<vmem>> -> memref<1024xf32, #tpu.memory_space<vmem>>
    %dma_wait3A_600 = arith.constant 0 : i32
    %dma_wait3A_601 = tpu.memref_slice %arg4[%multiple_of3A, %dma_wait3A_600] : memref<32768x1024xf32, #tpu.memory_space<hbm>> -> memref<1x1024xf32, #tpu.memory_space<hbm>>
    %dma_wait3A_602 = tpu.memref_squeeze %dma_wait3A_601 : memref<1x1024xf32, #tpu.memory_space<hbm>> -> memref<1024xf32, #tpu.memory_space<hbm>>
    %dma_wait3A_603 = arith.constant 0 : i32
    %dma_wait3A_604 = tpu.memref_slice %arg4[%multiple_of3A, %dma_wait3A_603] : memref<32768x1024xf32, #tpu.memory_space<hbm>> -> memref<1x1024xf32, #tpu.memory_space<hbm>>
    %dma_wait3A_605 = tpu.memref_squeeze %dma_wait3A_604 : memref<1x1024xf32, #tpu.memory_space<hbm>> -> memref<1024xf32, #tpu.memory_space<hbm>>
    %dma_wait3A_606 = arith.constant 0 : i32
    %dma_wait3A_607 = tpu.memref_slice %arg6[%dma_wait3A_596, %dma_wait3A_606] : memref<2x1024xf32, #tpu.memory_space<vmem>> -> memref<1x1024xf32, #tpu.memory_space<vmem>>
    %dma_wait3A_608 = tpu.memref_squeeze %dma_wait3A_607 : memref<1x1024xf32, #tpu.memory_space<vmem>> -> memref<1024xf32, #tpu.memory_space<vmem>>
    tpu.wait_dma2 semaphore(%arg7 : memref<!tpu.dma_semaphore, #tpu.memory_space<semaphore_mem>>) src(%dma_wait3A_608 : memref<1024xf32, #tpu.memory_space<vmem>>) dst(%dma_wait3A_605 : memref<1024xf32, #tpu.memory_space<hbm>>)
    %dma_wait3A_609 = arith.constant 0 : i32
    %dma_wait3A_610 = arith.constant 0 : i32
    %dma_wait3A_611 = tpu.memref_slice %arg6[%dma_wait3A_609, %dma_wait3A_610] : memref<2x1024xf32, #tpu.memory_space<vmem>> -> memref<1x1024xf32, #tpu.memory_space<vmem>>
    %dma_wait3A_612 = tpu.memref_squeeze %dma_wait3A_611 : memref<1x1024xf32, #tpu.memory_space<vmem>> -> memref<1024xf32, #tpu.memory_space<vmem>>
    %dma_wait3A_613 = arith.constant 0 : i32
    %dma_wait3A_614 = tpu.memref_slice %arg4[%multiple_of3A, %dma_wait3A_613] : memref<32768x1024xf32, #tpu.memory_space<hbm>> -> memref<1x1024xf32, #tpu.memory_space<hbm>>
    %dma_wait3A_615 = tpu.memref_squeeze %dma_wait3A_614 : memref<1x1024xf32, #tpu.memory_space<hbm>> -> memref<1024xf32, #tpu.memory_space<hbm>>
    %dma_wait3A_616 = arith.constant 0 : i32
    %dma_wait3A_617 = tpu.memref_slice %arg4[%multiple_of3A, %dma_wait3A_616] : memref<32768x1024xf32, #tpu.memory_space<hbm>> -> memref<1x1024xf32, #tpu.memory_space<hbm>>
    %dma_wait3A_618 = tpu.memref_squeeze %dma_wait3A_617 : memref<1x1024xf32, #tpu.memory_space<hbm>> -> memref<1024xf32, #tpu.memory_space<hbm>>
    %dma_wait3A_619 = arith.constant 0 : i32
    %dma_wait3A_620 = tpu.memref_slice %arg6[%dma_wait3A_609, %dma_wait3A_619] : memref<2x1024xf32, #tpu.memory_space<vmem>> -> memref<1x1024xf32, #tpu.memory_space<vmem>>
    %dma_wait3A_621 = tpu.memref_squeeze %dma_wait3A_620 : memref<1x1024xf32, #tpu.memory_space<vmem>> -> memref<1024xf32, #tpu.memory_space<vmem>>
    tpu.wait_dma2 semaphore(%arg7 : memref<!tpu.dma_semaphore, #tpu.memory_space<semaphore_mem>>) src(%dma_wait3A_621 : memref<1024xf32, #tpu.memory_space<vmem>>) dst(%dma_wait3A_618 : memref<1024xf32, #tpu.memory_space<hbm>>)
    %dma_wait3A_622 = arith.constant 0 : i32
    %dma_wait3A_623 = arith.constant 0 : i32
    %dma_wait3A_624 = tpu.memref_slice %arg6[%dma_wait3A_622, %dma_wait3A_623] : memref<2x1024xf32, #tpu.memory_space<vmem>> -> memref<1x1024xf32, #tpu.memory_space<vmem>>
    %dma_wait3A_625 = tpu.memref_squeeze %dma_wait3A_624 : memref<1x1024xf32, #tpu.memory_space<vmem>> -> memref<1024xf32, #tpu.memory_space<vmem>>
    %dma_wait3A_626 = arith.constant 0 : i32
    %dma_wait3A_627 = tpu.memref_slice %arg4[%multiple_of3A, %dma_wait3A_626] : memref<32768x1024xf32, #tpu.memory_space<hbm>> -> memref<1x1024xf32, #tpu.memory_space<hbm>>
    %dma_wait3A_628 = tpu.memref_squeeze %dma_wait3A_627 : memref<1x1024xf32, #tpu.memory_space<hbm>> -> memref<1024xf32, #tpu.memory_space<hbm>>
    %dma_wait3A_629 = arith.constant 0 : i32
    %dma_wait3A_630 = tpu.memref_slice %arg4[%multiple_of3A, %dma_wait3A_629] : memref<32768x1024xf32, #tpu.memory_space<hbm>> -> memref<1x1024xf32, #tpu.memory_space<hbm>>
    %dma_wait3A_631 = tpu.memref_squeeze %dma_wait3A_630 : memref<1x1024xf32, #tpu.memory_space<hbm>> -> memref<1024xf32, #tpu.memory_space<hbm>>
    %dma_wait3A_632 = arith.constant 0 : i32
    %dma_wait3A_633 = tpu.memref_slice %arg6[%dma_wait3A_622, %dma_wait3A_632] : memref<2x1024xf32, #tpu.memory_space<vmem>> -> memref<1x1024xf32, #tpu.memory_space<vmem>>
    %dma_wait3A_634 = tpu.memref_squeeze %dma_wait3A_633 : memref<1x1024xf32, #tpu.memory_space<vmem>> -> memref<1024xf32, #tpu.memory_space<vmem>>
    tpu.wait_dma2 semaphore(%arg7 : memref<!tpu.dma_semaphore, #tpu.memory_space<semaphore_mem>>) src(%dma_wait3A_634 : memref<1024xf32, #tpu.memory_space<vmem>>) dst(%dma_wait3A_631 : memref<1024xf32, #tpu.memory_space<hbm>>)
    %dma_wait3A_635 = arith.constant 0 : i32
    %dma_wait3A_636 = arith.constant 0 : i32
    %dma_wait3A_637 = tpu.memref_slice %arg6[%dma_wait3A_635, %dma_wait3A_636] : memref<2x1024xf32, #tpu.memory_space<vmem>> -> memref<1x1024xf32, #tpu.memory_space<vmem>>
    %dma_wait3A_638 = tpu.memref_squeeze %dma_wait3A_637 : memref<1x1024xf32, #tpu.memory_space<vmem>> -> memref<1024xf32, #tpu.memory_space<vmem>>
    %dma_wait3A_639 = arith.constant 0 : i32
    %dma_wait3A_640 = tpu.memref_slice %arg4[%multiple_of3A, %dma_wait3A_639] : memref<32768x1024xf32, #tpu.memory_space<hbm>> -> memref<1x1024xf32, #tpu.memory_space<hbm>>
    %dma_wait3A_641 = tpu.memref_squeeze %dma_wait3A_640 : memref<1x1024xf32, #tpu.memory_space<hbm>> -> memref<1024xf32, #tpu.memory_space<hbm>>
    %dma_wait3A_642 = arith.constant 0 : i32
    %dma_wait3A_643 = tpu.memref_slice %arg4[%multiple_of3A, %dma_wait3A_642] : memref<32768x1024xf32, #tpu.memory_space<hbm>> -> memref<1x1024xf32, #tpu.memory_space<hbm>>
    %dma_wait3A_644 = tpu.memref_squeeze %dma_wait3A_643 : memref<1x1024xf32, #tpu.memory_space<hbm>> -> memref<1024xf32, #tpu.memory_space<hbm>>
    %dma_wait3A_645 = arith.constant 0 : i32
    %dma_wait3A_646 = tpu.memref_slice %arg6[%dma_wait3A_635, %dma_wait3A_645] : memref<2x1024xf32, #tpu.memory_space<vmem>> -> memref<1x1024xf32, #tpu.memory_space<vmem>>
    %dma_wait3A_647 = tpu.memref_squeeze %dma_wait3A_646 : memref<1x1024xf32, #tpu.memory_space<vmem>> -> memref<1024xf32, #tpu.memory_space<vmem>>
    tpu.wait_dma2 semaphore(%arg7 : memref<!tpu.dma_semaphore, #tpu.memory_space<semaphore_mem>>) src(%dma_wait3A_647 : memref<1024xf32, #tpu.memory_space<vmem>>) dst(%dma_wait3A_644 : memref<1024xf32, #tpu.memory_space<hbm>>)
    %dma_wait3A_648 = arith.constant 0 : i32
    %dma_wait3A_649 = arith.constant 0 : i32
    %dma_wait3A_650 = tpu.memref_slice %arg6[%dma_wait3A_648, %dma_wait3A_649] : memref<2x1024xf32, #tpu.memory_space<vmem>> -> memref<1x1024xf32, #tpu.memory_space<vmem>>
    %dma_wait3A_651 = tpu.memref_squeeze %dma_wait3A_650 : memref<1x1024xf32, #tpu.memory_space<vmem>> -> memref<1024xf32, #tpu.memory_space<vmem>>
    %dma_wait3A_652 = arith.constant 0 : i32
    %dma_wait3A_653 = tpu.memref_slice %arg4[%multiple_of3A, %dma_wait3A_652] : memref<32768x1024xf32, #tpu.memory_space<hbm>> -> memref<1x1024xf32, #tpu.memory_space<hbm>>
    %dma_wait3A_654 = tpu.memref_squeeze %dma_wait3A_653 : memref<1x1024xf32, #tpu.memory_space<hbm>> -> memref<1024xf32, #tpu.memory_space<hbm>>
    %dma_wait3A_655 = arith.constant 0 : i32
    %dma_wait3A_656 = tpu.memref_slice %arg4[%multiple_of3A, %dma_wait3A_655] : memref<32768x1024xf32, #tpu.memory_space<hbm>> -> memref<1x1024xf32, #tpu.memory_space<hbm>>
    %dma_wait3A_657 = tpu.memref_squeeze %dma_wait3A_656 : memref<1x1024xf32, #tpu.memory_space<hbm>> -> memref<1024xf32, #tpu.memory_space<hbm>>
    %dma_wait3A_658 = arith.constant 0 : i32
    %dma_wait3A_659 = tpu.memref_slice %arg6[%dma_wait3A_648, %dma_wait3A_658] : memref<2x1024xf32, #tpu.memory_space<vmem>> -> memref<1x1024xf32, #tpu.memory_space<vmem>>
    %dma_wait3A_660 = tpu.memref_squeeze %dma_wait3A_659 : memref<1x1024xf32, #tpu.memory_space<vmem>> -> memref<1024xf32, #tpu.memory_space<vmem>>
    tpu.wait_dma2 semaphore(%arg7 : memref<!tpu.dma_semaphore, #tpu.memory_space<semaphore_mem>>) src(%dma_wait3A_660 : memref<1024xf32, #tpu.memory_space<vmem>>) dst(%dma_wait3A_657 : memref<1024xf32, #tpu.memory_space<hbm>>)
    return
  }
}

</mosaic_0001>

<sc_bundles>
// kernel: kernel.3.cloned.1.call-start
scs
__scs_entry_jumppad:
0x0: {  	(pc) =	sbr.rel $0x88, $3  }
0x1: {  	(tag) =	ssettag $0x0;
	lr =	simm.s32 $0x1  }
0x2: {  	[smem:$0x3F9F] =	sst lr;
	_ =	strace $0xD0000000  }
0x3: {  	_ = 	snop  }
0x4: {  	_ = 	snop  }
0x5: {  	_ = 	snop  }
0x6: {  	_ = 	snop  }
0x7: {  	_ = 	snop  }
__scs_overlays_trampoline_lowered:
0x8: {  	[smem:$0x3FAE] =	sst s0  }
0x9: {  	[smem:$0x3FAF] =	sst s1  }
0xa: {  	[smem:$0x3FB0] =	sst s2  }
0xb: {  	[smem:$0x3FB1] =	sst s3  }
0xc: {  	[smem:$0x3FB2] =	sst s4  }
0xd: {  	[smem:$0x3FB3] =	sst s5  }
0xe: {  	[smem:$0x3FB4] =	sst s6  }
0xf: {  	[smem:$0x3FB5] =	sst s7  }
0x10: {  	[smem:$0x3FB6] =	sst s8  }
0x11: {  	[smem:$0x3FB7] =	sst s9;
	s0 =	simm.s32 @!p0 $0x0  }
0x12: {  	s1 =	sld [smem:$0x3F9D];
	s0 =	simm.s32 @p0 $0x1  }
0x13: {  	[smem:$0x3FB8] =	sst s0;
	s0 =	simm.s32 @!p1 $0x0  }
0x14: {  	s2 =	sld [smem:$0x3F9C];
	s0 =	simm.s32 @p1 $0x1  }
0x15: {  	[smem:$0x3FB9] =	sst s0;
	s0 =	simm.s32 @!p2 $0x0  }
0x16: {  	s3 =	sld [smem:$0x3FDB];
	s0 =	simm.s32 @p2 $0x1  }
0x17: {  	s4 =	simm.s32 $0x1BF5;
	[smem:$0x3FBB] =	sst s0  }
0x18: {  	s0 =	sld [smem:$0x3F9E];
	_ =	swait.ge [sflag:s4], $0x0  }
0x19: {  	s7 =	sld [smem:$0x3F9F]  }
0x1a: {  	s8 =	sadd.s32 $0xFFFFE003, lr  }
0x1b: {  	s9 =	sadd.s32 $0xFFFFFEF7, lr;
	s5 =	simm.s32 $0xFFFFFFFF;
	p2 =	slt.u32 s8, $0xFFFFF086  }
0x1c: {  	p1 =	slt.u32 s9, $0xF7A;
	s5 =	simm.s32 @!p2 $0x0  }
0x1d: {  	s5 =	simm.s32 @p1 $0x1;
	p0 =	seq.s32 s7, s2  }
0x1e: {  	s7 =	smul.u32 @!p0 $0xF7A, s2;
	p2 =	seq.s32 @!p0 s5, $0x0  }
0x1f: {  	s9 =	smul.u32 $0xF7A, s1;
	s8 =	simm.s32 @!p0 $0x1BF5;
	p2 =	por !p2, p0  }
0x20: {  	[sflag:s8] =	ssyncset.s32 @!p0 $0xFFFFF086;
	s6 =	sadd.s32 @!p0 s3, s7;
	s7 =	simm.s32 @!p0 $0x108  }
0x21: {  	s3 =	sadd.s32 s3, s9;
	s6 =	sadd.s32 @!p0 $0x88, s6;
	s7 =	simm.s32 @p2 $0x1082  }
0x22: {  	[simem:s7], [sflag:s8] =	dma.local @!p0 [hbm:s6], $0xF7A  }
0x23: {  	s9 =	sor.u32 $0xD0000000, s2;
	s6 =	simm.s32 $0x108;
	_ =	swait.ge @!p0 [sflag:s8], $0x0  }
0x24: {  	s3 =	sadd.s32 $0x88, s3;
	s6 =	simm.s32 @!p1 $0x1082;
	[sflag:s4] =	ssyncset.s32 $0xFFFFF086  }
0x25: {  	[simem:s6], [sflag:s4] =	dma.local [hbm:s3], $0xF7A  }
0x26: {  	[smem:$0x3F9F] =	sst s1;
	(tag) =	ssettag s2;
	_ =	strace s9  }
0x27: {  	s1 =	sld [smem:$0x3FAF]  }
0x28: {  	s2 =	sld [smem:$0x3FB0]  }
0x29: {  	s4 =	sld [smem:$0x3FB2]  }
0x2a: {  	p0 =	seq.s32 s5, $0x0;
	s5 =	sld [smem:$0x3FB3]  }
0x2b: {  	s6 =	sld [smem:$0x3FB4]  }
0x2c: {  	s7 =	sld [smem:$0x3FB5]  }
0x2d: {  	s3 =	simm.s32 $0x108;
	s8 =	sld [smem:$0x3FB6]  }
0x2e: {  	s3 =	simm.s32 @!p0 $0x1082;
	s9 =	sld [smem:$0x3FB7]  }
0x2f: {  	lr =	sadd.s32 s0, s3;
	s0 =	sld [smem:$0x3FAE]  }
0x30: {  	s3 =	sld [smem:$0x3FB1]  }
0x31: {  	[smem:$0x3FBA] =	sst s10  }
0x32: {  	s10 =	sld [smem:$0x3FB8];
	_ =	sdelay $0x3  }
0x33: {  	p0 =	seq.s32 s10, $0x1;
	s10 =	sld [smem:$0x3FBA];
	_ =	sdelay $0x3  }
0x34: {  	[smem:$0x3FBA] =	sst s10  }
0x35: {  	s10 =	sld [smem:$0x3FB9];
	_ =	sdelay $0x3  }
0x36: {  	p1 =	seq.s32 s10, $0x1;
	s10 =	sld [smem:$0x3FBA];
	_ =	sdelay $0x3  }
0x37: {  	[smem:$0x3FBA] =	sst s10  }
0x38: {  	s10 =	sld [smem:$0x3FBB]  }
0x39: {  	_ = 	snop;
	(pc) =	sbr.ind lr, $3  }
0x3a: {  	_ = 	snop  }
0x3b: {  	_ = 	snop  }
0x3c: {  	p2 =	seq.s32 s10, $0x1;
	s10 =	sld [smem:$0x3FBA]  }
0x3d: {  	_ =	shalt  }
0x3e: {  	_ =	shalt  }
0x3f: {  	_ =	shalt  }
0x40: {  	_ =	shalt  }
0x41: {  	_ =	shalt  }
0x42: {  	_ =	shalt  }
0x43: {  	_ =	shalt  }
0x44: {  	_ =	shalt  }
0x45: {  	_ =	shalt  }
0x46: {  	_ =	shalt  }
0x47: {  	_ =	shalt  }
0x48: {  	_ =	shalt  }
0x49: {  	_ =	shalt  }
0x4a: {  	_ =	shalt  }
0x4b: {  	_ =	shalt  }
0x4c: {  	_ =	shalt  }
0x4d: {  	_ =	shalt  }
0x4e: {  	_ =	shalt  }
0x4f: {  	_ =	shalt  }
0x50: {  	_ =	shalt  }
0x51: {  	_ =	shalt  }
0x52: {  	_ =	shalt  }
0x53: {  	_ =	shalt  }
0x54: {  	_ =	shalt  }
0x55: {  	_ =	shalt  }
0x56: {  	_ =	shalt  }
0x57: {  	_ =	shalt  }
0x58: {  	_ =	shalt  }
0x59: {  	_ =	shalt  }
0x5a: {  	_ =	shalt  }
0x5b: {  	_ =	shalt  }
0x5c: {  	_ =	shalt  }
0x5d: {  	_ =	shalt  }
0x5e: {  	_ =	shalt  }
0x5f: {  	_ =	shalt  }
0x60: {  	_ =	shalt  }
0x61: {  	_ =	shalt  }
0x62: {  	_ =	shalt  }
0x63: {  	_ =	shalt  }
0x64: {  	_ =	shalt  }
0x65: {  	_ =	shalt  }
0x66: {  	_ =	shalt  }
0x67: {  	_ =	shalt  }
0x68: {  	_ =	shalt  }
0x69: {  	_ =	shalt  }
0x6a: {  	_ =	shalt  }
0x6b: {  	_ =	shalt  }
0x6c: {  	_ =	shalt  }
0x6d: {  	_ =	shalt  }
0x6e: {  	_ =	shalt  }
0x6f: {  	_ =	shalt  }
0x70: {  	_ =	shalt  }
0x71: {  	_ =	shalt  }
0x72: {  	_ =	shalt  }
0x73: {  	_ =	shalt  }
0x74: {  	_ =	shalt  }
0x75: {  	_ =	shalt  }
0x76: {  	_ =	shalt  }
0x77: {  	_ =	shalt  }
0x78: {  	_ =	shalt  }
0x79: {  	_ =	shalt  }
0x7a: {  	_ =	shalt  }
0x7b: {  	_ =	shalt  }
0x7c: {  	_ =	shalt  }
0x7d: {  	_ =	shalt  }
0x7e: {  	_ =	shalt  }
0x7f: {  	_ =	shalt  }
0x80: {  	_ =	shalt  }
0x81: {  	_ =	shalt  }
0x82: {  	_ =	shalt  }
0x83: {  	_ =	shalt  }
0x84: {  	_ =	shalt  }
0x85: {  	_ =	shalt  }
0x86: {  	_ =	shalt  }
0x87: {  	_ =	shalt  }
.Lfunc_end0:
.L_simem_size_0:
called_computation_lowered:
.L_overlay_start_0:
0x88: {  	s2 =	sld [smem:$0x3FD9]  }
0x89: {  	s3 =	sld [smem:$0x3FFE];
	_ =	sdelay $0x1  }
0x8a: {  	s1 =	srdreg.scid  }
0x8b: {  	s0 =	sand.u32 $0x1, s1  }
0x8c: {  	s17 =	sshll.u32 s0, $0xA;
	s2 =	sadd.s32 s3, s2  }
0x8d: {  	s2 =	sadd.s32 s2, s17  }
0x8e: {  	[smem:$0x3FC6] =	sst s2  }
0x8f: {  	_ = 	snop  }
0x90: {  	s2 =	sld [smem:$0x3FC8]  }
0x91: {  	s18 =	sld [smem:$0x3FD0];
	(tm) =	ssettm $0x1  }
0x92: {  	s4 =	sld [smem:$0x3FFB];
	_ =	sdelay $0x3  }
0x93: {  	_ =	strace s4  }
0x94: {  	s4 =	sld [smem:$0x3FFC];
	_ =	sdelay $0x3  }
0x95: {  	_ =	strace s4  }
0x96: {  	s4 =	sld [smem:$0x3FFD];
	_ =	sdelay $0x3  }
0x97: {  	_ =	strace s4  }
0x98: {  	_ =	strace $0x8FFFFFFF  }
0x99: {  	s19 =	sld [smem:$0x3FDB];
	_ =	sdelay $0x1  }
0x9a: {  	s5 =	simm.s32 $_scs_section_size  }
0x9b: {  	s6 =	simm.s32 $_size__tile_overlayer_lowered;
	s7 =	simm.s32 $_tile_overlayer_lowered  }
0x9c: {  	s22 =	simm.s32 $0x1BFF;
	s21 =	sshll.u32 s7, $0x1;
	s4 =	sadd.s32 s5, s19  }
0x9d: {  	s8 =	simm.s32 $0x0;
	s20 =	sshll.u32 s6, $0x1;
	s6 =	sadd.s32 s21, s4  }
0x9e: {  	[timem:s8], [sflag:s22] =	dma.local [hbm:s6], s20  }
0x9f: {  	_ =	swait.ge [sflag:s22], s20  }
0xa0: {  	s5 =	ssub.s32 $0x0, s20;
	[sflag:s22] =	ssyncset.done $0x0  }
0xa1: {  	[sflag:s22] =	ssyncadd.s32 s5;
	_ =	sdelay $0x1  }
0xa2: {  	s23 =	simm.s32 $0x1B8B  }
0xa3: {  	_ =	swait.ge [sflag:s23], $0x1  }
0xa4: {  	[sflag:s23] =	ssyncset.done $0x0  }
0xa5: {  	s25 =	simm.s32 $0x1B8E;
	s24 =	sld [smem:$0x3FFE];
	[sflag:s23] =	ssyncadd.s32 $0xFFFFFFFF  }
0xa6: {  	s26 =	simm.s32 $execute0_lowered;
	[smem:$0x3FD2] =	sst s25  }
0xa7: {  	s6 =	sshll.u32 s26, $0x1;
	_ =	strace $0x80000046;
	[dreg:$0x1] =	wrdreg $0xFFFFFFFF  }
0xa8: {  	s28 =	simm.s32 $_size_execute0_lowered;
	s4 =	sadd.s32 s4, s6;
	[dreg:$0x0] =	wrdreg $0x0  }
0xa9: {  	s6 =	sshll.u32 s28, $0x1;
	[dreg:$0x2] =	wrdreg s4  }
0xaa: {  	[dreg:$0x3] =	wrdreg s6  }
0xab: {  	[dreg:$0x4] =	wrdreg $0xC0  }
0xac: {  	_ =	task [dreg:s8], $0x5FFFF  }
0xad: {  	[dreg:$0x1] =	wrdreg $0xFFFFFFFF  }
0xae: {  	[dreg:$0x0] =	wrdreg $0x60  }
0xaf: {  	[dreg:$0x2] =	wrdreg s2  }
0xb0: {  	[dreg:$0x3] =	wrdreg s24  }
0xb1: {  	[dreg:$0x4] =	wrdreg s18  }
0xb2: {  	[dreg:$0x5] =	wrdreg $0x9  }
0xb3: {  	_ =	task.clear_ibuf [dreg:s8], $0x6FFFF;
	_ =	strace $0x90000046  }
0xb4: {  	s29 =	simm.s32 $0x9;
	_ =	strace $0x80000048  }
0xb5: {  	_ =	swait.ge [sflag:s29], $0x1  }
0xb6: {  	[sflag:s29] =	ssyncadd.s32 $0xFFFFFFFF  }
0xb7: {  	_ =	strace $0x90000048  }
0xb8: {  	_ =	sfence  }
0xb9: {  	s30 =	sld [smem:$0x0];
	_ =	sdelay $0x2  }
0xba: {  	s31 =	sshll.u32 s1, $0xD;
	s1 =	sshrl.u32 s1, $0x2  }
0xbb: {  	s3 =	sand.u32 $0x4000, s31;
	s1 =	sadd.s32 s1, s30  }
0xbc: {  	s0 =	sor.u32 s3, s0;
	s1 =	sshll.u32 s1, $0x11  }
0xbd: {  	s0 =	sor.u32 s1, s0  }
0xbe: {  	s0 =	sadd.s32 $0x8F2B, s0  }
0xbf: {  	[sflag:s0] =	ssyncadd.remote.s32 $0x1  }
0xc0: {  	_ =	sfence.sel $0xFFFF  }
0xc1: {  	[dreg:$0x0] =	wrdreg $0xFFFFFFFF;
	(pc) =	sbr.abs _section_cstart, $3  }
0xc2: {  	[dreg:$0x1] =	wrdreg $0xFFFFFFFF  }
0xc3: {  	_ =	task.clear_ibuf [dreg:s8], $0x2FFFF;
	_ =	strace $0x9FFFFFFF  }
0xc4: {  	(tm) =	ssettm $0x7FFFFFFF  }
0xc5: {  	_ =	shalt  }
tec
execute0_lowered:
.L_overlay_start_1:
0x0: {  	(tag) =	ssettag $0x1  }
0x1: {  	s1 =	rddreg [dreg:$0x0]  }
0x2: {  	s4 =	rddreg [dreg:$0x1];
	s0 =	srdreg.scid  }
0x3: {  	s5 =	rddreg [dreg:$0x2];
	s2 =	stileid.u32;
	s3 =	simm.s32 $0x0  }
0x4: {  	s6 =	sand.u32 $0x1, s0;
	s0 =	rddreg [dreg:$0x3];
	s8 =	sshll.u32 s2, $0xB  }
0x5: {  	[smem:$0x7FF] =	sst s3;
	s9 =	sshll.u32 s2, $0x12;
	s7 =	ssub.s32 $0x0, s6  }
0x6: {  	_ =	strace $0x80000047;
	s29 =	ssub.s32 $0x2, s6;
	p0 =	seq.s32 s6, $0x0  }
0x7: {  	s6 =	simm.s32 $0x1E800;
	s5 =	sadd.s32 s9, s5;
	s7 =	sand.u32 $0x3D0, s7  }
0x8: {  	s30 =	sshrl.u32 s29, $0x1;
	s6 =	simm.s32 @!p0 $0x21800;
	s8 =	sor.u32 s8, s7  }
0x9: {  	s7 =	sshll.u32 s7, $0x7;
	[dreg:$0x5] =	wrdreg s6;
	s6 =	simm.s32 $0x480  }
0xa: {  	s8 =	sshrl.u32 s8, $0x3;
	s31 =	sadd.s32 s7, s5;
	s7 =	simm.s32 $0x1  }
0xb: {  	s4 =	sadd.s32 s8, s4;
	s8 =	ssub.s32 s29, s30;
	[dreg:$0x4] =	wrdreg s31  }
0xc: {  	s4 =	sadd.s32 $0x400, s4;
	s5 =	smax.u32 s8, $0x1;
	s8 =	simm.s32 $0x0  }
.LBB2_1:
0xd: {  	[tilespmem:s3], [sflag:$0x1] =	stream.linear.gather [hbm4b:s4+s3], $0x430, $0x38;
	[tilespmem:$0xC80] =	vst v63  }
0xe: {  	_ = 	snop  }
0xf: {  	[tilespmem:s6], [sflag:$0x1] =	stream.linear.gather [hbm4b:s1+s3], $0x800, $0x38;
	[tilespmem:$0xC80] =	vst v63  }
0x10: {  	_ =	swait.ge [sflag:s7], $0x430  }
0x11: {  	[sflag:s7] =	ssyncset.done $0x0  }
0x12: {  	[sflag:s7] =	ssyncadd.s32 $0xFFFFFBD0  }
0x13: {  	_ =	swait.ge [sflag:s7], $0x800  }
0x14: {  	s9 =	simm.s32 $0x0;
	[sflag:s7] =	ssyncset.done $0x0  }
0x15: {  	s10 =	simm.s32 $0x0;
	s11 =	simm.s32 $0x0;
	[sflag:s7] =	ssyncadd.s32 $0xFFFFF800  }
.LBB2_2:
0x16: {  	v0 =	vld [tilespmem:s9+$0x0];
	_ =	sdelay $0x4  }
0x17: {  	(v2sf) =	vpush v0, $0x0;
	_ =	sdelay $0xe  }
0x18: {  	s12 =	spop (v2sf)  }
0x19: {  	(v2sf) =	vpush v0, $0x1;
	s14 =	sshll.u32 s12, $0xA;
	s12 =	sshll.u32 s12, $0x7  }
0x1a: {  	s14 =	sand.u32 $0xFFFFF800, s14;
	s12 =	sand.u32 $0x80, s12  }
0x1b: {  	s13 =	rddreg [dreg:$0x4];
	s14 =	sor.u32 s12, s14  }
0x1c: {  	s12 =	sadd.s32 s10, s13;
	s17 =	sadd.s32 $0x480, s14  }
0x1d: {  	[hbm4b:s12+s3] =	stream.linear.scatter [tilespmem:s17], [sflag:$0x1], $0x80, $0x38;
	[tilespmem:$0xC80] =	vst v63  }
0x1e: {  	s18 =	sadd.s32 $0x580, s14;
	s15 =	sadd.s32 $0x80, s12  }
0x1f: {  	[hbm4b:s15+s3] =	stream.linear.scatter [tilespmem:s18], [sflag:$0x1], $0x80, $0x38;
	[tilespmem:$0xC80] =	vst v63  }
0x20: {  	s19 =	sadd.s32 $0x680, s14;
	s20 =	sadd.s32 $0x100, s12  }
0x21: {  	[hbm4b:s20+s3] =	stream.linear.scatter [tilespmem:s19], [sflag:$0x1], $0x80, $0x38;
	[tilespmem:$0xC80] =	vst v63  }
0x22: {  	s21 =	sadd.s32 $0x780, s14;
	s22 =	sadd.s32 $0x180, s12  }
0x23: {  	[hbm4b:s22+s3] =	stream.linear.scatter [tilespmem:s21], [sflag:$0x1], $0x80, $0x38;
	[tilespmem:$0xC80] =	vst v63  }
0x24: {  	s23 =	sadd.s32 $0x880, s14;
	s24 =	sadd.s32 $0x200, s12  }
0x25: {  	[hbm4b:s24+s3] =	stream.linear.scatter [tilespmem:s23], [sflag:$0x1], $0x80, $0x38;
	[tilespmem:$0xC80] =	vst v63  }
0x26: {  	s25 =	sadd.s32 $0x980, s14;
	s26 =	sadd.s32 $0x280, s12  }
0x27: {  	[hbm4b:s26+s3] =	stream.linear.scatter [tilespmem:s25], [sflag:$0x1], $0x80, $0x38;
	[tilespmem:$0xC80] =	vst v63  }
0x28: {  	s28 =	sadd.s32 $0xA80, s14;
	s30 =	sadd.s32 $0xB80, s14;
	s14 =	spop (v2sf)  }
0x29: {  	s29 =	sadd.s32 $0x300, s12;
	s15 =	sshll.u32 s14, $0xA;
	s13 =	sshll.u32 s14, $0x7  }
0x2a: {  	[hbm4b:s29+s3] =	stream.linear.scatter [tilespmem:s28], [sflag:$0x1], $0x80, $0x38;
	[tilespmem:$0xC80] =	vst v63  }
0x2b: {  	s14 =	sand.u32 $0xFFFFF800, s15;
	s13 =	sand.u32 $0x80, s13  }
0x2c: {  	s31 =	sadd.s32 $0x380, s12;
	s13 =	sor.u32 s13, s14  }
0x2d: {  	(v2sf) =	vpush v0, $0x2;
	[hbm4b:s31+s3] =	stream.linear.scatter [tilespmem:s30], [sflag:$0x1], $0x80, $0x38;
	[tilespmem:$0xC80] =	vst v63  }
0x2e: {  	s16 =	sadd.s32 $0x10, s12;
	s17 =	sadd.s32 $0x480, s13  }
0x2f: {  	[hbm4b:s16+s3] =	stream.linear.scatter [tilespmem:s17], [sflag:$0x1], $0x80, $0x38;
	[tilespmem:$0xC80] =	vst v63  }
0x30: {  	s19 =	sadd.s32 $0x90, s12;
	s18 =	sadd.s32 $0x580, s13  }
0x31: {  	[hbm4b:s19+s3] =	stream.linear.scatter [tilespmem:s18], [sflag:$0x1], $0x80, $0x38;
	[tilespmem:$0xC80] =	vst v63  }
0x32: {  	s21 =	sadd.s32 $0x110, s12;
	s20 =	sadd.s32 $0x680, s13  }
0x33: {  	[hbm4b:s21+s3] =	stream.linear.scatter [tilespmem:s20], [sflag:$0x1], $0x80, $0x38;
	[tilespmem:$0xC80] =	vst v63  }
0x34: {  	s23 =	sadd.s32 $0x190, s12;
	s22 =	sadd.s32 $0x780, s13  }
0x35: {  	[hbm4b:s23+s3] =	stream.linear.scatter [tilespmem:s22], [sflag:$0x1], $0x80, $0x38;
	[tilespmem:$0xC80] =	vst v63  }
0x36: {  	s25 =	sadd.s32 $0x210, s12;
	s24 =	sadd.s32 $0x880, s13  }
0x37: {  	[hbm4b:s25+s3] =	stream.linear.scatter [tilespmem:s24], [sflag:$0x1], $0x80, $0x38;
	[tilespmem:$0xC80] =	vst v63  }
0x38: {  	s28 =	sadd.s32 $0x290, s12;
	s26 =	sadd.s32 $0x980, s13  }
0x39: {  	[hbm4b:s28+s3] =	stream.linear.scatter [tilespmem:s26], [sflag:$0x1], $0x80, $0x38;
	[tilespmem:$0xC80] =	vst v63  }
0x3a: {  	s29 =	sadd.s32 $0xA80, s13;
	s30 =	sadd.s32 $0x310, s12  }
0x3b: {  	[hbm4b:s30+s3] =	stream.linear.scatter [tilespmem:s29], [sflag:$0x1], $0x80, $0x38;
	[tilespmem:$0xC80] =	vst v63  }
0x3c: {  	s13 =	sadd.s32 $0xB80, s13;
	s31 =	sadd.s32 $0x390, s12;
	s14 =	spop (v2sf)  }
0x3d: {  	[hbm4b:s31+s3] =	stream.linear.scatter [tilespmem:s13], [sflag:$0x1], $0x80, $0x38;
	[tilespmem:$0xC80] =	vst v63  }
0x3e: {  	s15 =	sshll.u32 s14, $0xA;
	s13 =	sshll.u32 s14, $0x7  }
0x3f: {  	s14 =	sand.u32 $0xFFFFF800, s15;
	s13 =	sand.u32 $0x80, s13  }
0x40: {  	(v2sf) =	vpush v0, $0x3;
	s13 =	sor.u32 s13, s14  }
0x41: {  	s16 =	sadd.s32 $0x20, s12;
	s17 =	sadd.s32 $0x480, s13  }
0x42: {  	[hbm4b:s16+s3] =	stream.linear.scatter [tilespmem:s17], [sflag:$0x1], $0x80, $0x38;
	[tilespmem:$0xC80] =	vst v63  }
0x43: {  	s19 =	sadd.s32 $0xA0, s12;
	s18 =	sadd.s32 $0x580, s13  }
0x44: {  	[hbm4b:s19+s3] =	stream.linear.scatter [tilespmem:s18], [sflag:$0x1], $0x80, $0x38;
	[tilespmem:$0xC80] =	vst v63  }
0x45: {  	s21 =	sadd.s32 $0x120, s12;
	s20 =	sadd.s32 $0x680, s13  }
0x46: {  	[hbm4b:s21+s3] =	stream.linear.scatter [tilespmem:s20], [sflag:$0x1], $0x80, $0x38;
	[tilespmem:$0xC80] =	vst v63  }
0x47: {  	s23 =	sadd.s32 $0x1A0, s12;
	s22 =	sadd.s32 $0x780, s13  }
0x48: {  	[hbm4b:s23+s3] =	stream.linear.scatter [tilespmem:s22], [sflag:$0x1], $0x80, $0x38;
	[tilespmem:$0xC80] =	vst v63  }
0x49: {  	s25 =	sadd.s32 $0x220, s12;
	s24 =	sadd.s32 $0x880, s13  }
0x4a: {  	[hbm4b:s25+s3] =	stream.linear.scatter [tilespmem:s24], [sflag:$0x1], $0x80, $0x38;
	[tilespmem:$0xC80] =	vst v63  }
0x4b: {  	s28 =	sadd.s32 $0x2A0, s12;
	s26 =	sadd.s32 $0x980, s13  }
0x4c: {  	[hbm4b:s28+s3] =	stream.linear.scatter [tilespmem:s26], [sflag:$0x1], $0x80, $0x38;
	[tilespmem:$0xC80] =	vst v63  }
0x4d: {  	s30 =	sadd.s32 $0x320, s12;
	s29 =	sadd.s32 $0xA80, s13  }
0x4e: {  	[hbm4b:s30+s3] =	stream.linear.scatter [tilespmem:s29], [sflag:$0x1], $0x80, $0x38;
	[tilespmem:$0xC80] =	vst v63  }
0x4f: {  	s31 =	sadd.s32 $0x3A0, s12;
	s13 =	sadd.s32 $0xB80, s13;
	s14 =	spop (v2sf)  }
0x50: {  	[hbm4b:s31+s3] =	stream.linear.scatter [tilespmem:s13], [sflag:$0x1], $0x80, $0x38;
	[tilespmem:$0xC80] =	vst v63  }
0x51: {  	s15 =	sshll.u32 s14, $0xA;
	s13 =	sshll.u32 s14, $0x7  }
0x52: {  	s14 =	sand.u32 $0xFFFFF800, s15;
	s13 =	sand.u32 $0x80, s13  }
0x53: {  	(v2sf) =	vpush v0, $0x4;
	s13 =	sor.u32 s13, s14  }
0x54: {  	s16 =	sadd.s32 $0x30, s12;
	s17 =	sadd.s32 $0x480, s13  }
0x55: {  	[hbm4b:s16+s3] =	stream.linear.scatter [tilespmem:s17], [sflag:$0x1], $0x80, $0x38;
	[tilespmem:$0xC80] =	vst v63  }
0x56: {  	s19 =	sadd.s32 $0xB0, s12;
	s18 =	sadd.s32 $0x580, s13  }
0x57: {  	[hbm4b:s19+s3] =	stream.linear.scatter [tilespmem:s18], [sflag:$0x1], $0x80, $0x38;
	[tilespmem:$0xC80] =	vst v63  }
0x58: {  	s21 =	sadd.s32 $0x130, s12;
	s20 =	sadd.s32 $0x680, s13  }
0x59: {  	[hbm4b:s21+s3] =	stream.linear.scatter [tilespmem:s20], [sflag:$0x1], $0x80, $0x38;
	[tilespmem:$0xC80] =	vst v63  }
0x5a: {  	s23 =	sadd.s32 $0x1B0, s12;
	s22 =	sadd.s32 $0x780, s13  }
0x5b: {  	[hbm4b:s23+s3] =	stream.linear.scatter [tilespmem:s22], [sflag:$0x1], $0x80, $0x38;
	[tilespmem:$0xC80] =	vst v63  }
0x5c: {  	s25 =	sadd.s32 $0x230, s12;
	s24 =	sadd.s32 $0x880, s13  }
0x5d: {  	[hbm4b:s25+s3] =	stream.linear.scatter [tilespmem:s24], [sflag:$0x1], $0x80, $0x38;
	[tilespmem:$0xC80] =	vst v63  }
0x5e: {  	s28 =	sadd.s32 $0x2B0, s12;
	s26 =	sadd.s32 $0x980, s13  }
0x5f: {  	[hbm4b:s28+s3] =	stream.linear.scatter [tilespmem:s26], [sflag:$0x1], $0x80, $0x38;
	[tilespmem:$0xC80] =	vst v63  }
0x60: {  	s30 =	sadd.s32 $0x330, s12;
	s29 =	sadd.s32 $0xA80, s13  }
0x61: {  	[hbm4b:s30+s3] =	stream.linear.scatter [tilespmem:s29], [sflag:$0x1], $0x80, $0x38;
	[tilespmem:$0xC80] =	vst v63  }
0x62: {  	s31 =	sadd.s32 $0x3B0, s12;
	s13 =	sadd.s32 $0xB80, s13;
	s14 =	spop (v2sf)  }
0x63: {  	[hbm4b:s31+s3] =	stream.linear.scatter [tilespmem:s13], [sflag:$0x1], $0x80, $0x38;
	[tilespmem:$0xC80] =	vst v63  }
0x64: {  	s15 =	sshll.u32 s14, $0xA;
	s13 =	sshll.u32 s14, $0x7  }
0x65: {  	s14 =	sand.u32 $0xFFFFF800, s15;
	s13 =	sand.u32 $0x80, s13  }
0x66: {  	(v2sf) =	vpush v0, $0x5;
	s13 =	sor.u32 s13, s14  }
0x67: {  	s16 =	sadd.s32 $0x40, s12;
	s17 =	sadd.s32 $0x480, s13  }
0x68: {  	[hbm4b:s16+s3] =	stream.linear.scatter [tilespmem:s17], [sflag:$0x1], $0x80, $0x38;
	[tilespmem:$0xC80] =	vst v63  }
0x69: {  	s19 =	sadd.s32 $0xC0, s12;
	s18 =	sadd.s32 $0x580, s13  }
0x6a: {  	[hbm4b:s19+s3] =	stream.linear.scatter [tilespmem:s18], [sflag:$0x1], $0x80, $0x38;
	[tilespmem:$0xC80] =	vst v63  }
0x6b: {  	s21 =	sadd.s32 $0x140, s12;
	s20 =	sadd.s32 $0x680, s13  }
0x6c: {  	[hbm4b:s21+s3] =	stream.linear.scatter [tilespmem:s20], [sflag:$0x1], $0x80, $0x38;
	[tilespmem:$0xC80] =	vst v63  }
0x6d: {  	s23 =	sadd.s32 $0x1C0, s12;
	s22 =	sadd.s32 $0x780, s13  }
0x6e: {  	[hbm4b:s23+s3] =	stream.linear.scatter [tilespmem:s22], [sflag:$0x1], $0x80, $0x38;
	[tilespmem:$0xC80] =	vst v63  }
0x6f: {  	s25 =	sadd.s32 $0x240, s12;
	s24 =	sadd.s32 $0x880, s13  }
0x70: {  	[hbm4b:s25+s3] =	stream.linear.scatter [tilespmem:s24], [sflag:$0x1], $0x80, $0x38;
	[tilespmem:$0xC80] =	vst v63  }
0x71: {  	s28 =	sadd.s32 $0x2C0, s12;
	s26 =	sadd.s32 $0x980, s13  }
0x72: {  	[hbm4b:s28+s3] =	stream.linear.scatter [tilespmem:s26], [sflag:$0x1], $0x80, $0x38;
	[tilespmem:$0xC80] =	vst v63  }
0x73: {  	s30 =	sadd.s32 $0x340, s12;
	s29 =	sadd.s32 $0xA80, s13  }
0x74: {  	[hbm4b:s30+s3] =	stream.linear.scatter [tilespmem:s29], [sflag:$0x1], $0x80, $0x38;
	[tilespmem:$0xC80] =	vst v63  }
0x75: {  	s31 =	sadd.s32 $0x3C0, s12;
	s13 =	sadd.s32 $0xB80, s13;
	s14 =	spop (v2sf)  }
0x76: {  	[hbm4b:s31+s3] =	stream.linear.scatter [tilespmem:s13], [sflag:$0x1], $0x80, $0x38;
	[tilespmem:$0xC80] =	vst v63  }
0x77: {  	s15 =	sshll.u32 s14, $0xA;
	s13 =	sshll.u32 s14, $0x7  }
0x78: {  	s14 =	sand.u32 $0xFFFFF800, s15;
	s13 =	sand.u32 $0x80, s13  }
0x79: {  	(v2sf) =	vpush v0, $0x6;
	s13 =	sor.u32 s13, s14  }
0x7a: {  	s16 =	sadd.s32 $0x50, s12;
	s17 =	sadd.s32 $0x480, s13  }
0x7b: {  	[hbm4b:s16+s3] =	stream.linear.scatter [tilespmem:s17], [sflag:$0x1], $0x80, $0x38;
	[tilespmem:$0xC80] =	vst v63  }
0x7c: {  	s19 =	sadd.s32 $0xD0, s12;
	s18 =	sadd.s32 $0x580, s13  }
0x7d: {  	[hbm4b:s19+s3] =	stream.linear.scatter [tilespmem:s18], [sflag:$0x1], $0x80, $0x38;
	[tilespmem:$0xC80] =	vst v63  }
0x7e: {  	s21 =	sadd.s32 $0x150, s12;
	s20 =	sadd.s32 $0x680, s13  }
0x7f: {  	[hbm4b:s21+s3] =	stream.linear.scatter [tilespmem:s20], [sflag:$0x1], $0x80, $0x38;
	[tilespmem:$0xC80] =	vst v63  }
0x80: {  	s23 =	sadd.s32 $0x1D0, s12;
	s22 =	sadd.s32 $0x780, s13  }
0x81: {  	[hbm4b:s23+s3] =	stream.linear.scatter [tilespmem:s22], [sflag:$0x1], $0x80, $0x38;
	[tilespmem:$0xC80] =	vst v63  }
0x82: {  	s25 =	sadd.s32 $0x250, s12;
	s24 =	sadd.s32 $0x880, s13  }
0x83: {  	[hbm4b:s25+s3] =	stream.linear.scatter [tilespmem:s24], [sflag:$0x1], $0x80, $0x38;
	[tilespmem:$0xC80] =	vst v63  }
0x84: {  	s28 =	sadd.s32 $0x2D0, s12;
	s26 =	sadd.s32 $0x980, s13  }
0x85: {  	[hbm4b:s28+s3] =	stream.linear.scatter [tilespmem:s26], [sflag:$0x1], $0x80, $0x38;
	[tilespmem:$0xC80] =	vst v63  }
0x86: {  	s30 =	sadd.s32 $0x350, s12;
	s29 =	sadd.s32 $0xA80, s13  }
0x87: {  	[hbm4b:s30+s3] =	stream.linear.scatter [tilespmem:s29], [sflag:$0x1], $0x80, $0x38;
	[tilespmem:$0xC80] =	vst v63  }
0x88: {  	s31 =	sadd.s32 $0x3D0, s12;
	s14 =	spop (v2sf);
	s13 =	sadd.s32 $0xB80, s13  }
0x89: {  	[hbm4b:s31+s3] =	stream.linear.scatter [tilespmem:s13], [sflag:$0x1], $0x80, $0x38;
	[tilespmem:$0xC80] =	vst v63  }
0x8a: {  	s15 =	sshll.u32 s14, $0xA;
	s13 =	sshll.u32 s14, $0x7  }
0x8b: {  	s14 =	sand.u32 $0xFFFFF800, s15;
	s13 =	sand.u32 $0x80, s13  }
0x8c: {  	(v2sf) =	vpush v0, $0x7;
	s13 =	sor.u32 s13, s14  }
0x8d: {  	s16 =	sadd.s32 $0x60, s12;
	s17 =	sadd.s32 $0x480, s13  }
0x8e: {  	[hbm4b:s16+s3] =	stream.linear.scatter [tilespmem:s17], [sflag:$0x1], $0x80, $0x38;
	[tilespmem:$0xC80] =	vst v63  }
0x8f: {  	s19 =	sadd.s32 $0xE0, s12;
	s18 =	sadd.s32 $0x580, s13  }
0x90: {  	[hbm4b:s19+s3] =	stream.linear.scatter [tilespmem:s18], [sflag:$0x1], $0x80, $0x38;
	[tilespmem:$0xC80] =	vst v63  }
0x91: {  	s21 =	sadd.s32 $0x160, s12;
	s20 =	sadd.s32 $0x680, s13  }
0x92: {  	[hbm4b:s21+s3] =	stream.linear.scatter [tilespmem:s20], [sflag:$0x1], $0x80, $0x38;
	[tilespmem:$0xC80] =	vst v63  }
0x93: {  	s23 =	sadd.s32 $0x1E0, s12;
	s22 =	sadd.s32 $0x780, s13  }
0x94: {  	[hbm4b:s23+s3] =	stream.linear.scatter [tilespmem:s22], [sflag:$0x1], $0x80, $0x38;
	[tilespmem:$0xC80] =	vst v63  }
0x95: {  	s25 =	sadd.s32 $0x260, s12;
	s24 =	sadd.s32 $0x880, s13  }
0x96: {  	[hbm4b:s25+s3] =	stream.linear.scatter [tilespmem:s24], [sflag:$0x1], $0x80, $0x38;
	[tilespmem:$0xC80] =	vst v63  }
0x97: {  	s28 =	sadd.s32 $0x2E0, s12;
	s26 =	sadd.s32 $0x980, s13  }
0x98: {  	[hbm4b:s28+s3] =	stream.linear.scatter [tilespmem:s26], [sflag:$0x1], $0x80, $0x38;
	[tilespmem:$0xC80] =	vst v63  }
0x99: {  	s30 =	sadd.s32 $0x360, s12;
	s29 =	sadd.s32 $0xA80, s13  }
0x9a: {  	[hbm4b:s30+s3] =	stream.linear.scatter [tilespmem:s29], [sflag:$0x1], $0x80, $0x38;
	[tilespmem:$0xC80] =	vst v63  }
0x9b: {  	s31 =	sadd.s32 $0x3E0, s12;
	s14 =	spop (v2sf);
	s13 =	sadd.s32 $0xB80, s13  }
0x9c: {  	[hbm4b:s31+s3] =	stream.linear.scatter [tilespmem:s13], [sflag:$0x1], $0x80, $0x38;
	[tilespmem:$0xC80] =	vst v63  }
0x9d: {  	s15 =	sshll.u32 s14, $0xA;
	s13 =	sshll.u32 s14, $0x7  }
0x9e: {  	s14 =	sand.u32 $0xFFFFF800, s15;
	s13 =	sand.u32 $0x80, s13  }
0x9f: {  	(v2sf) =	vpush v0, $0x8;
	s13 =	sor.u32 s13, s14  }
0xa0: {  	s16 =	sadd.s32 $0x70, s12;
	s17 =	sadd.s32 $0x480, s13  }
0xa1: {  	[hbm4b:s16+s3] =	stream.linear.scatter [tilespmem:s17], [sflag:$0x1], $0x80, $0x38;
	[tilespmem:$0xC80] =	vst v63  }
0xa2: {  	s19 =	sadd.s32 $0xF0, s12;
	s18 =	sadd.s32 $0x580, s13  }
0xa3: {  	[hbm4b:s19+s3] =	stream.linear.scatter [tilespmem:s18], [sflag:$0x1], $0x80, $0x38;
	[tilespmem:$0xC80] =	vst v63  }
0xa4: {  	s21 =	sadd.s32 $0x170, s12;
	s20 =	sadd.s32 $0x680, s13  }
0xa5: {  	[hbm4b:s21+s3] =	stream.linear.scatter [tilespmem:s20], [sflag:$0x1], $0x80, $0x38;
	[tilespmem:$0xC80] =	vst v63  }
0xa6: {  	s23 =	sadd.s32 $0x1F0, s12;
	s22 =	sadd.s32 $0x780, s13  }
0xa7: {  	[hbm4b:s23+s3] =	stream.linear.scatter [tilespmem:s22], [sflag:$0x1], $0x80, $0x38;
	[tilespmem:$0xC80] =	vst v63  }
0xa8: {  	s25 =	sadd.s32 $0x270, s12;
	s24 =	sadd.s32 $0x880, s13  }
0xa9: {  	[hbm4b:s25+s3] =	stream.linear.scatter [tilespmem:s24], [sflag:$0x1], $0x80, $0x38;
	[tilespmem:$0xC80] =	vst v63  }
0xaa: {  	s28 =	sadd.s32 $0x2F0, s12;
	s26 =	sadd.s32 $0x980, s13  }
0xab: {  	[hbm4b:s28+s3] =	stream.linear.scatter [tilespmem:s26], [sflag:$0x1], $0x80, $0x38;
	[tilespmem:$0xC80] =	vst v63  }
0xac: {  	s30 =	sadd.s32 $0x370, s12;
	s29 =	sadd.s32 $0xA80, s13  }
0xad: {  	[hbm4b:s30+s3] =	stream.linear.scatter [tilespmem:s29], [sflag:$0x1], $0x80, $0x38;
	[tilespmem:$0xC80] =	vst v63  }
0xae: {  	s31 =	sadd.s32 $0x3F0, s12;
	s14 =	spop (v2sf);
	s13 =	sadd.s32 $0xB80, s13  }
0xaf: {  	[hbm4b:s31+s3] =	stream.linear.scatter [tilespmem:s13], [sflag:$0x1], $0x80, $0x38;
	[tilespmem:$0xC80] =	vst v63  }
0xb0: {  	s15 =	sshll.u32 s14, $0xA;
	s13 =	sshll.u32 s14, $0x7  }
0xb1: {  	s14 =	sand.u32 $0xFFFFF800, s15;
	s13 =	sand.u32 $0x80, s13  }
0xb2: {  	(v2sf) =	vpush v0, $0x9;
	s13 =	sor.u32 s13, s14  }
0xb3: {  	s16 =	sadd.s32 $0x400, s12;
	s17 =	sadd.s32 $0x480, s13  }
0xb4: {  	[hbm4b:s16+s3] =	stream.linear.scatter [tilespmem:s17], [sflag:$0x1], $0x80, $0x38;
	[tilespmem:$0xC80] =	vst v63  }
0xb5: {  	s19 =	sadd.s32 $0x480, s12;
	s18 =	sadd.s32 $0x580, s13  }
0xb6: {  	[hbm4b:s19+s3] =	stream.linear.scatter [tilespmem:s18], [sflag:$0x1], $0x80, $0x38;
	[tilespmem:$0xC80] =	vst v63  }
0xb7: {  	s21 =	sadd.s32 $0x500, s12;
	s20 =	sadd.s32 $0x680, s13  }
0xb8: {  	[hbm4b:s21+s3] =	stream.linear.scatter [tilespmem:s20], [sflag:$0x1], $0x80, $0x38;
	[tilespmem:$0xC80] =	vst v63  }
0xb9: {  	s23 =	sadd.s32 $0x580, s12;
	s22 =	sadd.s32 $0x780, s13  }
0xba: {  	[hbm4b:s23+s3] =	stream.linear.scatter [tilespmem:s22], [sflag:$0x1], $0x80, $0x38;
	[tilespmem:$0xC80] =	vst v63  }
0xbb: {  	s25 =	sadd.s32 $0x600, s12;
	s24 =	sadd.s32 $0x880, s13  }
0xbc: {  	[hbm4b:s25+s3] =	stream.linear.scatter [tilespmem:s24], [sflag:$0x1], $0x80, $0x38;
	[tilespmem:$0xC80] =	vst v63  }
0xbd: {  	s28 =	sadd.s32 $0x680, s12;
	s26 =	sadd.s32 $0x980, s13  }
0xbe: {  	[hbm4b:s28+s3] =	stream.linear.scatter [tilespmem:s26], [sflag:$0x1], $0x80, $0x38;
	[tilespmem:$0xC80] =	vst v63  }
0xbf: {  	s30 =	sadd.s32 $0x700, s12;
	s29 =	sadd.s32 $0xA80, s13  }
0xc0: {  	[hbm4b:s30+s3] =	stream.linear.scatter [tilespmem:s29], [sflag:$0x1], $0x80, $0x38;
	[tilespmem:$0xC80] =	vst v63  }
0xc1: {  	s31 =	sadd.s32 $0x780, s12;
	s14 =	spop (v2sf);
	s13 =	sadd.s32 $0xB80, s13  }
0xc2: {  	[hbm4b:s31+s3] =	stream.linear.scatter [tilespmem:s13], [sflag:$0x1], $0x80, $0x38;
	[tilespmem:$0xC80] =	vst v63  }
0xc3: {  	s15 =	sshll.u32 s14, $0xA;
	s13 =	sshll.u32 s14, $0x7  }
0xc4: {  	s14 =	sand.u32 $0xFFFFF800, s15;
	s13 =	sand.u32 $0x80, s13  }
0xc5: {  	(v2sf) =	vpush v0, $0xA;
	s13 =	sor.u32 s13, s14  }
0xc6: {  	s16 =	sadd.s32 $0x410, s12;
	s17 =	sadd.s32 $0x480, s13  }
0xc7: {  	[hbm4b:s16+s3] =	stream.linear.scatter [tilespmem:s17], [sflag:$0x1], $0x80, $0x38;
	[tilespmem:$0xC80] =	vst v63  }
0xc8: {  	s19 =	sadd.s32 $0x490, s12;
	s18 =	sadd.s32 $0x580, s13  }
0xc9: {  	[hbm4b:s19+s3] =	stream.linear.scatter [tilespmem:s18], [sflag:$0x1], $0x80, $0x38;
	[tilespmem:$0xC80] =	vst v63  }
0xca: {  	s21 =	sadd.s32 $0x510, s12;
	s20 =	sadd.s32 $0x680, s13  }
0xcb: {  	[hbm4b:s21+s3] =	stream.linear.scatter [tilespmem:s20], [sflag:$0x1], $0x80, $0x38;
	[tilespmem:$0xC80] =	vst v63  }
0xcc: {  	s23 =	sadd.s32 $0x590, s12;
	s22 =	sadd.s32 $0x780, s13  }
0xcd: {  	[hbm4b:s23+s3] =	stream.linear.scatter [tilespmem:s22], [sflag:$0x1], $0x80, $0x38;
	[tilespmem:$0xC80] =	vst v63  }
0xce: {  	s25 =	sadd.s32 $0x610, s12;
	s24 =	sadd.s32 $0x880, s13  }
0xcf: {  	[hbm4b:s25+s3] =	stream.linear.scatter [tilespmem:s24], [sflag:$0x1], $0x80, $0x38;
	[tilespmem:$0xC80] =	vst v63  }
0xd0: {  	s28 =	sadd.s32 $0x690, s12;
	s26 =	sadd.s32 $0x980, s13  }
0xd1: {  	[hbm4b:s28+s3] =	stream.linear.scatter [tilespmem:s26], [sflag:$0x1], $0x80, $0x38;
	[tilespmem:$0xC80] =	vst v63  }
0xd2: {  	s30 =	sadd.s32 $0x710, s12;
	s29 =	sadd.s32 $0xA80, s13  }
0xd3: {  	[hbm4b:s30+s3] =	stream.linear.scatter [tilespmem:s29], [sflag:$0x1], $0x80, $0x38;
	[tilespmem:$0xC80] =	vst v63  }
0xd4: {  	s31 =	sadd.s32 $0x790, s12;
	s14 =	spop (v2sf);
	s13 =	sadd.s32 $0xB80, s13  }
0xd5: {  	[hbm4b:s31+s3] =	stream.linear.scatter [tilespmem:s13], [sflag:$0x1], $0x80, $0x38;
	[tilespmem:$0xC80] =	vst v63  }
0xd6: {  	s15 =	sshll.u32 s14, $0xA;
	s13 =	sshll.u32 s14, $0x7  }
0xd7: {  	s14 =	sand.u32 $0xFFFFF800, s15;
	s13 =	sand.u32 $0x80, s13  }
0xd8: {  	(v2sf) =	vpush v0, $0xB;
	s13 =	sor.u32 s13, s14  }
0xd9: {  	s16 =	sadd.s32 $0x420, s12;
	s17 =	sadd.s32 $0x480, s13  }
0xda: {  	[hbm4b:s16+s3] =	stream.linear.scatter [tilespmem:s17], [sflag:$0x1], $0x80, $0x38;
	[tilespmem:$0xC80] =	vst v63  }
0xdb: {  	s19 =	sadd.s32 $0x4A0, s12;
	s18 =	sadd.s32 $0x580, s13  }
0xdc: {  	[hbm4b:s19+s3] =	stream.linear.scatter [tilespmem:s18], [sflag:$0x1], $0x80, $0x38;
	[tilespmem:$0xC80] =	vst v63  }
0xdd: {  	s21 =	sadd.s32 $0x520, s12;
	s20 =	sadd.s32 $0x680, s13  }
0xde: {  	[hbm4b:s21+s3] =	stream.linear.scatter [tilespmem:s20], [sflag:$0x1], $0x80, $0x38;
	[tilespmem:$0xC80] =	vst v63  }
0xdf: {  	s23 =	sadd.s32 $0x5A0, s12;
	s22 =	sadd.s32 $0x780, s13  }
0xe0: {  	[hbm4b:s23+s3] =	stream.linear.scatter [tilespmem:s22], [sflag:$0x1], $0x80, $0x38;
	[tilespmem:$0xC80] =	vst v63  }
0xe1: {  	s25 =	sadd.s32 $0x620, s12;
	s24 =	sadd.s32 $0x880, s13  }
0xe2: {  	[hbm4b:s25+s3] =	stream.linear.scatter [tilespmem:s24], [sflag:$0x1], $0x80, $0x38;
	[tilespmem:$0xC80] =	vst v63  }
0xe3: {  	s28 =	sadd.s32 $0x6A0, s12;
	s26 =	sadd.s32 $0x980, s13  }
0xe4: {  	[hbm4b:s28+s3] =	stream.linear.scatter [tilespmem:s26], [sflag:$0x1], $0x80, $0x38;
	[tilespmem:$0xC80] =	vst v63  }
0xe5: {  	s30 =	sadd.s32 $0x720, s12;
	s29 =	sadd.s32 $0xA80, s13  }
0xe6: {  	[hbm4b:s30+s3] =	stream.linear.scatter [tilespmem:s29], [sflag:$0x1], $0x80, $0x38;
	[tilespmem:$0xC80] =	vst v63  }
0xe7: {  	s31 =	sadd.s32 $0x7A0, s12;
	s14 =	spop (v2sf);
	s13 =	sadd.s32 $0xB80, s13  }
0xe8: {  	[hbm4b:s31+s3] =	stream.linear.scatter [tilespmem:s13], [sflag:$0x1], $0x80, $0x38;
	[tilespmem:$0xC80] =	vst v63  }
0xe9: {  	s15 =	sshll.u32 s14, $0xA;
	s13 =	sshll.u32 s14, $0x7  }
0xea: {  	s14 =	sand.u32 $0xFFFFF800, s15;
	s13 =	sand.u32 $0x80, s13  }
0xeb: {  	(v2sf) =	vpush v0, $0xC;
	s13 =	sor.u32 s13, s14  }
0xec: {  	s16 =	sadd.s32 $0x430, s12;
	s17 =	sadd.s32 $0x480, s13  }
0xed: {  	[hbm4b:s16+s3] =	stream.linear.scatter [tilespmem:s17], [sflag:$0x1], $0x80, $0x38;
	[tilespmem:$0xC80] =	vst v63  }
0xee: {  	s19 =	sadd.s32 $0x4B0, s12;
	s18 =	sadd.s32 $0x580, s13  }
0xef: {  	[hbm4b:s19+s3] =	stream.linear.scatter [tilespmem:s18], [sflag:$0x1], $0x80, $0x38;
	[tilespmem:$0xC80] =	vst v63  }
0xf0: {  	s21 =	sadd.s32 $0x530, s12;
	s20 =	sadd.s32 $0x680, s13  }
0xf1: {  	[hbm4b:s21+s3] =	stream.linear.scatter [tilespmem:s20], [sflag:$0x1], $0x80, $0x38;
	[tilespmem:$0xC80] =	vst v63  }
0xf2: {  	s23 =	sadd.s32 $0x5B0, s12;
	s22 =	sadd.s32 $0x780, s13  }
0xf3: {  	[hbm4b:s23+s3] =	stream.linear.scatter [tilespmem:s22], [sflag:$0x1], $0x80, $0x38;
	[tilespmem:$0xC80] =	vst v63  }
0xf4: {  	s25 =	sadd.s32 $0x630, s12;
	s24 =	sadd.s32 $0x880, s13  }
0xf5: {  	[hbm4b:s25+s3] =	stream.linear.scatter [tilespmem:s24], [sflag:$0x1], $0x80, $0x38;
	[tilespmem:$0xC80] =	vst v63  }
0xf6: {  	s28 =	sadd.s32 $0x6B0, s12;
	s26 =	sadd.s32 $0x980, s13  }
0xf7: {  	[hbm4b:s28+s3] =	stream.linear.scatter [tilespmem:s26], [sflag:$0x1], $0x80, $0x38;
	[tilespmem:$0xC80] =	vst v63  }
0xf8: {  	s30 =	sadd.s32 $0x730, s12;
	s29 =	sadd.s32 $0xA80, s13  }
0xf9: {  	[hbm4b:s30+s3] =	stream.linear.scatter [tilespmem:s29], [sflag:$0x1], $0x80, $0x38;
	[tilespmem:$0xC80] =	vst v63  }
0xfa: {  	s31 =	sadd.s32 $0x7B0, s12;
	s14 =	spop (v2sf);
	s13 =	sadd.s32 $0xB80, s13  }
0xfb: {  	[hbm4b:s31+s3] =	stream.linear.scatter [tilespmem:s13], [sflag:$0x1], $0x80, $0x38;
	[tilespmem:$0xC80] =	vst v63  }
0xfc: {  	s15 =	sshll.u32 s14, $0xA;
	s13 =	sshll.u32 s14, $0x7  }
0xfd: {  	s14 =	sand.u32 $0xFFFFF800, s15;
	s13 =	sand.u32 $0x80, s13  }
0xfe: {  	(v2sf) =	vpush v0, $0xD;
	s13 =	sor.u32 s13, s14  }
0xff: {  	s16 =	sadd.s32 $0x440, s12;
	s17 =	sadd.s32 $0x480, s13  }
0x100: {  	[hbm4b:s16+s3] =	stream.linear.scatter [tilespmem:s17], [sflag:$0x1], $0x80, $0x38;
	[tilespmem:$0xC80] =	vst v63  }
0x101: {  	s19 =	sadd.s32 $0x4C0, s12;
	s18 =	sadd.s32 $0x580, s13  }
0x102: {  	[hbm4b:s19+s3] =	stream.linear.scatter [tilespmem:s18], [sflag:$0x1], $0x80, $0x38;
	[tilespmem:$0xC80] =	vst v63  }
0x103: {  	s21 =	sadd.s32 $0x540, s12;
	s20 =	sadd.s32 $0x680, s13  }
0x104: {  	[hbm4b:s21+s3] =	stream.linear.scatter [tilespmem:s20], [sflag:$0x1], $0x80, $0x38;
	[tilespmem:$0xC80] =	vst v63  }
0x105: {  	s23 =	sadd.s32 $0x5C0, s12;
	s22 =	sadd.s32 $0x780, s13  }
0x106: {  	[hbm4b:s23+s3] =	stream.linear.scatter [tilespmem:s22], [sflag:$0x1], $0x80, $0x38;
	[tilespmem:$0xC80] =	vst v63  }
0x107: {  	s25 =	sadd.s32 $0x640, s12;
	s24 =	sadd.s32 $0x880, s13  }
0x108: {  	[hbm4b:s25+s3] =	stream.linear.scatter [tilespmem:s24], [sflag:$0x1], $0x80, $0x38;
	[tilespmem:$0xC80] =	vst v63  }
0x109: {  	s28 =	sadd.s32 $0x6C0, s12;
	s26 =	sadd.s32 $0x980, s13  }
0x10a: {  	[hbm4b:s28+s3] =	stream.linear.scatter [tilespmem:s26], [sflag:$0x1], $0x80, $0x38;
	[tilespmem:$0xC80] =	vst v63  }
0x10b: {  	s30 =	sadd.s32 $0x740, s12;
	s29 =	sadd.s32 $0xA80, s13  }
0x10c: {  	[hbm4b:s30+s3] =	stream.linear.scatter [tilespmem:s29], [sflag:$0x1], $0x80, $0x38;
	[tilespmem:$0xC80] =	vst v63  }
0x10d: {  	s31 =	sadd.s32 $0x7C0, s12;
	s14 =	spop (v2sf);
	s13 =	sadd.s32 $0xB80, s13  }
0x10e: {  	[hbm4b:s31+s3] =	stream.linear.scatter [tilespmem:s13], [sflag:$0x1], $0x80, $0x38;
	[tilespmem:$0xC80] =	vst v63  }
0x10f: {  	s15 =	sshll.u32 s14, $0xA;
	s13 =	sshll.u32 s14, $0x7  }
0x110: {  	s14 =	sand.u32 $0xFFFFF800, s15;
	s13 =	sand.u32 $0x80, s13  }
0x111: {  	(v2sf) =	vpush v0, $0xE;
	s13 =	sor.u32 s13, s14  }
0x112: {  	s16 =	sadd.s32 $0x450, s12;
	s17 =	sadd.s32 $0x480, s13  }
0x113: {  	[hbm4b:s16+s3] =	stream.linear.scatter [tilespmem:s17], [sflag:$0x1], $0x80, $0x38;
	[tilespmem:$0xC80] =	vst v63  }
0x114: {  	s19 =	sadd.s32 $0x4D0, s12;
	s18 =	sadd.s32 $0x580, s13  }
0x115: {  	[hbm4b:s19+s3] =	stream.linear.scatter [tilespmem:s18], [sflag:$0x1], $0x80, $0x38;
	[tilespmem:$0xC80] =	vst v63  }
0x116: {  	s21 =	sadd.s32 $0x550, s12;
	s20 =	sadd.s32 $0x680, s13  }
0x117: {  	[hbm4b:s21+s3] =	stream.linear.scatter [tilespmem:s20], [sflag:$0x1], $0x80, $0x38;
	[tilespmem:$0xC80] =	vst v63  }
0x118: {  	s23 =	sadd.s32 $0x5D0, s12;
	s22 =	sadd.s32 $0x780, s13  }
0x119: {  	[hbm4b:s23+s3] =	stream.linear.scatter [tilespmem:s22], [sflag:$0x1], $0x80, $0x38;
	[tilespmem:$0xC80] =	vst v63  }
0x11a: {  	s25 =	sadd.s32 $0x650, s12;
	s24 =	sadd.s32 $0x880, s13  }
0x11b: {  	[hbm4b:s25+s3] =	stream.linear.scatter [tilespmem:s24], [sflag:$0x1], $0x80, $0x38;
	[tilespmem:$0xC80] =	vst v63  }
0x11c: {  	s28 =	sadd.s32 $0x6D0, s12;
	s26 =	sadd.s32 $0x980, s13  }
0x11d: {  	[hbm4b:s28+s3] =	stream.linear.scatter [tilespmem:s26], [sflag:$0x1], $0x80, $0x38;
	[tilespmem:$0xC80] =	vst v63  }
0x11e: {  	s30 =	sadd.s32 $0x750, s12;
	s29 =	sadd.s32 $0xA80, s13  }
0x11f: {  	[hbm4b:s30+s3] =	stream.linear.scatter [tilespmem:s29], [sflag:$0x1], $0x80, $0x38;
	[tilespmem:$0xC80] =	vst v63  }
0x120: {  	s31 =	sadd.s32 $0x7D0, s12;
	s14 =	spop (v2sf);
	s13 =	sadd.s32 $0xB80, s13  }
0x121: {  	[hbm4b:s31+s3] =	stream.linear.scatter [tilespmem:s13], [sflag:$0x1], $0x80, $0x38;
	[tilespmem:$0xC80] =	vst v63  }
0x122: {  	s15 =	sshll.u32 s14, $0xA;
	s13 =	sshll.u32 s14, $0x7  }
0x123: {  	s14 =	sand.u32 $0xFFFFF800, s15;
	s13 =	sand.u32 $0x80, s13  }
0x124: {  	(v2sf) =	vpush v0, $0xF;
	s13 =	sor.u32 s13, s14  }
0x125: {  	s16 =	sadd.s32 $0x460, s12;
	s17 =	sadd.s32 $0x480, s13  }
0x126: {  	[hbm4b:s16+s3] =	stream.linear.scatter [tilespmem:s17], [sflag:$0x1], $0x80, $0x38;
	[tilespmem:$0xC80] =	vst v63  }
0x127: {  	s19 =	sadd.s32 $0x4E0, s12;
	s18 =	sadd.s32 $0x580, s13  }
0x128: {  	[hbm4b:s19+s3] =	stream.linear.scatter [tilespmem:s18], [sflag:$0x1], $0x80, $0x38;
	[tilespmem:$0xC80] =	vst v63  }
0x129: {  	s21 =	sadd.s32 $0x560, s12;
	s20 =	sadd.s32 $0x680, s13  }
0x12a: {  	[hbm4b:s21+s3] =	stream.linear.scatter [tilespmem:s20], [sflag:$0x1], $0x80, $0x38;
	[tilespmem:$0xC80] =	vst v63  }
0x12b: {  	s23 =	sadd.s32 $0x5E0, s12;
	s22 =	sadd.s32 $0x780, s13  }
0x12c: {  	[hbm4b:s23+s3] =	stream.linear.scatter [tilespmem:s22], [sflag:$0x1], $0x80, $0x38;
	[tilespmem:$0xC80] =	vst v63  }
0x12d: {  	s25 =	sadd.s32 $0x660, s12;
	s24 =	sadd.s32 $0x880, s13  }
0x12e: {  	[hbm4b:s25+s3] =	stream.linear.scatter [tilespmem:s24], [sflag:$0x1], $0x80, $0x38;
	[tilespmem:$0xC80] =	vst v63  }
0x12f: {  	s28 =	sadd.s32 $0x6E0, s12;
	s26 =	sadd.s32 $0x980, s13  }
0x130: {  	[hbm4b:s28+s3] =	stream.linear.scatter [tilespmem:s26], [sflag:$0x1], $0x80, $0x38;
	[tilespmem:$0xC80] =	vst v63  }
0x131: {  	s30 =	sadd.s32 $0x760, s12;
	s29 =	sadd.s32 $0xA80, s13  }
0x132: {  	[hbm4b:s30+s3] =	stream.linear.scatter [tilespmem:s29], [sflag:$0x1], $0x80, $0x38;
	[tilespmem:$0xC80] =	vst v63  }
0x133: {  	s31 =	sadd.s32 $0x7E0, s12;
	s14 =	spop (v2sf);
	s13 =	sadd.s32 $0xB80, s13  }
0x134: {  	[hbm4b:s31+s3] =	stream.linear.scatter [tilespmem:s13], [sflag:$0x1], $0x80, $0x38;
	[tilespmem:$0xC80] =	vst v63  }
0x135: {  	s15 =	sshll.u32 s14, $0xA;
	s13 =	sshll.u32 s14, $0x7  }
0x136: {  	s14 =	sand.u32 $0xFFFFF800, s15;
	s13 =	sand.u32 $0x80, s13  }
0x137: {  	s13 =	sor.u32 s13, s14  }
0x138: {  	s16 =	sadd.s32 $0x470, s12;
	s17 =	sadd.s32 $0x480, s13  }
0x139: {  	[hbm4b:s16+s3] =	stream.linear.scatter [tilespmem:s17], [sflag:$0x1], $0x80, $0x38;
	[tilespmem:$0xC80] =	vst v63  }
0x13a: {  	s19 =	sadd.s32 $0x4F0, s12;
	s18 =	sadd.s32 $0x580, s13  }
0x13b: {  	[hbm4b:s19+s3] =	stream.linear.scatter [tilespmem:s18], [sflag:$0x1], $0x80, $0x38;
	[tilespmem:$0xC80] =	vst v63  }
0x13c: {  	s21 =	sadd.s32 $0x570, s12;
	s20 =	sadd.s32 $0x680, s13  }
0x13d: {  	[hbm4b:s21+s3] =	stream.linear.scatter [tilespmem:s20], [sflag:$0x1], $0x80, $0x38;
	[tilespmem:$0xC80] =	vst v63  }
0x13e: {  	s23 =	sadd.s32 $0x5F0, s12;
	s22 =	sadd.s32 $0x780, s13  }
0x13f: {  	[hbm4b:s23+s3] =	stream.linear.scatter [tilespmem:s22], [sflag:$0x1], $0x80, $0x38;
	[tilespmem:$0xC80] =	vst v63  }
0x140: {  	s25 =	sadd.s32 $0x670, s12;
	s24 =	sadd.s32 $0x880, s13  }
0x141: {  	[hbm4b:s25+s3] =	stream.linear.scatter [tilespmem:s24], [sflag:$0x1], $0x80, $0x38;
	[tilespmem:$0xC80] =	vst v63  }
0x142: {  	s28 =	sadd.s32 $0x6F0, s12;
	s26 =	sadd.s32 $0x980, s13  }
0x143: {  	[hbm4b:s28+s3] =	stream.linear.scatter [tilespmem:s26], [sflag:$0x1], $0x80, $0x38;
	[tilespmem:$0xC80] =	vst v63  }
0x144: {  	s30 =	sadd.s32 $0x770, s12;
	s29 =	sadd.s32 $0xA80, s13  }
0x145: {  	[hbm4b:s30+s3] =	stream.linear.scatter [tilespmem:s29], [sflag:$0x1], $0x80, $0x38;
	[tilespmem:$0xC80] =	vst v63  }
0x146: {  	p0 =	slt.u32 s11, $0x3;
	s12 =	sadd.s32 $0x7F0, s12;
	s13 =	sadd.s32 $0xB80, s13  }
0x147: {  	[hbm4b:s12+s3] =	stream.linear.scatter [tilespmem:s13], [sflag:$0x1], $0x80, $0x38;
	[tilespmem:$0xC80] =	vst v63  }
0x148: {  	s12 =	simm.s32 @!p0 $0x1  }
0x149: {  	_ =	swait.ge @!p0 [sflag:s12], $0x400  }
0x14a: {  	[sflag:s12] =	ssyncset.done @!p0 $0x0  }
0x14b: {  	[sflag:s12] =	ssyncadd.s32 @!p0 $0xFFFFFC00  }
0x14c: {  	_ =	swait.ge @!p0 [sflag:s12], $0x400  }
0x14d: {  	[sflag:s12] =	ssyncset.done @!p0 $0x0  }
0x14e: {  	[sflag:s12] =	ssyncadd.s32 @!p0 $0xFFFFFC00  }
0x14f: {  	_ =	swait.ge @!p0 [sflag:s12], $0x400  }
0x150: {  	[sflag:s12] =	ssyncset.done @!p0 $0x0  }
0x151: {  	[sflag:s12] =	ssyncadd.s32 @!p0 $0xFFFFFC00  }
0x152: {  	_ =	swait.ge @!p0 [sflag:s12], $0x400  }
0x153: {  	[sflag:s12] =	ssyncset.done @!p0 $0x0  }
0x154: {  	[sflag:s12] =	ssyncadd.s32 @!p0 $0xFFFFFC00  }
0x155: {  	_ =	swait.ge @!p0 [sflag:s12], $0x400  }
0x156: {  	[sflag:s12] =	ssyncset.done @!p0 $0x0  }
0x157: {  	[sflag:s12] =	ssyncadd.s32 @!p0 $0xFFFFFC00  }
0x158: {  	_ =	swait.ge @!p0 [sflag:s12], $0x400  }
0x159: {  	[sflag:s12] =	ssyncset.done @!p0 $0x0  }
0x15a: {  	[sflag:s12] =	ssyncadd.s32 @!p0 $0xFFFFFC00  }
0x15b: {  	_ =	swait.ge @!p0 [sflag:s12], $0x400  }
0x15c: {  	[sflag:s12] =	ssyncset.done @!p0 $0x0  }
0x15d: {  	[sflag:s12] =	ssyncadd.s32 @!p0 $0xFFFFFC00  }
0x15e: {  	_ =	swait.ge @!p0 [sflag:s12], $0x400  }
0x15f: {  	[sflag:s12] =	ssyncset.done @!p0 $0x0  }
0x160: {  	[sflag:s12] =	ssyncadd.s32 @!p0 $0xFFFFFC00  }
0x161: {  	_ =	swait.ge @!p0 [sflag:s12], $0x400  }
0x162: {  	[sflag:s12] =	ssyncset.done @!p0 $0x0  }
0x163: {  	[sflag:s12] =	ssyncadd.s32 @!p0 $0xFFFFFC00  }
0x164: {  	_ =	swait.ge @!p0 [sflag:s12], $0x400  }
0x165: {  	[sflag:s12] =	ssyncset.done @!p0 $0x0  }
0x166: {  	[sflag:s12] =	ssyncadd.s32 @!p0 $0xFFFFFC00  }
0x167: {  	_ =	swait.ge @!p0 [sflag:s12], $0x400  }
0x168: {  	[sflag:s12] =	ssyncset.done @!p0 $0x0  }
0x169: {  	[sflag:s12] =	ssyncadd.s32 @!p0 $0xFFFFFC00  }
0x16a: {  	_ =	swait.ge @!p0 [sflag:s12], $0x400  }
0x16b: {  	[sflag:s12] =	ssyncset.done @!p0 $0x0  }
0x16c: {  	[sflag:s12] =	ssyncadd.s32 @!p0 $0xFFFFFC00  }
0x16d: {  	_ =	swait.ge @!p0 [sflag:s12], $0x400  }
0x16e: {  	[sflag:s12] =	ssyncset.done @!p0 $0x0  }
0x16f: {  	[sflag:s12] =	ssyncadd.s32 @!p0 $0xFFFFFC00  }
0x170: {  	_ =	swait.ge @!p0 [sflag:s12], $0x400  }
0x171: {  	[sflag:s12] =	ssyncset.done @!p0 $0x0  }
0x172: {  	[sflag:s12] =	ssyncadd.s32 @!p0 $0xFFFFFC00  }
0x173: {  	_ =	swait.ge @!p0 [sflag:s12], $0x400  }
0x174: {  	[sflag:s12] =	ssyncset.done @!p0 $0x0  }
0x175: {  	[sflag:s12] =	ssyncadd.s32 @!p0 $0xFFFFFC00  }
0x176: {  	_ =	swait.ge @!p0 [sflag:s12], $0x400  }
0x177: {  	s10 =	sadd.s32 $0x800, s10;
	s31 =	rddreg [dreg:$0x5]  }
0x178: {  	p1 =	sne.s32 s31, s10  }
.Ltmp0:
0x179: {  	_ = 	snop;
	(pc) =	sbr.rel @p1 .LBB2_2-.Ltmp0, $3  }
0x17a: {  	_ =	sdelay $0x1  }
0x17b: {  	[sflag:s12] =	ssyncset.done @!p0 $0x0  }
0x17c: {  	s11 =	sadd.s32 $0x1, s11;
	s9 =	sadd.s32 $0x10, s9;
	[sflag:s12] =	ssyncadd.s32 @!p0 $0xFFFFFC00  }
0x17d: {  	_ =	swait.ge [sflag:s7], $0x400  }
0x17e: {  	[sflag:s7] =	ssyncset.done $0x0  }
0x17f: {  	[sflag:s7] =	ssyncadd.s32 $0xFFFFFC00  }
0x180: {  	_ =	swait.ge [sflag:s7], $0x400  }
0x181: {  	[sflag:s7] =	ssyncset.done $0x0  }
0x182: {  	[sflag:s7] =	ssyncadd.s32 $0xFFFFFC00  }
0x183: {  	_ =	swait.ge [sflag:s7], $0x400  }
0x184: {  	[sflag:s7] =	ssyncset.done $0x0  }
0x185: {  	[sflag:s7] =	ssyncadd.s32 $0xFFFFFC00  }
0x186: {  	_ =	swait.ge [sflag:s7], $0x400  }
0x187: {  	[sflag:s7] =	ssyncset.done $0x0  }
0x188: {  	[sflag:s7] =	ssyncadd.s32 $0xFFFFFC00  }
0x189: {  	_ =	swait.ge [sflag:s7], $0x400  }
0x18a: {  	[sflag:s7] =	ssyncset.done $0x0  }
0x18b: {  	[sflag:s7] =	ssyncadd.s32 $0xFFFFFC00  }
0x18c: {  	_ =	swait.ge [sflag:s7], $0x400  }
0x18d: {  	[sflag:s7] =	ssyncset.done $0x0  }
0x18e: {  	[sflag:s7] =	ssyncadd.s32 $0xFFFFFC00  }
0x18f: {  	_ =	swait.ge [sflag:s7], $0x400  }
0x190: {  	[sflag:s7] =	ssyncset.done $0x0  }
0x191: {  	[sflag:s7] =	ssyncadd.s32 $0xFFFFFC00  }
0x192: {  	_ =	swait.ge [sflag:s7], $0x400  }
0x193: {  	[sflag:s7] =	ssyncset.done $0x0  }
0x194: {  	[sflag:s7] =	ssyncadd.s32 $0xFFFFFC00  }
0x195: {  	_ =	swait.ge [sflag:s7], $0x400  }
0x196: {  	[sflag:s7] =	ssyncset.done $0x0  }
0x197: {  	[sflag:s7] =	ssyncadd.s32 $0xFFFFFC00  }
0x198: {  	_ =	swait.ge [sflag:s7], $0x400  }
0x199: {  	[sflag:s7] =	ssyncset.done $0x0  }
0x19a: {  	[sflag:s7] =	ssyncadd.s32 $0xFFFFFC00  }
0x19b: {  	_ =	swait.ge [sflag:s7], $0x400  }
0x19c: {  	[sflag:s7] =	ssyncset.done $0x0  }
0x19d: {  	[sflag:s7] =	ssyncadd.s32 $0xFFFFFC00  }
0x19e: {  	_ =	swait.ge [sflag:s7], $0x400  }
0x19f: {  	[sflag:s7] =	ssyncset.done $0x0  }
0x1a0: {  	[sflag:s7] =	ssyncadd.s32 $0xFFFFFC00  }
0x1a1: {  	_ =	swait.ge [sflag:s7], $0x400  }
0x1a2: {  	[sflag:s7] =	ssyncset.done $0x0  }
0x1a3: {  	[sflag:s7] =	ssyncadd.s32 $0xFFFFFC00  }
0x1a4: {  	_ =	swait.ge [sflag:s7], $0x400  }
0x1a5: {  	[sflag:s7] =	ssyncset.done $0x0  }
0x1a6: {  	[sflag:s7] =	ssyncadd.s32 $0xFFFFFC00  }
0x1a7: {  	_ =	swait.ge [sflag:s7], $0x400  }
0x1a8: {  	[sflag:s7] =	ssyncset.done $0x0  }
0x1a9: {  	[sflag:s7] =	ssyncadd.s32 $0xFFFFFC00  }
0x1aa: {  	_ =	swait.ge [sflag:s7], $0x400  }
0x1ab: {  	[sflag:s7] =	ssyncset.done $0x0  }
0x1ac: {  	[sflag:s7] =	ssyncadd.s32 $0xFFFFFC00  }
0x1ad: {  	_ =	swait.ge [sflag:s7], $0x400  }
0x1ae: {  	[sflag:s7] =	ssyncset.done $0x0  }
0x1af: {  	[sflag:s7] =	ssyncadd.s32 $0xFFFFFC00  }
0x1b0: {  	_ =	swait.ge [sflag:s7], $0x400  }
0x1b1: {  	[sflag:s7] =	ssyncset.done $0x0  }
0x1b2: {  	[sflag:s7] =	ssyncadd.s32 $0xFFFFFC00  }
0x1b3: {  	_ =	swait.ge [sflag:s7], $0x400  }
0x1b4: {  	[sflag:s7] =	ssyncset.done $0x0  }
0x1b5: {  	[sflag:s7] =	ssyncadd.s32 $0xFFFFFC00  }
0x1b6: {  	_ =	swait.ge [sflag:s7], $0x400  }
0x1b7: {  	[sflag:s7] =	ssyncset.done $0x0  }
0x1b8: {  	[sflag:s7] =	ssyncadd.s32 $0xFFFFFC00  }
0x1b9: {  	_ =	swait.ge [sflag:s7], $0x400  }
0x1ba: {  	[sflag:s7] =	ssyncset.done $0x0  }
0x1bb: {  	[sflag:s7] =	ssyncadd.s32 $0xFFFFFC00  }
0x1bc: {  	_ =	swait.ge [sflag:s7], $0x400  }
0x1bd: {  	[sflag:s7] =	ssyncset.done $0x0  }
0x1be: {  	[sflag:s7] =	ssyncadd.s32 $0xFFFFFC00  }
0x1bf: {  	_ =	swait.ge [sflag:s7], $0x400  }
0x1c0: {  	[sflag:s7] =	ssyncset.done $0x0  }
0x1c1: {  	[sflag:s7] =	ssyncadd.s32 $0xFFFFFC00  }
0x1c2: {  	_ =	swait.ge [sflag:s7], $0x400  }
0x1c3: {  	[sflag:s7] =	ssyncset.done $0x0  }
0x1c4: {  	[sflag:s7] =	ssyncadd.s32 $0xFFFFFC00  }
0x1c5: {  	_ =	swait.ge [sflag:s7], $0x400  }
0x1c6: {  	[sflag:s7] =	ssyncset.done $0x0  }
0x1c7: {  	[sflag:s7] =	ssyncadd.s32 $0xFFFFFC00  }
0x1c8: {  	_ =	swait.ge [sflag:s7], $0x400  }
0x1c9: {  	[sflag:s7] =	ssyncset.done $0x0  }
0x1ca: {  	[sflag:s7] =	ssyncadd.s32 $0xFFFFFC00  }
0x1cb: {  	_ =	swait.ge [sflag:s7], $0x400  }
0x1cc: {  	[sflag:s7] =	ssyncset.done $0x0  }
0x1cd: {  	[sflag:s7] =	ssyncadd.s32 $0xFFFFFC00  }
0x1ce: {  	_ =	swait.ge [sflag:s7], $0x400  }
0x1cf: {  	[sflag:s7] =	ssyncset.done $0x0  }
0x1d0: {  	[sflag:s7] =	ssyncadd.s32 $0xFFFFFC00  }
0x1d1: {  	_ =	swait.ge [sflag:s7], $0x400  }
0x1d2: {  	[sflag:s7] =	ssyncset.done $0x0  }
0x1d3: {  	[sflag:s7] =	ssyncadd.s32 $0xFFFFFC00  }
0x1d4: {  	_ =	swait.ge [sflag:s7], $0x400  }
0x1d5: {  	[sflag:s7] =	ssyncset.done $0x0  }
0x1d6: {  	[sflag:s7] =	ssyncadd.s32 $0xFFFFFC00  }
0x1d7: {  	_ =	swait.ge [sflag:s7], $0x400  }
0x1d8: {  	[sflag:s7] =	ssyncset.done $0x0  }
0x1d9: {  	[sflag:s7] =	ssyncadd.s32 $0xFFFFFC00  }
0x1da: {  	_ =	swait.ge [sflag:s7], $0x400  }
0x1db: {  	[sflag:s7] =	ssyncset.done $0x0  }
0x1dc: {  	[sflag:s7] =	ssyncadd.s32 $0xFFFFFC00  }
0x1dd: {  	_ =	swait.ge [sflag:s7], $0x400  }
0x1de: {  	[sflag:s7] =	ssyncset.done $0x0  }
0x1df: {  	[sflag:s7] =	ssyncadd.s32 $0xFFFFFC00  }
0x1e0: {  	_ =	swait.ge [sflag:s7], $0x400  }
0x1e1: {  	[sflag:s7] =	ssyncset.done $0x0  }
0x1e2: {  	[sflag:s7] =	ssyncadd.s32 $0xFFFFFC00  }
0x1e3: {  	_ =	swait.ge [sflag:s7], $0x400  }
0x1e4: {  	[sflag:s7] =	ssyncset.done $0x0  }
0x1e5: {  	[sflag:s7] =	ssyncadd.s32 $0xFFFFFC00  }
0x1e6: {  	_ =	swait.ge [sflag:s7], $0x400  }
0x1e7: {  	[sflag:s7] =	ssyncset.done $0x0  }
0x1e8: {  	[sflag:s7] =	ssyncadd.s32 $0xFFFFFC00  }
0x1e9: {  	_ =	swait.ge [sflag:s7], $0x400  }
0x1ea: {  	[sflag:s7] =	ssyncset.done $0x0  }
0x1eb: {  	[sflag:s7] =	ssyncadd.s32 $0xFFFFFC00  }
0x1ec: {  	_ =	swait.ge [sflag:s7], $0x400  }
0x1ed: {  	[sflag:s7] =	ssyncset.done $0x0  }
0x1ee: {  	[sflag:s7] =	ssyncadd.s32 $0xFFFFFC00  }
0x1ef: {  	_ =	swait.ge [sflag:s7], $0x400  }
0x1f0: {  	[sflag:s7] =	ssyncset.done $0x0  }
0x1f1: {  	[sflag:s7] =	ssyncadd.s32 $0xFFFFFC00  }
0x1f2: {  	_ =	swait.ge [sflag:s7], $0x400  }
0x1f3: {  	[sflag:s7] =	ssyncset.done $0x0  }
0x1f4: {  	[sflag:s7] =	ssyncadd.s32 $0xFFFFFC00  }
0x1f5: {  	_ =	swait.ge [sflag:s7], $0x400  }
0x1f6: {  	[sflag:s7] =	ssyncset.done $0x0  }
0x1f7: {  	[sflag:s7] =	ssyncadd.s32 $0xFFFFFC00  }
0x1f8: {  	_ =	swait.ge [sflag:s7], $0x400  }
0x1f9: {  	[sflag:s7] =	ssyncset.done $0x0  }
0x1fa: {  	[sflag:s7] =	ssyncadd.s32 $0xFFFFFC00  }
0x1fb: {  	_ =	swait.ge [sflag:s7], $0x400  }
0x1fc: {  	[sflag:s7] =	ssyncset.done $0x0  }
0x1fd: {  	[sflag:s7] =	ssyncadd.s32 $0xFFFFFC00  }
0x1fe: {  	_ =	swait.ge [sflag:s7], $0x400  }
0x1ff: {  	[sflag:s7] =	ssyncset.done $0x0  }
0x200: {  	[sflag:s7] =	ssyncadd.s32 $0xFFFFFC00  }
0x201: {  	_ =	swait.ge [sflag:s7], $0x400  }
0x202: {  	[sflag:s7] =	ssyncset.done $0x0  }
0x203: {  	[sflag:s7] =	ssyncadd.s32 $0xFFFFFC00  }
0x204: {  	_ =	swait.ge [sflag:s7], $0x400  }
0x205: {  	[sflag:s7] =	ssyncset.done $0x0  }
0x206: {  	s8 =	sadd.s32 $0x1, s8;
	[sflag:s7] =	ssyncadd.s32 $0xFFFFFC00  }
0x207: {  	p0 =	sne.s32 s8, s5;
	_ =	swait.ge [sflag:s7], $0x400  }
.Ltmp1:
0x208: {  	[sflag:s7] =	ssyncset.done $0x0;
	(pc) =	sbr.rel @p0 .LBB2_1-.Ltmp1, $4  }
0x209: {  	[sflag:s7] =	ssyncadd.s32 $0xFFFFFC00  }
0x20a: {  	_ =	swait.ge [sflag:s7], $0x400  }
0x20b: {  	[sflag:s7] =	ssyncset.done $0x0  }
0x20c: {  	[sflag:s7] =	ssyncadd.s32 $0xFFFFFC00  }
0x20d: {  	_ =	sfence.sel $0x180000  }
0x20e: {  	[bflag:$0x0] =	sbarrier.arrive $0xFFFF  }
0x20f: {  	p0 =	sne.s32 s2, $0x0;
	_ =	strace $0x90000047  }
0x210: {  	s0 =	sadd.s32 @!p0 $0x100000, s0;
	[bflag:$0x2] =	sbarrier.arrive $0xFFFF  }
0x211: {  	[sflag:s0] =	ssyncadd.tile.s32 @!p0 $0x1;
	_ =	shalt  }
.Lfunc_end2:
_tile_overlayer_lowered:
.L_overlay_start_2:
0x212: {  	(tag) =	ssettag $0x2  }
0x213: {  	s0 =	rddreg [dreg:$0x0];
	s2 =	stileid.u32  }
0x214: {  	s1 =	rddreg [dreg:$0x1];
	p0 =	sne.s32 s2, $0x0  }
0x215: {  	s3 =	rddreg [dreg:$0x2];
	[bflag:$0x3] =	sbarrier.arrive $0xFFFF;
	s2 =	simm.s32 @!p0 $0x1C02  }
0x216: {  	[timem:s3], [sflag:s2] =	dma.local @!p0 [hbm:s0], s1  }
0x217: {  	s0 =	simm.s32 @!p0 $0x2  }
0x218: {  	_ =	swait.ge @!p0 [sflag:s0], s1  }
0x219: {  	s1 =	ssub.s32 @!p0 $0x0, s1;
	[sflag:s0] =	ssyncset.done @!p0 $0x0  }
0x21a: {  	[sflag:s0] =	ssyncadd.s32 @!p0 s1  }
0x21b: {  	[bflag:$0x3] =	sbarrier.arrive $0xFFFF  }
0x21c: {  	_ =	shalt  }

</sc_bundles>
